<compile_context>
chip_gen: v7x
topology: tpu7x:2x2x1
jax: 0.10.2.dev20260603
libtpu: 0.0.44.dev20260713+nightly
codegen_flags: <defaults>
</compile_context>

<pallas_src>
import functools

import jax
import jax.numpy as jnp
from jax import lax
from jax.experimental import pallas as pl
from jax.experimental.pallas import tpu as pltpu
from jax.experimental.pallas import tpu_sc as plsc

B, S, C = 32, 32768, 64
K = 8
LANES = 16
NGROUPS = C // LANES
CHUNK = 256
NCHUNKS = S // CHUNK
RBLK = 8
NBLKS = CHUNK // RBLK

_info = plsc.get_sparse_core_info()
NC, NS = _info.num_cores, _info.num_subcores


_SORT8 = [
    (0, 1), (2, 3), (4, 5), (6, 7),
    (0, 2), (1, 3), (4, 6), (5, 7),
    (1, 2), (5, 6),
    (0, 4), (1, 5), (2, 6), (3, 7),
    (2, 4), (3, 5),
    (1, 2), (3, 4), (5, 6),
]

_BITONIC8 = [
    (0, 4), (1, 5), (2, 6), (3, 7),
    (0, 2), (1, 3), (4, 6), (5, 7),
    (0, 1), (2, 3), (4, 5), (6, 7),
]


def _merge_block(state, vs):
    v = list(vs)
    for i, j in _SORT8:
        hi = jnp.maximum(v[i], v[j])
        lo = jnp.minimum(v[i], v[j])
        v[i], v[j] = hi, lo
    z = [jnp.maximum(state[i], v[K - 1 - i]) for i in range(K)]
    for i, j in _BITONIC8:
        hi = jnp.maximum(z[i], z[j])
        lo = jnp.minimum(z[i], z[j])
        z[i], z[j] = hi, lo
    return tuple(z)


def _treemax(vs):
    while len(vs) > 1:
        vs = [jnp.maximum(vs[i], vs[i + 1]) for i in range(0, len(vs) - 1, 2)] + (
            [vs[-1]] if len(vs) % 2 else []
        )
    return vs[0]


@functools.partial(
    pl.kernel,
    mesh=plsc.VectorSubcoreMesh(core_axis_name="c", subcore_axis_name="s"),
    out_type=jax.ShapeDtypeStruct((B, K, C), jnp.float32),
    compiler_params=pltpu.CompilerParams(needs_layout_passes=False),
    scratch_types=[
        pltpu.VMEM((CHUNK, C), jnp.float32),
        pltpu.VMEM((CHUNK, C), jnp.float32),
        pltpu.VMEM((K, C), jnp.float32),
        pltpu.SemaphoreType.DMA,
        pltpu.SemaphoreType.DMA,
    ],
)
def _topk_sc(x_hbm, out_hbm, buf0, buf1, outb, sem0, sem1):
    cid = lax.axis_index("c")
    sid = lax.axis_index("s")
    b = sid * NC + cid

    bufs = (buf0, buf1)
    sems = (sem0, sem1)

    def copy(ci, slot):
        return pltpu.make_async_copy(
            x_hbm.at[b, pl.ds(ci * CHUNK, CHUNK)], bufs[slot], sems[slot]
        )

    init = tuple(
        jnp.full((LANES,), -jnp.inf, jnp.float32) for _ in range(K * NGROUPS)
    )

    def screen_and_merge(buf, r0, g, sg):
        vs = [buf[r0 + r, pl.ds(g * LANES, LANES)] for r in range(RBLK)]
        bmax = _treemax(list(vs))
        cnt = plsc.all_reduce_population_count(bmax > sg[K - 1])
        pred = cnt[0] > 0

        def do(ops):
            return _merge_block(tuple(ops[:K]), tuple(ops[K:]))

        def skip(ops):
            return tuple(ops[:K])

        return lax.cond(pred, do, skip, tuple(sg) + tuple(vs))

    UNROLL = 2

    def process(buf, state):
        def blk_body(bi, st):
            r0 = bi * UNROLL * RBLK
            new_st = []
            for g in range(NGROUPS):
                sg = st[g * K:(g + 1) * K]
                for u in range(UNROLL):
                    sg = screen_and_merge(buf, r0 + u * RBLK, g, sg)
                new_st.extend(sg)
            return tuple(new_st)

        return lax.fori_loop(0, NBLKS // UNROLL, blk_body, state)

    copy(0, 0).start()

    def pair_body(i, state):
        ci = 2 * i
        copy(ci, 0).wait()
        copy(ci + 1, 1).start()
        state = process(buf0, state)
        copy(ci + 1, 1).wait()

        @pl.when(ci + 2 < NCHUNKS)
        def _():
            copy(ci + 2, 0).start()

        return process(buf1, state)

    final = lax.fori_loop(0, NCHUNKS // 2, pair_body, init)

    for g in range(NGROUPS):
        for j in range(K):
            outb[j, pl.ds(g * LANES, LANES)] = final[g * K + j]
    pltpu.sync_copy(outb, out_hbm.at[b])


def kernel(x):
    return _topk_sc(x)

# --- scband reference (transcript-rebuilt; emitter-appended) ---
"""Pipeline reference for scband-kmax-pooling-16449724744265 (READ-ONLY COPY).

The authoritative reference and input builder live on the scoring server;
editing this copy changes nothing except your own understanding.
"""

import jax, jax.numpy as jnp
import numpy as np

K = 8
AXIS = 1
TRANSPOSE_PERM = (0, 2, 1)  # axis=1 -> swap dims 1 and 2


def setup_inputs(seed: int = 0) -> dict:
    key = jax.random.key(seed)
    x = jax.random.normal(key, (32, 32768, 64), dtype=jnp.float32)
    return {"x": x}


def reference(x):
    # KMaxPooling.call: transpose so target axis is last, top_k, transpose back
    transposed_for_topk = jnp.transpose(x, TRANSPOSE_PERM)          # (B, C, S)
    top_k_vals, _ = jax.lax.top_k(transposed_for_topk, K)            # (B, C, k), sorted desc
    transposed_back = jnp.transpose(top_k_vals, TRANSPOSE_PERM)      # (B, k, C)
    return transposed_back

if __name__ == "__main__":
    import jax
    _d = setup_inputs()
    print(jax.jit(kernel)(*tuple(_d.values())))

</pallas_src>

<mosaic_0001>
#map = affine_map<(d0, d1) -> (0, 0, 0)>
module attributes {stable_mosaic.version = 14 : i64} {
  func.func @_topk_sc(%arg0: i32, %arg1: i32, %arg2: memref<32x32768x64xf32, #tpu.memory_space<hbm>>, %arg3: memref<32x8x64xf32, #tpu.memory_space<hbm>>, %arg4: memref<256x64xf32, #tpu.memory_space<vmem>>, %arg5: memref<256x64xf32, #tpu.memory_space<vmem>>, %arg6: memref<8x64xf32, #tpu.memory_space<vmem>>, %arg7: memref<!tpu.dma_semaphore, #tpu.memory_space<semaphore_mem>>, %arg8: memref<!tpu.dma_semaphore, #tpu.memory_space<semaphore_mem>>) attributes {dimension_semantics = [#tpu.dimension_semantics<core_parallel>, #tpu.dimension_semantics<subcore_parallel>], iteration_bounds = array<i64: 2, 16>, scalar_prefetch = 0 : i64, scratch_operands = 5 : i64, tpu.core_type = #tpu.core_type<sc_vector_subcore>, window_params = [{transform_indices = #map}, {transform_indices = #map}]} {
    %mul3A = arith.constant 2 : i32
    %mul3A_0 = arith.muli %arg1, %mul3A : i32
    %add3A = arith.addi %mul3A_0, %arg0 : i32
    %broadcast_in_dim3A = arith.constant 0xFF800000 : f32
    %broadcast_in_dim3A_1 = vector.broadcast %broadcast_in_dim3A : f32 to vector<16xf32>
    %broadcast_in_dim3A_2 = arith.constant 0xFF800000 : f32
    %broadcast_in_dim3A_3 = vector.broadcast %broadcast_in_dim3A_2 : f32 to vector<16xf32>
    %broadcast_in_dim3A_4 = arith.constant 0xFF800000 : f32
    %broadcast_in_dim3A_5 = vector.broadcast %broadcast_in_dim3A_4 : f32 to vector<16xf32>
    %broadcast_in_dim3A_6 = arith.constant 0xFF800000 : f32
    %broadcast_in_dim3A_7 = vector.broadcast %broadcast_in_dim3A_6 : f32 to vector<16xf32>
    %broadcast_in_dim3A_8 = arith.constant 0xFF800000 : f32
    %broadcast_in_dim3A_9 = vector.broadcast %broadcast_in_dim3A_8 : f32 to vector<16xf32>
    %broadcast_in_dim3A_10 = arith.constant 0xFF800000 : f32
    %broadcast_in_dim3A_11 = vector.broadcast %broadcast_in_dim3A_10 : f32 to vector<16xf32>
    %broadcast_in_dim3A_12 = arith.constant 0xFF800000 : f32
    %broadcast_in_dim3A_13 = vector.broadcast %broadcast_in_dim3A_12 : f32 to vector<16xf32>
    %broadcast_in_dim3A_14 = arith.constant 0xFF800000 : f32
    %broadcast_in_dim3A_15 = vector.broadcast %broadcast_in_dim3A_14 : f32 to vector<16xf32>
    %broadcast_in_dim3A_16 = arith.constant 0xFF800000 : f32
    %broadcast_in_dim3A_17 = vector.broadcast %broadcast_in_dim3A_16 : f32 to vector<16xf32>
    %broadcast_in_dim3A_18 = arith.constant 0xFF800000 : f32
    %broadcast_in_dim3A_19 = vector.broadcast %broadcast_in_dim3A_18 : f32 to vector<16xf32>
    %broadcast_in_dim3A_20 = arith.constant 0xFF800000 : f32
    %broadcast_in_dim3A_21 = vector.broadcast %broadcast_in_dim3A_20 : f32 to vector<16xf32>
    %broadcast_in_dim3A_22 = arith.constant 0xFF800000 : f32
    %broadcast_in_dim3A_23 = vector.broadcast %broadcast_in_dim3A_22 : f32 to vector<16xf32>
    %broadcast_in_dim3A_24 = arith.constant 0xFF800000 : f32
    %broadcast_in_dim3A_25 = vector.broadcast %broadcast_in_dim3A_24 : f32 to vector<16xf32>
    %broadcast_in_dim3A_26 = arith.constant 0xFF800000 : f32
    %broadcast_in_dim3A_27 = vector.broadcast %broadcast_in_dim3A_26 : f32 to vector<16xf32>
    %broadcast_in_dim3A_28 = arith.constant 0xFF800000 : f32
    %broadcast_in_dim3A_29 = vector.broadcast %broadcast_in_dim3A_28 : f32 to vector<16xf32>
    %broadcast_in_dim3A_30 = arith.constant 0xFF800000 : f32
    %broadcast_in_dim3A_31 = vector.broadcast %broadcast_in_dim3A_30 : f32 to vector<16xf32>
    %broadcast_in_dim3A_32 = arith.constant 0xFF800000 : f32
    %broadcast_in_dim3A_33 = vector.broadcast %broadcast_in_dim3A_32 : f32 to vector<16xf32>
    %broadcast_in_dim3A_34 = arith.constant 0xFF800000 : f32
    %broadcast_in_dim3A_35 = vector.broadcast %broadcast_in_dim3A_34 : f32 to vector<16xf32>
    %broadcast_in_dim3A_36 = arith.constant 0xFF800000 : f32
    %broadcast_in_dim3A_37 = vector.broadcast %broadcast_in_dim3A_36 : f32 to vector<16xf32>
    %broadcast_in_dim3A_38 = arith.constant 0xFF800000 : f32
    %broadcast_in_dim3A_39 = vector.broadcast %broadcast_in_dim3A_38 : f32 to vector<16xf32>
    %broadcast_in_dim3A_40 = arith.constant 0xFF800000 : f32
    %broadcast_in_dim3A_41 = vector.broadcast %broadcast_in_dim3A_40 : f32 to vector<16xf32>
    %broadcast_in_dim3A_42 = arith.constant 0xFF800000 : f32
    %broadcast_in_dim3A_43 = vector.broadcast %broadcast_in_dim3A_42 : f32 to vector<16xf32>
    %broadcast_in_dim3A_44 = arith.constant 0xFF800000 : f32
    %broadcast_in_dim3A_45 = vector.broadcast %broadcast_in_dim3A_44 : f32 to vector<16xf32>
    %broadcast_in_dim3A_46 = arith.constant 0xFF800000 : f32
    %broadcast_in_dim3A_47 = vector.broadcast %broadcast_in_dim3A_46 : f32 to vector<16xf32>
    %broadcast_in_dim3A_48 = arith.constant 0xFF800000 : f32
    %broadcast_in_dim3A_49 = vector.broadcast %broadcast_in_dim3A_48 : f32 to vector<16xf32>
    %broadcast_in_dim3A_50 = arith.constant 0xFF800000 : f32
    %broadcast_in_dim3A_51 = vector.broadcast %broadcast_in_dim3A_50 : f32 to vector<16xf32>
    %broadcast_in_dim3A_52 = arith.constant 0xFF800000 : f32
    %broadcast_in_dim3A_53 = vector.broadcast %broadcast_in_dim3A_52 : f32 to vector<16xf32>
    %broadcast_in_dim3A_54 = arith.constant 0xFF800000 : f32
    %broadcast_in_dim3A_55 = vector.broadcast %broadcast_in_dim3A_54 : f32 to vector<16xf32>
    %broadcast_in_dim3A_56 = arith.constant 0xFF800000 : f32
    %broadcast_in_dim3A_57 = vector.broadcast %broadcast_in_dim3A_56 : f32 to vector<16xf32>
    %broadcast_in_dim3A_58 = arith.constant 0xFF800000 : f32
    %broadcast_in_dim3A_59 = vector.broadcast %broadcast_in_dim3A_58 : f32 to vector<16xf32>
    %broadcast_in_dim3A_60 = arith.constant 0xFF800000 : f32
    %broadcast_in_dim3A_61 = vector.broadcast %broadcast_in_dim3A_60 : f32 to vector<16xf32>
    %broadcast_in_dim3A_62 = arith.constant 0xFF800000 : f32
    %broadcast_in_dim3A_63 = vector.broadcast %broadcast_in_dim3A_62 : f32 to vector<16xf32>
    %dma_start3A = arith.constant 0 : i32
    %dma_start3A_64 = arith.constant 0 : i32
    %dma_start3A_65 = tpu.memref_slice %arg2[%add3A, %dma_start3A, %dma_start3A_64] : memref<32x32768x64xf32, #tpu.memory_space<hbm>> -> memref<1x256x64xf32, #tpu.memory_space<hbm>>
    %dma_start3A_66 = tpu.memref_squeeze %dma_start3A_65 : memref<1x256x64xf32, #tpu.memory_space<hbm>> -> memref<256x64xf32, #tpu.memory_space<hbm>>
    %dma_start3A_67 = arith.constant 0 : i32
    %dma_start3A_68 = arith.constant 0 : i32
    %dma_start3A_69 = tpu.memref_slice %arg2[%add3A, %dma_start3A_67, %dma_start3A_68] : memref<32x32768x64xf32, #tpu.memory_space<hbm>> -> memref<1x256x64xf32, #tpu.memory_space<hbm>>
    %dma_start3A_70 = tpu.memref_squeeze %dma_start3A_69 : memref<1x256x64xf32, #tpu.memory_space<hbm>> -> memref<256x64xf32, #tpu.memory_space<hbm>>
    tpu.enqueue_dma source(%dma_start3A_70 : memref<256x64xf32, #tpu.memory_space<hbm>>) target(%arg4 : memref<256x64xf32, #tpu.memory_space<vmem>>) target_semaphore(%arg7 : memref<!tpu.dma_semaphore, #tpu.memory_space<semaphore_mem>>)
    %scan3A = arith.constant 0 : i32
    %scan3A_71 = arith.constant 64 : i32
    %scan3A_72 = arith.addi %scan3A, %scan3A_71 : i32
    %scan3A_73 = arith.constant 1 : i32
    %scan3A_74:32 = scf.for %scan3A_203 = %scan3A to %scan3A_72 step %scan3A_73 iter_args(%scan3A_204 = %broadcast_in_dim3A_1, %scan3A_205 = %broadcast_in_dim3A_3, %scan3A_206 = %broadcast_in_dim3A_5, %scan3A_207 = %broadcast_in_dim3A_7, %scan3A_208 = %broadcast_in_dim3A_9, %scan3A_209 = %broadcast_in_dim3A_11, %scan3A_210 = %broadcast_in_dim3A_13, %scan3A_211 = %broadcast_in_dim3A_15, %scan3A_212 = %broadcast_in_dim3A_17, %scan3A_213 = %broadcast_in_dim3A_19, %scan3A_214 = %broadcast_in_dim3A_21, %scan3A_215 = %broadcast_in_dim3A_23, %scan3A_216 = %broadcast_in_dim3A_25, %scan3A_217 = %broadcast_in_dim3A_27, %scan3A_218 = %broadcast_in_dim3A_29, %scan3A_219 = %broadcast_in_dim3A_31, %scan3A_220 = %broadcast_in_dim3A_33, %scan3A_221 = %broadcast_in_dim3A_35, %scan3A_222 = %broadcast_in_dim3A_37, %scan3A_223 = %broadcast_in_dim3A_39, %scan3A_224 = %broadcast_in_dim3A_41, %scan3A_225 = %broadcast_in_dim3A_43, %scan3A_226 = %broadcast_in_dim3A_45, %scan3A_227 = %broadcast_in_dim3A_47, %scan3A_228 = %broadcast_in_dim3A_49, %scan3A_229 = %broadcast_in_dim3A_51, %scan3A_230 = %broadcast_in_dim3A_53, %scan3A_231 = %broadcast_in_dim3A_55, %scan3A_232 = %broadcast_in_dim3A_57, %scan3A_233 = %broadcast_in_dim3A_59, %scan3A_234 = %broadcast_in_dim3A_61, %scan3A_235 = %broadcast_in_dim3A_63) -> (vector<16xf32>, vector<16xf32>, vector<16xf32>, vector<16xf32>, vector<16xf32>, vector<16xf32>, vector<16xf32>, vector<16xf32>, vector<16xf32>, vector<16xf32>, vector<16xf32>, vector<16xf32>, vector<16xf32>, vector<16xf32>, vector<16xf32>, vector<16xf32>, vector<16xf32>, vector<16xf32>, vector<16xf32>, vector<16xf32>, vector<16xf32>, vector<16xf32>, vector<16xf32>, vector<16xf32>, vector<16xf32>, vector<16xf32>, vector<16xf32>, vector<16xf32>, vector<16xf32>, vector<16xf32>, vector<16xf32>, vector<16xf32>)  : i32 {
      %mul3A_236 = arith.constant 2 : i32
      %mul3A_237 = arith.muli %mul3A_236, %scan3A_203 : i32
      %mul3A_238 = arith.constant 256 : i32
      %mul3A_239 = arith.muli %mul3A_237, %mul3A_238 : i32
      %dma_wait3A = arith.constant 0 : i32
      %dma_wait3A_240 = tpu.memref_slice %arg2[%add3A, %mul3A_239, %dma_wait3A] : memref<32x32768x64xf32, #tpu.memory_space<hbm>> -> memref<1x256x64xf32, #tpu.memory_space<hbm>>
      %dma_wait3A_241 = tpu.memref_squeeze %dma_wait3A_240 : memref<1x256x64xf32, #tpu.memory_space<hbm>> -> memref<256x64xf32, #tpu.memory_space<hbm>>
      %dma_wait3A_242 = arith.constant 0 : i32
      %dma_wait3A_243 = tpu.memref_slice %arg2[%add3A, %mul3A_239, %dma_wait3A_242] : memref<32x32768x64xf32, #tpu.memory_space<hbm>> -> memref<1x256x64xf32, #tpu.memory_space<hbm>>
      %dma_wait3A_244 = tpu.memref_squeeze %dma_wait3A_243 : memref<1x256x64xf32, #tpu.memory_space<hbm>> -> memref<256x64xf32, #tpu.memory_space<hbm>>
      tpu.wait_dma2 semaphore(%arg7 : memref<!tpu.dma_semaphore, #tpu.memory_space<semaphore_mem>>) src(%dma_wait3A_244 : memref<256x64xf32, #tpu.memory_space<hbm>>) dst(%arg4 : memref<256x64xf32, #tpu.memory_space<vmem>>)
      %add3A_245 = arith.constant 1 : i32
      %add3A_246 = arith.addi %mul3A_237, %add3A_245 : i32
      %mul3A_247 = arith.constant 256 : i32
      %mul3A_248 = arith.muli %add3A_246, %mul3A_247 : i32
      %dma_start3A_249 = arith.constant 0 : i32
      %dma_start3A_250 = tpu.memref_slice %arg2[%add3A, %mul3A_248, %dma_start3A_249] : memref<32x32768x64xf32, #tpu.memory_space<hbm>> -> memref<1x256x64xf32, #tpu.memory_space<hbm>>
      %dma_start3A_251 = tpu.memref_squeeze %dma_start3A_250 : memref<1x256x64xf32, #tpu.memory_space<hbm>> -> memref<256x64xf32, #tpu.memory_space<hbm>>
      %dma_start3A_252 = arith.constant 0 : i32
      %dma_start3A_253 = tpu.memref_slice %arg2[%add3A, %mul3A_248, %dma_start3A_252] : memref<32x32768x64xf32, #tpu.memory_space<hbm>> -> memref<1x256x64xf32, #tpu.memory_space<hbm>>
      %dma_start3A_254 = tpu.memref_squeeze %dma_start3A_253 : memref<1x256x64xf32, #tpu.memory_space<hbm>> -> memref<256x64xf32, #tpu.memory_space<hbm>>
      tpu.enqueue_dma source(%dma_start3A_254 : memref<256x64xf32, #tpu.memory_space<hbm>>) target(%arg5 : memref<256x64xf32, #tpu.memory_space<vmem>>) target_semaphore(%arg8 : memref<!tpu.dma_semaphore, #tpu.memory_space<semaphore_mem>>)
      %scan3A_255 = arith.constant 0 : i32
      %scan3A_256 = arith.constant 16 : i32
      %scan3A_257 = arith.addi %scan3A_255, %scan3A_256 : i32
      %scan3A_258 = arith.constant 1 : i32
      %scan3A_259:32 = scf.for %scan3A_281 = %scan3A_255 to %scan3A_257 step %scan3A_258 iter_args(%scan3A_282 = %scan3A_204, %scan3A_283 = %scan3A_205, %scan3A_284 = %scan3A_206, %scan3A_285 = %scan3A_207, %scan3A_286 = %scan3A_208, %scan3A_287 = %scan3A_209, %scan3A_288 = %scan3A_210, %scan3A_289 = %scan3A_211, %scan3A_290 = %scan3A_212, %scan3A_291 = %scan3A_213, %scan3A_292 = %scan3A_214, %scan3A_293 = %scan3A_215, %scan3A_294 = %scan3A_216, %scan3A_295 = %scan3A_217, %scan3A_296 = %scan3A_218, %scan3A_297 = %scan3A_219, %scan3A_298 = %scan3A_220, %scan3A_299 = %scan3A_221, %scan3A_300 = %scan3A_222, %scan3A_301 = %scan3A_223, %scan3A_302 = %scan3A_224, %scan3A_303 = %scan3A_225, %scan3A_304 = %scan3A_226, %scan3A_305 = %scan3A_227, %scan3A_306 = %scan3A_228, %scan3A_307 = %scan3A_229, %scan3A_308 = %scan3A_230, %scan3A_309 = %scan3A_231, %scan3A_310 = %scan3A_232, %scan3A_311 = %scan3A_233, %scan3A_312 = %scan3A_234, %scan3A_313 = %scan3A_235) -> (vector<16xf32>, vector<16xf32>, vector<16xf32>, vector<16xf32>, vector<16xf32>, vector<16xf32>, vector<16xf32>, vector<16xf32>, vector<16xf32>, vector<16xf32>, vector<16xf32>, vector<16xf32>, vector<16xf32>, vector<16xf32>, vector<16xf32>, vector<16xf32>, vector<16xf32>, vector<16xf32>, vector<16xf32>, vector<16xf32>, vector<16xf32>, vector<16xf32>, vector<16xf32>, vector<16xf32>, vector<16xf32>, vector<16xf32>, vector<16xf32>, vector<16xf32>, vector<16xf32>, vector<16xf32>, vector<16xf32>, vector<16xf32>)  : i32 {
        %mul3A_314 = arith.constant 2 : i32
        %mul3A_315 = arith.muli %scan3A_281, %mul3A_314 : i32
        %mul3A_316 = arith.constant 8 : i32
        %mul3A_317 = arith.muli %mul3A_315, %mul3A_316 : i32
        %add3A_318 = arith.constant 0 : i32
        %add3A_319 = arith.addi %mul3A_317, %add3A_318 : i32
        %add3A_320 = arith.constant 0 : i32
        %add3A_321 = arith.addi %add3A_319, %add3A_320 : i32
        %get3A = arith.index_cast %add3A_321 : i32 to index
        %get3A_322 = arith.constant 0 : index
        %get3A_323 = tpu.vector_load %arg4[%get3A, %get3A_322] {strides = array<i32>} : memref<256x64xf32, #tpu.memory_space<vmem>>, vector<16xf32>,
        %add3A_324 = arith.constant 1 : i32
        %add3A_325 = arith.addi %add3A_319, %add3A_324 : i32
        %get3A_326 = arith.index_cast %add3A_325 : i32 to index
        %get3A_327 = arith.constant 0 : index
        %get3A_328 = tpu.vector_load %arg4[%get3A_326, %get3A_327] {strides = array<i32>} : memref<256x64xf32, #tpu.memory_space<vmem>>, vector<16xf32>,
        %add3A_329 = arith.constant 2 : i32
        %add3A_330 = arith.addi %add3A_319, %add3A_329 : i32
        %get3A_331 = arith.index_cast %add3A_330 : i32 to index
        %get3A_332 = arith.constant 0 : index
        %get3A_333 = tpu.vector_load %arg4[%get3A_331, %get3A_332] {strides = array<i32>} : memref<256x64xf32, #tpu.memory_space<vmem>>, vector<16xf32>,
        %add3A_334 = arith.constant 3 : i32
        %add3A_335 = arith.addi %add3A_319, %add3A_334 : i32
        %get3A_336 = arith.index_cast %add3A_335 : i32 to index
        %get3A_337 = arith.constant 0 : index
        %get3A_338 = tpu.vector_load %arg4[%get3A_336, %get3A_337] {strides = array<i32>} : memref<256x64xf32, #tpu.memory_space<vmem>>, vector<16xf32>,
        %add3A_339 = arith.constant 4 : i32
        %add3A_340 = arith.addi %add3A_319, %add3A_339 : i32
        %get3A_341 = arith.index_cast %add3A_340 : i32 to index
        %get3A_342 = arith.constant 0 : index
        %get3A_343 = tpu.vector_load %arg4[%get3A_341, %get3A_342] {strides = array<i32>} : memref<256x64xf32, #tpu.memory_space<vmem>>, vector<16xf32>,
        %add3A_344 = arith.constant 5 : i32
        %add3A_345 = arith.addi %add3A_319, %add3A_344 : i32
        %get3A_346 = arith.index_cast %add3A_345 : i32 to index
        %get3A_347 = arith.constant 0 : index
        %get3A_348 = tpu.vector_load %arg4[%get3A_346, %get3A_347] {strides = array<i32>} : memref<256x64xf32, #tpu.memory_space<vmem>>, vector<16xf32>,
        %add3A_349 = arith.constant 6 : i32
        %add3A_350 = arith.addi %add3A_319, %add3A_349 : i32
        %get3A_351 = arith.index_cast %add3A_350 : i32 to index
        %get3A_352 = arith.constant 0 : index
        %get3A_353 = tpu.vector_load %arg4[%get3A_351, %get3A_352] {strides = array<i32>} : memref<256x64xf32, #tpu.memory_space<vmem>>, vector<16xf32>,
        %add3A_354 = arith.constant 7 : i32
        %add3A_355 = arith.addi %add3A_319, %add3A_354 : i32
        %get3A_356 = arith.index_cast %add3A_355 : i32 to index
        %get3A_357 = arith.constant 0 : index
        %get3A_358 = tpu.vector_load %arg4[%get3A_356, %get3A_357] {strides = array<i32>} : memref<256x64xf32, #tpu.memory_space<vmem>>, vector<16xf32>,
        %max3A = arith.maximumf %get3A_323, %get3A_328 : vector<16xf32>
        %max3A_359 = arith.maximumf %get3A_333, %get3A_338 : vector<16xf32>
        %max3A_360 = arith.maximumf %get3A_343, %get3A_348 : vector<16xf32>
        %max3A_361 = arith.maximumf %get3A_353, %get3A_358 : vector<16xf32>
        %max3A_362 = arith.maximumf %max3A, %max3A_359 : vector<16xf32>
        %max3A_363 = arith.maximumf %max3A_360, %max3A_361 : vector<16xf32>
        %max3A_364 = arith.maximumf %max3A_362, %max3A_363 : vector<16xf32>
        %gt3A = arith.cmpf ogt, %max3A_364, %scan3A_289 : vector<16xf32>
        %all_reduce_population_count3A = tpu.all_reduce %gt3A {dim = 0 : i64, kind = #tpu.reduction_kind<sum>} : vector<16xi1> -> vector<16xi32>
        %slice3A = vector.extract_strided_slice %all_reduce_population_count3A {offsets = [0], sizes = [1], strides = [1]} : vector<16xi32> to vector<1xi32>
        %squeeze3A = vector.extract %slice3A[0] : i32 from vector<1xi32>
        %gt3A_365 = arith.constant 0 : i32
        %gt3A_366 = arith.cmpi sgt, %squeeze3A, %gt3A_365 : i32
        %convert_element_type3A_367 = arith.extui %gt3A_366 : i1 to i32
        %cond3A_368 = arith.constant 0 : i32
        %cond3A_369 = arith.cmpi ne, %convert_element_type3A_367, %cond3A_368 : i32
        %cond3A_370:8 = scf.if %cond3A_369 -> (vector<16xf32>, vector<16xf32>, vector<16xf32>, vector<16xf32>, vector<16xf32>, vector<16xf32>, vector<16xf32>, vector<16xf32>) {
          %max3A_784 = arith.maximumf %get3A_323, %get3A_328 : vector<16xf32>
          %min3A = arith.minimumf %get3A_323, %get3A_328 : vector<16xf32>
          %max3A_785 = arith.maximumf %get3A_333, %get3A_338 : vector<16xf32>
          %min3A_786 = arith.minimumf %get3A_333, %get3A_338 : vector<16xf32>
          %max3A_787 = arith.maximumf %get3A_343, %get3A_348 : vector<16xf32>
          %min3A_788 = arith.minimumf %get3A_343, %get3A_348 : vector<16xf32>
          %max3A_789 = arith.maximumf %get3A_353, %get3A_358 : vector<16xf32>
          %min3A_790 = arith.minimumf %get3A_353, %get3A_358 : vector<16xf32>
          %max3A_791 = arith.maximumf %max3A_784, %max3A_785 : vector<16xf32>
          %min3A_792 = arith.minimumf %max3A_784, %max3A_785 : vector<16xf32>
          %max3A_793 = arith.maximumf %min3A, %min3A_786 : vector<16xf32>
          %min3A_794 = arith.minimumf %min3A, %min3A_786 : vector<16xf32>
          %max3A_795 = arith.maximumf %max3A_787, %max3A_789 : vector<16xf32>
          %min3A_796 = arith.minimumf %max3A_787, %max3A_789 : vector<16xf32>
          %max3A_797 = arith.maximumf %min3A_788, %min3A_790 : vector<16xf32>
          %min3A_798 = arith.minimumf %min3A_788, %min3A_790 : vector<16xf32>
          %max3A_799 = arith.maximumf %max3A_793, %min3A_792 : vector<16xf32>
          %min3A_800 = arith.minimumf %max3A_793, %min3A_792 : vector<16xf32>
          %max3A_801 = arith.maximumf %max3A_797, %min3A_796 : vector<16xf32>
          %min3A_802 = arith.minimumf %max3A_797, %min3A_796 : vector<16xf32>
          %max3A_803 = arith.maximumf %max3A_791, %max3A_795 : vector<16xf32>
          %min3A_804 = arith.minimumf %max3A_791, %max3A_795 : vector<16xf32>
          %max3A_805 = arith.maximumf %max3A_799, %max3A_801 : vector<16xf32>
          %min3A_806 = arith.minimumf %max3A_799, %max3A_801 : vector<16xf32>
          %max3A_807 = arith.maximumf %min3A_800, %min3A_802 : vector<16xf32>
          %min3A_808 = arith.minimumf %min3A_800, %min3A_802 : vector<16xf32>
          %max3A_809 = arith.maximumf %min3A_794, %min3A_798 : vector<16xf32>
          %min3A_810 = arith.minimumf %min3A_794, %min3A_798 : vector<16xf32>
          %max3A_811 = arith.maximumf %max3A_807, %min3A_804 : vector<16xf32>
          %min3A_812 = arith.minimumf %max3A_807, %min3A_804 : vector<16xf32>
          %max3A_813 = arith.maximumf %max3A_809, %min3A_806 : vector<16xf32>
          %min3A_814 = arith.minimumf %max3A_809, %min3A_806 : vector<16xf32>
          %max3A_815 = arith.maximumf %max3A_805, %max3A_811 : vector<16xf32>
          %min3A_816 = arith.minimumf %max3A_805, %max3A_811 : vector<16xf32>
          %max3A_817 = arith.maximumf %max3A_813, %min3A_812 : vector<16xf32>
          %min3A_818 = arith.minimumf %max3A_813, %min3A_812 : vector<16xf32>
          %max3A_819 = arith.maximumf %min3A_814, %min3A_808 : vector<16xf32>
          %min3A_820 = arith.minimumf %min3A_814, %min3A_808 : vector<16xf32>
          %max3A_821 = arith.maximumf %scan3A_282, %min3A_810 : vector<16xf32>
          %max3A_822 = arith.maximumf %scan3A_283, %min3A_820 : vector<16xf32>
          %max3A_823 = arith.maximumf %scan3A_284, %max3A_819 : vector<16xf32>
          %max3A_824 = arith.maximumf %scan3A_285, %min3A_818 : vector<16xf32>
          %max3A_825 = arith.maximumf %scan3A_286, %max3A_817 : vector<16xf32>
          %max3A_826 = arith.maximumf %scan3A_287, %min3A_816 : vector<16xf32>
          %max3A_827 = arith.maximumf %scan3A_288, %max3A_815 : vector<16xf32>
          %max3A_828 = arith.maximumf %scan3A_289, %max3A_803 : vector<16xf32>
          %max3A_829 = arith.maximumf %max3A_821, %max3A_825 : vector<16xf32>
          %min3A_830 = arith.minimumf %max3A_821, %max3A_825 : vector<16xf32>
          %max3A_831 = arith.maximumf %max3A_822, %max3A_826 : vector<16xf32>
          %min3A_832 = arith.minimumf %max3A_822, %max3A_826 : vector<16xf32>
          %max3A_833 = arith.maximumf %max3A_823, %max3A_827 : vector<16xf32>
          %min3A_834 = arith.minimumf %max3A_823, %max3A_827 : vector<16xf32>
          %max3A_835 = arith.maximumf %max3A_824, %max3A_828 : vector<16xf32>
          %min3A_836 = arith.minimumf %max3A_824, %max3A_828 : vector<16xf32>
          %max3A_837 = arith.maximumf %max3A_829, %max3A_833 : vector<16xf32>
          %min3A_838 = arith.minimumf %max3A_829, %max3A_833 : vector<16xf32>
          %max3A_839 = arith.maximumf %max3A_831, %max3A_835 : vector<16xf32>
          %min3A_840 = arith.minimumf %max3A_831, %max3A_835 : vector<16xf32>
          %max3A_841 = arith.maximumf %min3A_830, %min3A_834 : vector<16xf32>
          %min3A_842 = arith.minimumf %min3A_830, %min3A_834 : vector<16xf32>
          %max3A_843 = arith.maximumf %min3A_832, %min3A_836 : vector<16xf32>
          %min3A_844 = arith.minimumf %min3A_832, %min3A_836 : vector<16xf32>
          %max3A_845 = arith.maximumf %max3A_837, %max3A_839 : vector<16xf32>
          %min3A_846 = arith.minimumf %max3A_837, %max3A_839 : vector<16xf32>
          %max3A_847 = arith.maximumf %min3A_838, %min3A_840 : vector<16xf32>
          %min3A_848 = arith.minimumf %min3A_838, %min3A_840 : vector<16xf32>
          %max3A_849 = arith.maximumf %max3A_841, %max3A_843 : vector<16xf32>
          %min3A_850 = arith.minimumf %max3A_841, %max3A_843 : vector<16xf32>
          %max3A_851 = arith.maximumf %min3A_842, %min3A_844 : vector<16xf32>
          %min3A_852 = arith.minimumf %min3A_842, %min3A_844 : vector<16xf32>
          scf.yield %max3A_845, %min3A_846, %max3A_847, %min3A_848, %max3A_849, %min3A_850, %max3A_851, %min3A_852 : vector<16xf32>, vector<16xf32>, vector<16xf32>, vector<16xf32>, vector<16xf32>, vector<16xf32>, vector<16xf32>, vector<16xf32>
        } else {
          scf.yield %scan3A_282, %scan3A_283, %scan3A_284, %scan3A_285, %scan3A_286, %scan3A_287, %scan3A_288, %scan3A_289 : vector<16xf32>, vector<16xf32>, vector<16xf32>, vector<16xf32>, vector<16xf32>, vector<16xf32>, vector<16xf32>, vector<16xf32>
        }
        %add3A_371 = arith.constant 8 : i32
        %add3A_372 = arith.addi %mul3A_317, %add3A_371 : i32
        %add3A_373 = arith.constant 0 : i32
        %add3A_374 = arith.addi %add3A_372, %add3A_373 : i32
        %get3A_375 = arith.index_cast %add3A_374 : i32 to index
        %get3A_376 = arith.constant 0 : index
        %get3A_377 = tpu.vector_load %arg4[%get3A_375, %get3A_376] {strides = array<i32>} : memref<256x64xf32, #tpu.memory_space<vmem>>, vector<16xf32>,
        %add3A_378 = arith.constant 1 : i32
        %add3A_379 = arith.addi %add3A_372, %add3A_378 : i32
        %get3A_380 = arith.index_cast %add3A_379 : i32 to index
        %get3A_381 = arith.constant 0 : index
        %get3A_382 = tpu.vector_load %arg4[%get3A_380, %get3A_381] {strides = array<i32>} : memref<256x64xf32, #tpu.memory_space<vmem>>, vector<16xf32>,
        %add3A_383 = arith.constant 2 : i32
        %add3A_384 = arith.addi %add3A_372, %add3A_383 : i32
        %get3A_385 = arith.index_cast %add3A_384 : i32 to index
        %get3A_386 = arith.constant 0 : index
        %get3A_387 = tpu.vector_load %arg4[%get3A_385, %get3A_386] {strides = array<i32>} : memref<256x64xf32, #tpu.memory_space<vmem>>, vector<16xf32>,
        %add3A_388 = arith.constant 3 : i32
        %add3A_389 = arith.addi %add3A_372, %add3A_388 : i32
        %get3A_390 = arith.index_cast %add3A_389 : i32 to index
        %get3A_391 = arith.constant 0 : index
        %get3A_392 = tpu.vector_load %arg4[%get3A_390, %get3A_391] {strides = array<i32>} : memref<256x64xf32, #tpu.memory_space<vmem>>, vector<16xf32>,
        %add3A_393 = arith.constant 4 : i32
        %add3A_394 = arith.addi %add3A_372, %add3A_393 : i32
        %get3A_395 = arith.index_cast %add3A_394 : i32 to index
        %get3A_396 = arith.constant 0 : index
        %get3A_397 = tpu.vector_load %arg4[%get3A_395, %get3A_396] {strides = array<i32>} : memref<256x64xf32, #tpu.memory_space<vmem>>, vector<16xf32>,
        %add3A_398 = arith.constant 5 : i32
        %add3A_399 = arith.addi %add3A_372, %add3A_398 : i32
        %get3A_400 = arith.index_cast %add3A_399 : i32 to index
        %get3A_401 = arith.constant 0 : index
        %get3A_402 = tpu.vector_load %arg4[%get3A_400, %get3A_401] {strides = array<i32>} : memref<256x64xf32, #tpu.memory_space<vmem>>, vector<16xf32>,
        %add3A_403 = arith.constant 6 : i32
        %add3A_404 = arith.addi %add3A_372, %add3A_403 : i32
        %get3A_405 = arith.index_cast %add3A_404 : i32 to index
        %get3A_406 = arith.constant 0 : index
        %get3A_407 = tpu.vector_load %arg4[%get3A_405, %get3A_406] {strides = array<i32>} : memref<256x64xf32, #tpu.memory_space<vmem>>, vector<16xf32>,
        %add3A_408 = arith.constant 7 : i32
        %add3A_409 = arith.addi %add3A_372, %add3A_408 : i32
        %get3A_410 = arith.index_cast %add3A_409 : i32 to index
        %get3A_411 = arith.constant 0 : index
        %get3A_412 = tpu.vector_load %arg4[%get3A_410, %get3A_411] {strides = array<i32>} : memref<256x64xf32, #tpu.memory_space<vmem>>, vector<16xf32>,
        %max3A_413 = arith.maximumf %get3A_377, %get3A_382 : vector<16xf32>
        %max3A_414 = arith.maximumf %get3A_387, %get3A_392 : vector<16xf32>
        %max3A_415 = arith.maximumf %get3A_397, %get3A_402 : vector<16xf32>
        %max3A_416 = arith.maximumf %get3A_407, %get3A_412 : vector<16xf32>
        %max3A_417 = arith.maximumf %max3A_413, %max3A_414 : vector<16xf32>
        %max3A_418 = arith.maximumf %max3A_415, %max3A_416 : vector<16xf32>
        %max3A_419 = arith.maximumf %max3A_417, %max3A_418 : vector<16xf32>
        %gt3A_420 = arith.cmpf ogt, %max3A_419, %cond3A_370#7 : vector<16xf32>
        %all_reduce_population_count3A_421 = tpu.all_reduce %gt3A_420 {dim = 0 : i64, kind = #tpu.reduction_kind<sum>} : vector<16xi1> -> vector<16xi32>
        %slice3A_422 = vector.extract_strided_slice %all_reduce_population_count3A_421 {offsets = [0], sizes = [1], strides = [1]} : vector<16xi32> to vector<1xi32>
        %squeeze3A_423 = vector.extract %slice3A_422[0] : i32 from vector<1xi32>
        %gt3A_424 = arith.constant 0 : i32
        %gt3A_425 = arith.cmpi sgt, %squeeze3A_423, %gt3A_424 : i32
        %convert_element_type3A_426 = arith.extui %gt3A_425 : i1 to i32
        %cond3A_427 = arith.constant 0 : i32
        %cond3A_428 = arith.cmpi ne, %convert_element_type3A_426, %cond3A_427 : i32
        %cond3A_429:8 = scf.if %cond3A_428 -> (vector<16xf32>, vector<16xf32>, vector<16xf32>, vector<16xf32>, vector<16xf32>, vector<16xf32>, vector<16xf32>, vector<16xf32>) {
          %max3A_784 = arith.maximumf %get3A_377, %get3A_382 : vector<16xf32>
          %min3A = arith.minimumf %get3A_377, %get3A_382 : vector<16xf32>
          %max3A_785 = arith.maximumf %get3A_387, %get3A_392 : vector<16xf32>
          %min3A_786 = arith.minimumf %get3A_387, %get3A_392 : vector<16xf32>
          %max3A_787 = arith.maximumf %get3A_397, %get3A_402 : vector<16xf32>
          %min3A_788 = arith.minimumf %get3A_397, %get3A_402 : vector<16xf32>
          %max3A_789 = arith.maximumf %get3A_407, %get3A_412 : vector<16xf32>
          %min3A_790 = arith.minimumf %get3A_407, %get3A_412 : vector<16xf32>
          %max3A_791 = arith.maximumf %max3A_784, %max3A_785 : vector<16xf32>
          %min3A_792 = arith.minimumf %max3A_784, %max3A_785 : vector<16xf32>
          %max3A_793 = arith.maximumf %min3A, %min3A_786 : vector<16xf32>
          %min3A_794 = arith.minimumf %min3A, %min3A_786 : vector<16xf32>
          %max3A_795 = arith.maximumf %max3A_787, %max3A_789 : vector<16xf32>
          %min3A_796 = arith.minimumf %max3A_787, %max3A_789 : vector<16xf32>
          %max3A_797 = arith.maximumf %min3A_788, %min3A_790 : vector<16xf32>
          %min3A_798 = arith.minimumf %min3A_788, %min3A_790 : vector<16xf32>
          %max3A_799 = arith.maximumf %max3A_793, %min3A_792 : vector<16xf32>
          %min3A_800 = arith.minimumf %max3A_793, %min3A_792 : vector<16xf32>
          %max3A_801 = arith.maximumf %max3A_797, %min3A_796 : vector<16xf32>
          %min3A_802 = arith.minimumf %max3A_797, %min3A_796 : vector<16xf32>
          %max3A_803 = arith.maximumf %max3A_791, %max3A_795 : vector<16xf32>
          %min3A_804 = arith.minimumf %max3A_791, %max3A_795 : vector<16xf32>
          %max3A_805 = arith.maximumf %max3A_799, %max3A_801 : vector<16xf32>
          %min3A_806 = arith.minimumf %max3A_799, %max3A_801 : vector<16xf32>
          %max3A_807 = arith.maximumf %min3A_800, %min3A_802 : vector<16xf32>
          %min3A_808 = arith.minimumf %min3A_800, %min3A_802 : vector<16xf32>
          %max3A_809 = arith.maximumf %min3A_794, %min3A_798 : vector<16xf32>
          %min3A_810 = arith.minimumf %min3A_794, %min3A_798 : vector<16xf32>
          %max3A_811 = arith.maximumf %max3A_807, %min3A_804 : vector<16xf32>
          %min3A_812 = arith.minimumf %max3A_807, %min3A_804 : vector<16xf32>
          %max3A_813 = arith.maximumf %max3A_809, %min3A_806 : vector<16xf32>
          %min3A_814 = arith.minimumf %max3A_809, %min3A_806 : vector<16xf32>
          %max3A_815 = arith.maximumf %max3A_805, %max3A_811 : vector<16xf32>
          %min3A_816 = arith.minimumf %max3A_805, %max3A_811 : vector<16xf32>
          %max3A_817 = arith.maximumf %max3A_813, %min3A_812 : vector<16xf32>
          %min3A_818 = arith.minimumf %max3A_813, %min3A_812 : vector<16xf32>
          %max3A_819 = arith.maximumf %min3A_814, %min3A_808 : vector<16xf32>
          %min3A_820 = arith.minimumf %min3A_814, %min3A_808 : vector<16xf32>
          %max3A_821 = arith.maximumf %cond3A_370#0, %min3A_810 : vector<16xf32>
          %max3A_822 = arith.maximumf %cond3A_370#1, %min3A_820 : vector<16xf32>
          %max3A_823 = arith.maximumf %cond3A_370#2, %max3A_819 : vector<16xf32>
          %max3A_824 = arith.maximumf %cond3A_370#3, %min3A_818 : vector<16xf32>
          %max3A_825 = arith.maximumf %cond3A_370#4, %max3A_817 : vector<16xf32>
          %max3A_826 = arith.maximumf %cond3A_370#5, %min3A_816 : vector<16xf32>
          %max3A_827 = arith.maximumf %cond3A_370#6, %max3A_815 : vector<16xf32>
          %max3A_828 = arith.maximumf %cond3A_370#7, %max3A_803 : vector<16xf32>
          %max3A_829 = arith.maximumf %max3A_821, %max3A_825 : vector<16xf32>
          %min3A_830 = arith.minimumf %max3A_821, %max3A_825 : vector<16xf32>
          %max3A_831 = arith.maximumf %max3A_822, %max3A_826 : vector<16xf32>
          %min3A_832 = arith.minimumf %max3A_822, %max3A_826 : vector<16xf32>
          %max3A_833 = arith.maximumf %max3A_823, %max3A_827 : vector<16xf32>
          %min3A_834 = arith.minimumf %max3A_823, %max3A_827 : vector<16xf32>
          %max3A_835 = arith.maximumf %max3A_824, %max3A_828 : vector<16xf32>
          %min3A_836 = arith.minimumf %max3A_824, %max3A_828 : vector<16xf32>
          %max3A_837 = arith.maximumf %max3A_829, %max3A_833 : vector<16xf32>
          %min3A_838 = arith.minimumf %max3A_829, %max3A_833 : vector<16xf32>
          %max3A_839 = arith.maximumf %max3A_831, %max3A_835 : vector<16xf32>
          %min3A_840 = arith.minimumf %max3A_831, %max3A_835 : vector<16xf32>
          %max3A_841 = arith.maximumf %min3A_830, %min3A_834 : vector<16xf32>
          %min3A_842 = arith.minimumf %min3A_830, %min3A_834 : vector<16xf32>
          %max3A_843 = arith.maximumf %min3A_832, %min3A_836 : vector<16xf32>
          %min3A_844 = arith.minimumf %min3A_832, %min3A_836 : vector<16xf32>
          %max3A_845 = arith.maximumf %max3A_837, %max3A_839 : vector<16xf32>
          %min3A_846 = arith.minimumf %max3A_837, %max3A_839 : vector<16xf32>
          %max3A_847 = arith.maximumf %min3A_838, %min3A_840 : vector<16xf32>
          %min3A_848 = arith.minimumf %min3A_838, %min3A_840 : vector<16xf32>
          %max3A_849 = arith.maximumf %max3A_841, %max3A_843 : vector<16xf32>
          %min3A_850 = arith.minimumf %max3A_841, %max3A_843 : vector<16xf32>
          %max3A_851 = arith.maximumf %min3A_842, %min3A_844 : vector<16xf32>
          %min3A_852 = arith.minimumf %min3A_842, %min3A_844 : vector<16xf32>
          scf.yield %max3A_845, %min3A_846, %max3A_847, %min3A_848, %max3A_849, %min3A_850, %max3A_851, %min3A_852 : vector<16xf32>, vector<16xf32>, vector<16xf32>, vector<16xf32>, vector<16xf32>, vector<16xf32>, vector<16xf32>, vector<16xf32>
        } else {
          scf.yield %cond3A_370#0, %cond3A_370#1, %cond3A_370#2, %cond3A_370#3, %cond3A_370#4, %cond3A_370#5, %cond3A_370#6, %cond3A_370#7 : vector<16xf32>, vector<16xf32>, vector<16xf32>, vector<16xf32>, vector<16xf32>, vector<16xf32>, vector<16xf32>, vector<16xf32>
        }
        %add3A_430 = arith.constant 0 : i32
        %add3A_431 = arith.addi %mul3A_317, %add3A_430 : i32
        %add3A_432 = arith.constant 0 : i32
        %add3A_433 = arith.addi %add3A_431, %add3A_432 : i32
        %get3A_434 = arith.index_cast %add3A_433 : i32 to index
        %get3A_435 = arith.constant 16 : index
        %get3A_436 = tpu.vector_load %arg4[%get3A_434, %get3A_435] {strides = array<i32>} : memref<256x64xf32, #tpu.memory_space<vmem>>, vector<16xf32>,
        %add3A_437 = arith.constant 1 : i32
        %add3A_438 = arith.addi %add3A_431, %add3A_437 : i32
        %get3A_439 = arith.index_cast %add3A_438 : i32 to index
        %get3A_440 = arith.constant 16 : index
        %get3A_441 = tpu.vector_load %arg4[%get3A_439, %get3A_440] {strides = array<i32>} : memref<256x64xf32, #tpu.memory_space<vmem>>, vector<16xf32>,
        %add3A_442 = arith.constant 2 : i32
        %add3A_443 = arith.addi %add3A_431, %add3A_442 : i32
        %get3A_444 = arith.index_cast %add3A_443 : i32 to index
        %get3A_445 = arith.constant 16 : index
        %get3A_446 = tpu.vector_load %arg4[%get3A_444, %get3A_445] {strides = array<i32>} : memref<256x64xf32, #tpu.memory_space<vmem>>, vector<16xf32>,
        %add3A_447 = arith.constant 3 : i32
        %add3A_448 = arith.addi %add3A_431, %add3A_447 : i32
        %get3A_449 = arith.index_cast %add3A_448 : i32 to index
        %get3A_450 = arith.constant 16 : index
        %get3A_451 = tpu.vector_load %arg4[%get3A_449, %get3A_450] {strides = array<i32>} : memref<256x64xf32, #tpu.memory_space<vmem>>, vector<16xf32>,
        %add3A_452 = arith.constant 4 : i32
        %add3A_453 = arith.addi %add3A_431, %add3A_452 : i32
        %get3A_454 = arith.index_cast %add3A_453 : i32 to index
        %get3A_455 = arith.constant 16 : index
        %get3A_456 = tpu.vector_load %arg4[%get3A_454, %get3A_455] {strides = array<i32>} : memref<256x64xf32, #tpu.memory_space<vmem>>, vector<16xf32>,
        %add3A_457 = arith.constant 5 : i32
        %add3A_458 = arith.addi %add3A_431, %add3A_457 : i32
        %get3A_459 = arith.index_cast %add3A_458 : i32 to index
        %get3A_460 = arith.constant 16 : index
        %get3A_461 = tpu.vector_load %arg4[%get3A_459, %get3A_460] {strides = array<i32>} : memref<256x64xf32, #tpu.memory_space<vmem>>, vector<16xf32>,
        %add3A_462 = arith.constant 6 : i32
        %add3A_463 = arith.addi %add3A_431, %add3A_462 : i32
        %get3A_464 = arith.index_cast %add3A_463 : i32 to index
        %get3A_465 = arith.constant 16 : index
        %get3A_466 = tpu.vector_load %arg4[%get3A_464, %get3A_465] {strides = array<i32>} : memref<256x64xf32, #tpu.memory_space<vmem>>, vector<16xf32>,
        %add3A_467 = arith.constant 7 : i32
        %add3A_468 = arith.addi %add3A_431, %add3A_467 : i32
        %get3A_469 = arith.index_cast %add3A_468 : i32 to index
        %get3A_470 = arith.constant 16 : index
        %get3A_471 = tpu.vector_load %arg4[%get3A_469, %get3A_470] {strides = array<i32>} : memref<256x64xf32, #tpu.memory_space<vmem>>, vector<16xf32>,
        %max3A_472 = arith.maximumf %get3A_436, %get3A_441 : vector<16xf32>
        %max3A_473 = arith.maximumf %get3A_446, %get3A_451 : vector<16xf32>
        %max3A_474 = arith.maximumf %get3A_456, %get3A_461 : vector<16xf32>
        %max3A_475 = arith.maximumf %get3A_466, %get3A_471 : vector<16xf32>
        %max3A_476 = arith.maximumf %max3A_472, %max3A_473 : vector<16xf32>
        %max3A_477 = arith.maximumf %max3A_474, %max3A_475 : vector<16xf32>
        %max3A_478 = arith.maximumf %max3A_476, %max3A_477 : vector<16xf32>
        %gt3A_479 = arith.cmpf ogt, %max3A_478, %scan3A_297 : vector<16xf32>
        %all_reduce_population_count3A_480 = tpu.all_reduce %gt3A_479 {dim = 0 : i64, kind = #tpu.reduction_kind<sum>} : vector<16xi1> -> vector<16xi32>
        %slice3A_481 = vector.extract_strided_slice %all_reduce_population_count3A_480 {offsets = [0], sizes = [1], strides = [1]} : vector<16xi32> to vector<1xi32>
        %squeeze3A_482 = vector.extract %slice3A_481[0] : i32 from vector<1xi32>
        %gt3A_483 = arith.constant 0 : i32
        %gt3A_484 = arith.cmpi sgt, %squeeze3A_482, %gt3A_483 : i32
        %convert_element_type3A_485 = arith.extui %gt3A_484 : i1 to i32
        %cond3A_486 = arith.constant 0 : i32
        %cond3A_487 = arith.cmpi ne, %convert_element_type3A_485, %cond3A_486 : i32
        %cond3A_488:8 = scf.if %cond3A_487 -> (vector<16xf32>, vector<16xf32>, vector<16xf32>, vector<16xf32>, vector<16xf32>, vector<16xf32>, vector<16xf32>, vector<16xf32>) {
          %max3A_784 = arith.maximumf %get3A_436, %get3A_441 : vector<16xf32>
          %min3A = arith.minimumf %get3A_436, %get3A_441 : vector<16xf32>
          %max3A_785 = arith.maximumf %get3A_446, %get3A_451 : vector<16xf32>
          %min3A_786 = arith.minimumf %get3A_446, %get3A_451 : vector<16xf32>
          %max3A_787 = arith.maximumf %get3A_456, %get3A_461 : vector<16xf32>
          %min3A_788 = arith.minimumf %get3A_456, %get3A_461 : vector<16xf32>
          %max3A_789 = arith.maximumf %get3A_466, %get3A_471 : vector<16xf32>
          %min3A_790 = arith.minimumf %get3A_466, %get3A_471 : vector<16xf32>
          %max3A_791 = arith.maximumf %max3A_784, %max3A_785 : vector<16xf32>
          %min3A_792 = arith.minimumf %max3A_784, %max3A_785 : vector<16xf32>
          %max3A_793 = arith.maximumf %min3A, %min3A_786 : vector<16xf32>
          %min3A_794 = arith.minimumf %min3A, %min3A_786 : vector<16xf32>
          %max3A_795 = arith.maximumf %max3A_787, %max3A_789 : vector<16xf32>
          %min3A_796 = arith.minimumf %max3A_787, %max3A_789 : vector<16xf32>
          %max3A_797 = arith.maximumf %min3A_788, %min3A_790 : vector<16xf32>
          %min3A_798 = arith.minimumf %min3A_788, %min3A_790 : vector<16xf32>
          %max3A_799 = arith.maximumf %max3A_793, %min3A_792 : vector<16xf32>
          %min3A_800 = arith.minimumf %max3A_793, %min3A_792 : vector<16xf32>
          %max3A_801 = arith.maximumf %max3A_797, %min3A_796 : vector<16xf32>
          %min3A_802 = arith.minimumf %max3A_797, %min3A_796 : vector<16xf32>
          %max3A_803 = arith.maximumf %max3A_791, %max3A_795 : vector<16xf32>
          %min3A_804 = arith.minimumf %max3A_791, %max3A_795 : vector<16xf32>
          %max3A_805 = arith.maximumf %max3A_799, %max3A_801 : vector<16xf32>
          %min3A_806 = arith.minimumf %max3A_799, %max3A_801 : vector<16xf32>
          %max3A_807 = arith.maximumf %min3A_800, %min3A_802 : vector<16xf32>
          %min3A_808 = arith.minimumf %min3A_800, %min3A_802 : vector<16xf32>
          %max3A_809 = arith.maximumf %min3A_794, %min3A_798 : vector<16xf32>
          %min3A_810 = arith.minimumf %min3A_794, %min3A_798 : vector<16xf32>
          %max3A_811 = arith.maximumf %max3A_807, %min3A_804 : vector<16xf32>
          %min3A_812 = arith.minimumf %max3A_807, %min3A_804 : vector<16xf32>
          %max3A_813 = arith.maximumf %max3A_809, %min3A_806 : vector<16xf32>
          %min3A_814 = arith.minimumf %max3A_809, %min3A_806 : vector<16xf32>
          %max3A_815 = arith.maximumf %max3A_805, %max3A_811 : vector<16xf32>
          %min3A_816 = arith.minimumf %max3A_805, %max3A_811 : vector<16xf32>
          %max3A_817 = arith.maximumf %max3A_813, %min3A_812 : vector<16xf32>
          %min3A_818 = arith.minimumf %max3A_813, %min3A_812 : vector<16xf32>
          %max3A_819 = arith.maximumf %min3A_814, %min3A_808 : vector<16xf32>
          %min3A_820 = arith.minimumf %min3A_814, %min3A_808 : vector<16xf32>
          %max3A_821 = arith.maximumf %scan3A_290, %min3A_810 : vector<16xf32>
          %max3A_822 = arith.maximumf %scan3A_291, %min3A_820 : vector<16xf32>
          %max3A_823 = arith.maximumf %scan3A_292, %max3A_819 : vector<16xf32>
          %max3A_824 = arith.maximumf %scan3A_293, %min3A_818 : vector<16xf32>
          %max3A_825 = arith.maximumf %scan3A_294, %max3A_817 : vector<16xf32>
          %max3A_826 = arith.maximumf %scan3A_295, %min3A_816 : vector<16xf32>
          %max3A_827 = arith.maximumf %scan3A_296, %max3A_815 : vector<16xf32>
          %max3A_828 = arith.maximumf %scan3A_297, %max3A_803 : vector<16xf32>
          %max3A_829 = arith.maximumf %max3A_821, %max3A_825 : vector<16xf32>
          %min3A_830 = arith.minimumf %max3A_821, %max3A_825 : vector<16xf32>
          %max3A_831 = arith.maximumf %max3A_822, %max3A_826 : vector<16xf32>
          %min3A_832 = arith.minimumf %max3A_822, %max3A_826 : vector<16xf32>
          %max3A_833 = arith.maximumf %max3A_823, %max3A_827 : vector<16xf32>
          %min3A_834 = arith.minimumf %max3A_823, %max3A_827 : vector<16xf32>
          %max3A_835 = arith.maximumf %max3A_824, %max3A_828 : vector<16xf32>
          %min3A_836 = arith.minimumf %max3A_824, %max3A_828 : vector<16xf32>
          %max3A_837 = arith.maximumf %max3A_829, %max3A_833 : vector<16xf32>
          %min3A_838 = arith.minimumf %max3A_829, %max3A_833 : vector<16xf32>
          %max3A_839 = arith.maximumf %max3A_831, %max3A_835 : vector<16xf32>
          %min3A_840 = arith.minimumf %max3A_831, %max3A_835 : vector<16xf32>
          %max3A_841 = arith.maximumf %min3A_830, %min3A_834 : vector<16xf32>
          %min3A_842 = arith.minimumf %min3A_830, %min3A_834 : vector<16xf32>
          %max3A_843 = arith.maximumf %min3A_832, %min3A_836 : vector<16xf32>
          %min3A_844 = arith.minimumf %min3A_832, %min3A_836 : vector<16xf32>
          %max3A_845 = arith.maximumf %max3A_837, %max3A_839 : vector<16xf32>
          %min3A_846 = arith.minimumf %max3A_837, %max3A_839 : vector<16xf32>
          %max3A_847 = arith.maximumf %min3A_838, %min3A_840 : vector<16xf32>
          %min3A_848 = arith.minimumf %min3A_838, %min3A_840 : vector<16xf32>
          %max3A_849 = arith.maximumf %max3A_841, %max3A_843 : vector<16xf32>
          %min3A_850 = arith.minimumf %max3A_841, %max3A_843 : vector<16xf32>
          %max3A_851 = arith.maximumf %min3A_842, %min3A_844 : vector<16xf32>
          %min3A_852 = arith.minimumf %min3A_842, %min3A_844 : vector<16xf32>
          scf.yield %max3A_845, %min3A_846, %max3A_847, %min3A_848, %max3A_849, %min3A_850, %max3A_851, %min3A_852 : vector<16xf32>, vector<16xf32>, vector<16xf32>, vector<16xf32>, vector<16xf32>, vector<16xf32>, vector<16xf32>, vector<16xf32>
        } else {
          scf.yield %scan3A_290, %scan3A_291, %scan3A_292, %scan3A_293, %scan3A_294, %scan3A_295, %scan3A_296, %scan3A_297 : vector<16xf32>, vector<16xf32>, vector<16xf32>, vector<16xf32>, vector<16xf32>, vector<16xf32>, vector<16xf32>, vector<16xf32>
        }
        %add3A_489 = arith.constant 8 : i32
        %add3A_490 = arith.addi %mul3A_317, %add3A_489 : i32
        %add3A_491 = arith.constant 0 : i32
        %add3A_492 = arith.addi %add3A_490, %add3A_491 : i32
        %get3A_493 = arith.index_cast %add3A_492 : i32 to index
        %get3A_494 = arith.constant 16 : index
        %get3A_495 = tpu.vector_load %arg4[%get3A_493, %get3A_494] {strides = array<i32>} : memref<256x64xf32, #tpu.memory_space<vmem>>, vector<16xf32>,
        %add3A_496 = arith.constant 1 : i32
        %add3A_497 = arith.addi %add3A_490, %add3A_496 : i32
        %get3A_498 = arith.index_cast %add3A_497 : i32 to index
        %get3A_499 = arith.constant 16 : index
        %get3A_500 = tpu.vector_load %arg4[%get3A_498, %get3A_499] {strides = array<i32>} : memref<256x64xf32, #tpu.memory_space<vmem>>, vector<16xf32>,
        %add3A_501 = arith.constant 2 : i32
        %add3A_502 = arith.addi %add3A_490, %add3A_501 : i32
        %get3A_503 = arith.index_cast %add3A_502 : i32 to index
        %get3A_504 = arith.constant 16 : index
        %get3A_505 = tpu.vector_load %arg4[%get3A_503, %get3A_504] {strides = array<i32>} : memref<256x64xf32, #tpu.memory_space<vmem>>, vector<16xf32>,
        %add3A_506 = arith.constant 3 : i32
        %add3A_507 = arith.addi %add3A_490, %add3A_506 : i32
        %get3A_508 = arith.index_cast %add3A_507 : i32 to index
        %get3A_509 = arith.constant 16 : index
        %get3A_510 = tpu.vector_load %arg4[%get3A_508, %get3A_509] {strides = array<i32>} : memref<256x64xf32, #tpu.memory_space<vmem>>, vector<16xf32>,
        %add3A_511 = arith.constant 4 : i32
        %add3A_512 = arith.addi %add3A_490, %add3A_511 : i32
        %get3A_513 = arith.index_cast %add3A_512 : i32 to index
        %get3A_514 = arith.constant 16 : index
        %get3A_515 = tpu.vector_load %arg4[%get3A_513, %get3A_514] {strides = array<i32>} : memref<256x64xf32, #tpu.memory_space<vmem>>, vector<16xf32>,
        %add3A_516 = arith.constant 5 : i32
        %add3A_517 = arith.addi %add3A_490, %add3A_516 : i32
        %get3A_518 = arith.index_cast %add3A_517 : i32 to index
        %get3A_519 = arith.constant 16 : index
        %get3A_520 = tpu.vector_load %arg4[%get3A_518, %get3A_519] {strides = array<i32>} : memref<256x64xf32, #tpu.memory_space<vmem>>, vector<16xf32>,
        %add3A_521 = arith.constant 6 : i32
        %add3A_522 = arith.addi %add3A_490, %add3A_521 : i32
        %get3A_523 = arith.index_cast %add3A_522 : i32 to index
        %get3A_524 = arith.constant 16 : index
        %get3A_525 = tpu.vector_load %arg4[%get3A_523, %get3A_524] {strides = array<i32>} : memref<256x64xf32, #tpu.memory_space<vmem>>, vector<16xf32>,
        %add3A_526 = arith.constant 7 : i32
        %add3A_527 = arith.addi %add3A_490, %add3A_526 : i32
        %get3A_528 = arith.index_cast %add3A_527 : i32 to index
        %get3A_529 = arith.constant 16 : index
        %get3A_530 = tpu.vector_load %arg4[%get3A_528, %get3A_529] {strides = array<i32>} : memref<256x64xf32, #tpu.memory_space<vmem>>, vector<16xf32>,
        %max3A_531 = arith.maximumf %get3A_495, %get3A_500 : vector<16xf32>
        %max3A_532 = arith.maximumf %get3A_505, %get3A_510 : vector<16xf32>
        %max3A_533 = arith.maximumf %get3A_515, %get3A_520 : vector<16xf32>
        %max3A_534 = arith.maximumf %get3A_525, %get3A_530 : vector<16xf32>
        %max3A_535 = arith.maximumf %max3A_531, %max3A_532 : vector<16xf32>
        %max3A_536 = arith.maximumf %max3A_533, %max3A_534 : vector<16xf32>
        %max3A_537 = arith.maximumf %max3A_535, %max3A_536 : vector<16xf32>
        %gt3A_538 = arith.cmpf ogt, %max3A_537, %cond3A_488#7 : vector<16xf32>
        %all_reduce_population_count3A_539 = tpu.all_reduce %gt3A_538 {dim = 0 : i64, kind = #tpu.reduction_kind<sum>} : vector<16xi1> -> vector<16xi32>
        %slice3A_540 = vector.extract_strided_slice %all_reduce_population_count3A_539 {offsets = [0], sizes = [1], strides = [1]} : vector<16xi32> to vector<1xi32>
        %squeeze3A_541 = vector.extract %slice3A_540[0] : i32 from vector<1xi32>
        %gt3A_542 = arith.constant 0 : i32
        %gt3A_543 = arith.cmpi sgt, %squeeze3A_541, %gt3A_542 : i32
        %convert_element_type3A_544 = arith.extui %gt3A_543 : i1 to i32
        %cond3A_545 = arith.constant 0 : i32
        %cond3A_546 = arith.cmpi ne, %convert_element_type3A_544, %cond3A_545 : i32
        %cond3A_547:8 = scf.if %cond3A_546 -> (vector<16xf32>, vector<16xf32>, vector<16xf32>, vector<16xf32>, vector<16xf32>, vector<16xf32>, vector<16xf32>, vector<16xf32>) {
          %max3A_784 = arith.maximumf %get3A_495, %get3A_500 : vector<16xf32>
          %min3A = arith.minimumf %get3A_495, %get3A_500 : vector<16xf32>
          %max3A_785 = arith.maximumf %get3A_505, %get3A_510 : vector<16xf32>
          %min3A_786 = arith.minimumf %get3A_505, %get3A_510 : vector<16xf32>
          %max3A_787 = arith.maximumf %get3A_515, %get3A_520 : vector<16xf32>
          %min3A_788 = arith.minimumf %get3A_515, %get3A_520 : vector<16xf32>
          %max3A_789 = arith.maximumf %get3A_525, %get3A_530 : vector<16xf32>
          %min3A_790 = arith.minimumf %get3A_525, %get3A_530 : vector<16xf32>
          %max3A_791 = arith.maximumf %max3A_784, %max3A_785 : vector<16xf32>
          %min3A_792 = arith.minimumf %max3A_784, %max3A_785 : vector<16xf32>
          %max3A_793 = arith.maximumf %min3A, %min3A_786 : vector<16xf32>
          %min3A_794 = arith.minimumf %min3A, %min3A_786 : vector<16xf32>
          %max3A_795 = arith.maximumf %max3A_787, %max3A_789 : vector<16xf32>
          %min3A_796 = arith.minimumf %max3A_787, %max3A_789 : vector<16xf32>
          %max3A_797 = arith.maximumf %min3A_788, %min3A_790 : vector<16xf32>
          %min3A_798 = arith.minimumf %min3A_788, %min3A_790 : vector<16xf32>
          %max3A_799 = arith.maximumf %max3A_793, %min3A_792 : vector<16xf32>
          %min3A_800 = arith.minimumf %max3A_793, %min3A_792 : vector<16xf32>
          %max3A_801 = arith.maximumf %max3A_797, %min3A_796 : vector<16xf32>
          %min3A_802 = arith.minimumf %max3A_797, %min3A_796 : vector<16xf32>
          %max3A_803 = arith.maximumf %max3A_791, %max3A_795 : vector<16xf32>
          %min3A_804 = arith.minimumf %max3A_791, %max3A_795 : vector<16xf32>
          %max3A_805 = arith.maximumf %max3A_799, %max3A_801 : vector<16xf32>
          %min3A_806 = arith.minimumf %max3A_799, %max3A_801 : vector<16xf32>
          %max3A_807 = arith.maximumf %min3A_800, %min3A_802 : vector<16xf32>
          %min3A_808 = arith.minimumf %min3A_800, %min3A_802 : vector<16xf32>
          %max3A_809 = arith.maximumf %min3A_794, %min3A_798 : vector<16xf32>
          %min3A_810 = arith.minimumf %min3A_794, %min3A_798 : vector<16xf32>
          %max3A_811 = arith.maximumf %max3A_807, %min3A_804 : vector<16xf32>
          %min3A_812 = arith.minimumf %max3A_807, %min3A_804 : vector<16xf32>
          %max3A_813 = arith.maximumf %max3A_809, %min3A_806 : vector<16xf32>
          %min3A_814 = arith.minimumf %max3A_809, %min3A_806 : vector<16xf32>
          %max3A_815 = arith.maximumf %max3A_805, %max3A_811 : vector<16xf32>
          %min3A_816 = arith.minimumf %max3A_805, %max3A_811 : vector<16xf32>
          %max3A_817 = arith.maximumf %max3A_813, %min3A_812 : vector<16xf32>
          %min3A_818 = arith.minimumf %max3A_813, %min3A_812 : vector<16xf32>
          %max3A_819 = arith.maximumf %min3A_814, %min3A_808 : vector<16xf32>
          %min3A_820 = arith.minimumf %min3A_814, %min3A_808 : vector<16xf32>
          %max3A_821 = arith.maximumf %cond3A_488#0, %min3A_810 : vector<16xf32>
          %max3A_822 = arith.maximumf %cond3A_488#1, %min3A_820 : vector<16xf32>
          %max3A_823 = arith.maximumf %cond3A_488#2, %max3A_819 : vector<16xf32>
          %max3A_824 = arith.maximumf %cond3A_488#3, %min3A_818 : vector<16xf32>
          %max3A_825 = arith.maximumf %cond3A_488#4, %max3A_817 : vector<16xf32>
          %max3A_826 = arith.maximumf %cond3A_488#5, %min3A_816 : vector<16xf32>
          %max3A_827 = arith.maximumf %cond3A_488#6, %max3A_815 : vector<16xf32>
          %max3A_828 = arith.maximumf %cond3A_488#7, %max3A_803 : vector<16xf32>
          %max3A_829 = arith.maximumf %max3A_821, %max3A_825 : vector<16xf32>
          %min3A_830 = arith.minimumf %max3A_821, %max3A_825 : vector<16xf32>
          %max3A_831 = arith.maximumf %max3A_822, %max3A_826 : vector<16xf32>
          %min3A_832 = arith.minimumf %max3A_822, %max3A_826 : vector<16xf32>
          %max3A_833 = arith.maximumf %max3A_823, %max3A_827 : vector<16xf32>
          %min3A_834 = arith.minimumf %max3A_823, %max3A_827 : vector<16xf32>
          %max3A_835 = arith.maximumf %max3A_824, %max3A_828 : vector<16xf32>
          %min3A_836 = arith.minimumf %max3A_824, %max3A_828 : vector<16xf32>
          %max3A_837 = arith.maximumf %max3A_829, %max3A_833 : vector<16xf32>
          %min3A_838 = arith.minimumf %max3A_829, %max3A_833 : vector<16xf32>
          %max3A_839 = arith.maximumf %max3A_831, %max3A_835 : vector<16xf32>
          %min3A_840 = arith.minimumf %max3A_831, %max3A_835 : vector<16xf32>
          %max3A_841 = arith.maximumf %min3A_830, %min3A_834 : vector<16xf32>
          %min3A_842 = arith.minimumf %min3A_830, %min3A_834 : vector<16xf32>
          %max3A_843 = arith.maximumf %min3A_832, %min3A_836 : vector<16xf32>
          %min3A_844 = arith.minimumf %min3A_832, %min3A_836 : vector<16xf32>
          %max3A_845 = arith.maximumf %max3A_837, %max3A_839 : vector<16xf32>
          %min3A_846 = arith.minimumf %max3A_837, %max3A_839 : vector<16xf32>
          %max3A_847 = arith.maximumf %min3A_838, %min3A_840 : vector<16xf32>
          %min3A_848 = arith.minimumf %min3A_838, %min3A_840 : vector<16xf32>
          %max3A_849 = arith.maximumf %max3A_841, %max3A_843 : vector<16xf32>
          %min3A_850 = arith.minimumf %max3A_841, %max3A_843 : vector<16xf32>
          %max3A_851 = arith.maximumf %min3A_842, %min3A_844 : vector<16xf32>
          %min3A_852 = arith.minimumf %min3A_842, %min3A_844 : vector<16xf32>
          scf.yield %max3A_845, %min3A_846, %max3A_847, %min3A_848, %max3A_849, %min3A_850, %max3A_851, %min3A_852 : vector<16xf32>, vector<16xf32>, vector<16xf32>, vector<16xf32>, vector<16xf32>, vector<16xf32>, vector<16xf32>, vector<16xf32>
        } else {
          scf.yield %cond3A_488#0, %cond3A_488#1, %cond3A_488#2, %cond3A_488#3, %cond3A_488#4, %cond3A_488#5, %cond3A_488#6, %cond3A_488#7 : vector<16xf32>, vector<16xf32>, vector<16xf32>, vector<16xf32>, vector<16xf32>, vector<16xf32>, vector<16xf32>, vector<16xf32>
        }
        %add3A_548 = arith.constant 0 : i32
        %add3A_549 = arith.addi %mul3A_317, %add3A_548 : i32
        %add3A_550 = arith.constant 0 : i32
        %add3A_551 = arith.addi %add3A_549, %add3A_550 : i32
        %get3A_552 = arith.index_cast %add3A_551 : i32 to index
        %get3A_553 = arith.constant 32 : index
        %get3A_554 = tpu.vector_load %arg4[%get3A_552, %get3A_553] {strides = array<i32>} : memref<256x64xf32, #tpu.memory_space<vmem>>, vector<16xf32>,
        %add3A_555 = arith.constant 1 : i32
        %add3A_556 = arith.addi %add3A_549, %add3A_555 : i32
        %get3A_557 = arith.index_cast %add3A_556 : i32 to index
        %get3A_558 = arith.constant 32 : index
        %get3A_559 = tpu.vector_load %arg4[%get3A_557, %get3A_558] {strides = array<i32>} : memref<256x64xf32, #tpu.memory_space<vmem>>, vector<16xf32>,
        %add3A_560 = arith.constant 2 : i32
        %add3A_561 = arith.addi %add3A_549, %add3A_560 : i32
        %get3A_562 = arith.index_cast %add3A_561 : i32 to index
        %get3A_563 = arith.constant 32 : index
        %get3A_564 = tpu.vector_load %arg4[%get3A_562, %get3A_563] {strides = array<i32>} : memref<256x64xf32, #tpu.memory_space<vmem>>, vector<16xf32>,
        %add3A_565 = arith.constant 3 : i32
        %add3A_566 = arith.addi %add3A_549, %add3A_565 : i32
        %get3A_567 = arith.index_cast %add3A_566 : i32 to index
        %get3A_568 = arith.constant 32 : index
        %get3A_569 = tpu.vector_load %arg4[%get3A_567, %get3A_568] {strides = array<i32>} : memref<256x64xf32, #tpu.memory_space<vmem>>, vector<16xf32>,
        %add3A_570 = arith.constant 4 : i32
        %add3A_571 = arith.addi %add3A_549, %add3A_570 : i32
        %get3A_572 = arith.index_cast %add3A_571 : i32 to index
        %get3A_573 = arith.constant 32 : index
        %get3A_574 = tpu.vector_load %arg4[%get3A_572, %get3A_573] {strides = array<i32>} : memref<256x64xf32, #tpu.memory_space<vmem>>, vector<16xf32>,
        %add3A_575 = arith.constant 5 : i32
        %add3A_576 = arith.addi %add3A_549, %add3A_575 : i32
        %get3A_577 = arith.index_cast %add3A_576 : i32 to index
        %get3A_578 = arith.constant 32 : index
        %get3A_579 = tpu.vector_load %arg4[%get3A_577, %get3A_578] {strides = array<i32>} : memref<256x64xf32, #tpu.memory_space<vmem>>, vector<16xf32>,
        %add3A_580 = arith.constant 6 : i32
        %add3A_581 = arith.addi %add3A_549, %add3A_580 : i32
        %get3A_582 = arith.index_cast %add3A_581 : i32 to index
        %get3A_583 = arith.constant 32 : index
        %get3A_584 = tpu.vector_load %arg4[%get3A_582, %get3A_583] {strides = array<i32>} : memref<256x64xf32, #tpu.memory_space<vmem>>, vector<16xf32>,
        %add3A_585 = arith.constant 7 : i32
        %add3A_586 = arith.addi %add3A_549, %add3A_585 : i32
        %get3A_587 = arith.index_cast %add3A_586 : i32 to index
        %get3A_588 = arith.constant 32 : index
        %get3A_589 = tpu.vector_load %arg4[%get3A_587, %get3A_588] {strides = array<i32>} : memref<256x64xf32, #tpu.memory_space<vmem>>, vector<16xf32>,
        %max3A_590 = arith.maximumf %get3A_554, %get3A_559 : vector<16xf32>
        %max3A_591 = arith.maximumf %get3A_564, %get3A_569 : vector<16xf32>
        %max3A_592 = arith.maximumf %get3A_574, %get3A_579 : vector<16xf32>
        %max3A_593 = arith.maximumf %get3A_584, %get3A_589 : vector<16xf32>
        %max3A_594 = arith.maximumf %max3A_590, %max3A_591 : vector<16xf32>
        %max3A_595 = arith.maximumf %max3A_592, %max3A_593 : vector<16xf32>
        %max3A_596 = arith.maximumf %max3A_594, %max3A_595 : vector<16xf32>
        %gt3A_597 = arith.cmpf ogt, %max3A_596, %scan3A_305 : vector<16xf32>
        %all_reduce_population_count3A_598 = tpu.all_reduce %gt3A_597 {dim = 0 : i64, kind = #tpu.reduction_kind<sum>} : vector<16xi1> -> vector<16xi32>
        %slice3A_599 = vector.extract_strided_slice %all_reduce_population_count3A_598 {offsets = [0], sizes = [1], strides = [1]} : vector<16xi32> to vector<1xi32>
        %squeeze3A_600 = vector.extract %slice3A_599[0] : i32 from vector<1xi32>
        %gt3A_601 = arith.constant 0 : i32
        %gt3A_602 = arith.cmpi sgt, %squeeze3A_600, %gt3A_601 : i32
        %convert_element_type3A_603 = arith.extui %gt3A_602 : i1 to i32
        %cond3A_604 = arith.constant 0 : i32
        %cond3A_605 = arith.cmpi ne, %convert_element_type3A_603, %cond3A_604 : i32
        %cond3A_606:8 = scf.if %cond3A_605 -> (vector<16xf32>, vector<16xf32>, vector<16xf32>, vector<16xf32>, vector<16xf32>, vector<16xf32>, vector<16xf32>, vector<16xf32>) {
          %max3A_784 = arith.maximumf %get3A_554, %get3A_559 : vector<16xf32>
          %min3A = arith.minimumf %get3A_554, %get3A_559 : vector<16xf32>
          %max3A_785 = arith.maximumf %get3A_564, %get3A_569 : vector<16xf32>
          %min3A_786 = arith.minimumf %get3A_564, %get3A_569 : vector<16xf32>
          %max3A_787 = arith.maximumf %get3A_574, %get3A_579 : vector<16xf32>
          %min3A_788 = arith.minimumf %get3A_574, %get3A_579 : vector<16xf32>
          %max3A_789 = arith.maximumf %get3A_584, %get3A_589 : vector<16xf32>
          %min3A_790 = arith.minimumf %get3A_584, %get3A_589 : vector<16xf32>
          %max3A_791 = arith.maximumf %max3A_784, %max3A_785 : vector<16xf32>
          %min3A_792 = arith.minimumf %max3A_784, %max3A_785 : vector<16xf32>
          %max3A_793 = arith.maximumf %min3A, %min3A_786 : vector<16xf32>
          %min3A_794 = arith.minimumf %min3A, %min3A_786 : vector<16xf32>
          %max3A_795 = arith.maximumf %max3A_787, %max3A_789 : vector<16xf32>
          %min3A_796 = arith.minimumf %max3A_787, %max3A_789 : vector<16xf32>
          %max3A_797 = arith.maximumf %min3A_788, %min3A_790 : vector<16xf32>
          %min3A_798 = arith.minimumf %min3A_788, %min3A_790 : vector<16xf32>
          %max3A_799 = arith.maximumf %max3A_793, %min3A_792 : vector<16xf32>
          %min3A_800 = arith.minimumf %max3A_793, %min3A_792 : vector<16xf32>
          %max3A_801 = arith.maximumf %max3A_797, %min3A_796 : vector<16xf32>
          %min3A_802 = arith.minimumf %max3A_797, %min3A_796 : vector<16xf32>
          %max3A_803 = arith.maximumf %max3A_791, %max3A_795 : vector<16xf32>
          %min3A_804 = arith.minimumf %max3A_791, %max3A_795 : vector<16xf32>
          %max3A_805 = arith.maximumf %max3A_799, %max3A_801 : vector<16xf32>
          %min3A_806 = arith.minimumf %max3A_799, %max3A_801 : vector<16xf32>
          %max3A_807 = arith.maximumf %min3A_800, %min3A_802 : vector<16xf32>
          %min3A_808 = arith.minimumf %min3A_800, %min3A_802 : vector<16xf32>
          %max3A_809 = arith.maximumf %min3A_794, %min3A_798 : vector<16xf32>
          %min3A_810 = arith.minimumf %min3A_794, %min3A_798 : vector<16xf32>
          %max3A_811 = arith.maximumf %max3A_807, %min3A_804 : vector<16xf32>
          %min3A_812 = arith.minimumf %max3A_807, %min3A_804 : vector<16xf32>
          %max3A_813 = arith.maximumf %max3A_809, %min3A_806 : vector<16xf32>
          %min3A_814 = arith.minimumf %max3A_809, %min3A_806 : vector<16xf32>
          %max3A_815 = arith.maximumf %max3A_805, %max3A_811 : vector<16xf32>
          %min3A_816 = arith.minimumf %max3A_805, %max3A_811 : vector<16xf32>
          %max3A_817 = arith.maximumf %max3A_813, %min3A_812 : vector<16xf32>
          %min3A_818 = arith.minimumf %max3A_813, %min3A_812 : vector<16xf32>
          %max3A_819 = arith.maximumf %min3A_814, %min3A_808 : vector<16xf32>
          %min3A_820 = arith.minimumf %min3A_814, %min3A_808 : vector<16xf32>
          %max3A_821 = arith.maximumf %scan3A_298, %min3A_810 : vector<16xf32>
          %max3A_822 = arith.maximumf %scan3A_299, %min3A_820 : vector<16xf32>
          %max3A_823 = arith.maximumf %scan3A_300, %max3A_819 : vector<16xf32>
          %max3A_824 = arith.maximumf %scan3A_301, %min3A_818 : vector<16xf32>
          %max3A_825 = arith.maximumf %scan3A_302, %max3A_817 : vector<16xf32>
          %max3A_826 = arith.maximumf %scan3A_303, %min3A_816 : vector<16xf32>
          %max3A_827 = arith.maximumf %scan3A_304, %max3A_815 : vector<16xf32>
          %max3A_828 = arith.maximumf %scan3A_305, %max3A_803 : vector<16xf32>
          %max3A_829 = arith.maximumf %max3A_821, %max3A_825 : vector<16xf32>
          %min3A_830 = arith.minimumf %max3A_821, %max3A_825 : vector<16xf32>
          %max3A_831 = arith.maximumf %max3A_822, %max3A_826 : vector<16xf32>
          %min3A_832 = arith.minimumf %max3A_822, %max3A_826 : vector<16xf32>
          %max3A_833 = arith.maximumf %max3A_823, %max3A_827 : vector<16xf32>
          %min3A_834 = arith.minimumf %max3A_823, %max3A_827 : vector<16xf32>
          %max3A_835 = arith.maximumf %max3A_824, %max3A_828 : vector<16xf32>
          %min3A_836 = arith.minimumf %max3A_824, %max3A_828 : vector<16xf32>
          %max3A_837 = arith.maximumf %max3A_829, %max3A_833 : vector<16xf32>
          %min3A_838 = arith.minimumf %max3A_829, %max3A_833 : vector<16xf32>
          %max3A_839 = arith.maximumf %max3A_831, %max3A_835 : vector<16xf32>
          %min3A_840 = arith.minimumf %max3A_831, %max3A_835 : vector<16xf32>
          %max3A_841 = arith.maximumf %min3A_830, %min3A_834 : vector<16xf32>
          %min3A_842 = arith.minimumf %min3A_830, %min3A_834 : vector<16xf32>
          %max3A_843 = arith.maximumf %min3A_832, %min3A_836 : vector<16xf32>
          %min3A_844 = arith.minimumf %min3A_832, %min3A_836 : vector<16xf32>
          %max3A_845 = arith.maximumf %max3A_837, %max3A_839 : vector<16xf32>
          %min3A_846 = arith.minimumf %max3A_837, %max3A_839 : vector<16xf32>
          %max3A_847 = arith.maximumf %min3A_838, %min3A_840 : vector<16xf32>
          %min3A_848 = arith.minimumf %min3A_838, %min3A_840 : vector<16xf32>
          %max3A_849 = arith.maximumf %max3A_841, %max3A_843 : vector<16xf32>
          %min3A_850 = arith.minimumf %max3A_841, %max3A_843 : vector<16xf32>
          %max3A_851 = arith.maximumf %min3A_842, %min3A_844 : vector<16xf32>
          %min3A_852 = arith.minimumf %min3A_842, %min3A_844 : vector<16xf32>
          scf.yield %max3A_845, %min3A_846, %max3A_847, %min3A_848, %max3A_849, %min3A_850, %max3A_851, %min3A_852 : vector<16xf32>, vector<16xf32>, vector<16xf32>, vector<16xf32>, vector<16xf32>, vector<16xf32>, vector<16xf32>, vector<16xf32>
        } else {
          scf.yield %scan3A_298, %scan3A_299, %scan3A_300, %scan3A_301, %scan3A_302, %scan3A_303, %scan3A_304, %scan3A_305 : vector<16xf32>, vector<16xf32>, vector<16xf32>, vector<16xf32>, vector<16xf32>, vector<16xf32>, vector<16xf32>, vector<16xf32>
        }
        %add3A_607 = arith.constant 8 : i32
        %add3A_608 = arith.addi %mul3A_317, %add3A_607 : i32
        %add3A_609 = arith.constant 0 : i32
        %add3A_610 = arith.addi %add3A_608, %add3A_609 : i32
        %get3A_611 = arith.index_cast %add3A_610 : i32 to index
        %get3A_612 = arith.constant 32 : index
        %get3A_613 = tpu.vector_load %arg4[%get3A_611, %get3A_612] {strides = array<i32>} : memref<256x64xf32, #tpu.memory_space<vmem>>, vector<16xf32>,
        %add3A_614 = arith.constant 1 : i32
        %add3A_615 = arith.addi %add3A_608, %add3A_614 : i32
        %get3A_616 = arith.index_cast %add3A_615 : i32 to index
        %get3A_617 = arith.constant 32 : index
        %get3A_618 = tpu.vector_load %arg4[%get3A_616, %get3A_617] {strides = array<i32>} : memref<256x64xf32, #tpu.memory_space<vmem>>, vector<16xf32>,
        %add3A_619 = arith.constant 2 : i32
        %add3A_620 = arith.addi %add3A_608, %add3A_619 : i32
        %get3A_621 = arith.index_cast %add3A_620 : i32 to index
        %get3A_622 = arith.constant 32 : index
        %get3A_623 = tpu.vector_load %arg4[%get3A_621, %get3A_622] {strides = array<i32>} : memref<256x64xf32, #tpu.memory_space<vmem>>, vector<16xf32>,
        %add3A_624 = arith.constant 3 : i32
        %add3A_625 = arith.addi %add3A_608, %add3A_624 : i32
        %get3A_626 = arith.index_cast %add3A_625 : i32 to index
        %get3A_627 = arith.constant 32 : index
        %get3A_628 = tpu.vector_load %arg4[%get3A_626, %get3A_627] {strides = array<i32>} : memref<256x64xf32, #tpu.memory_space<vmem>>, vector<16xf32>,
        %add3A_629 = arith.constant 4 : i32
        %add3A_630 = arith.addi %add3A_608, %add3A_629 : i32
        %get3A_631 = arith.index_cast %add3A_630 : i32 to index
        %get3A_632 = arith.constant 32 : index
        %get3A_633 = tpu.vector_load %arg4[%get3A_631, %get3A_632] {strides = array<i32>} : memref<256x64xf32, #tpu.memory_space<vmem>>, vector<16xf32>,
        %add3A_634 = arith.constant 5 : i32
        %add3A_635 = arith.addi %add3A_608, %add3A_634 : i32
        %get3A_636 = arith.index_cast %add3A_635 : i32 to index
        %get3A_637 = arith.constant 32 : index
        %get3A_638 = tpu.vector_load %arg4[%get3A_636, %get3A_637] {strides = array<i32>} : memref<256x64xf32, #tpu.memory_space<vmem>>, vector<16xf32>,
        %add3A_639 = arith.constant 6 : i32
        %add3A_640 = arith.addi %add3A_608, %add3A_639 : i32
        %get3A_641 = arith.index_cast %add3A_640 : i32 to index
        %get3A_642 = arith.constant 32 : index
        %get3A_643 = tpu.vector_load %arg4[%get3A_641, %get3A_642] {strides = array<i32>} : memref<256x64xf32, #tpu.memory_space<vmem>>, vector<16xf32>,
        %add3A_644 = arith.constant 7 : i32
        %add3A_645 = arith.addi %add3A_608, %add3A_644 : i32
        %get3A_646 = arith.index_cast %add3A_645 : i32 to index
        %get3A_647 = arith.constant 32 : index
        %get3A_648 = tpu.vector_load %arg4[%get3A_646, %get3A_647] {strides = array<i32>} : memref<256x64xf32, #tpu.memory_space<vmem>>, vector<16xf32>,
        %max3A_649 = arith.maximumf %get3A_613, %get3A_618 : vector<16xf32>
        %max3A_650 = arith.maximumf %get3A_623, %get3A_628 : vector<16xf32>
        %max3A_651 = arith.maximumf %get3A_633, %get3A_638 : vector<16xf32>
        %max3A_652 = arith.maximumf %get3A_643, %get3A_648 : vector<16xf32>
        %max3A_653 = arith.maximumf %max3A_649, %max3A_650 : vector<16xf32>
        %max3A_654 = arith.maximumf %max3A_651, %max3A_652 : vector<16xf32>
        %max3A_655 = arith.maximumf %max3A_653, %max3A_654 : vector<16xf32>
        %gt3A_656 = arith.cmpf ogt, %max3A_655, %cond3A_606#7 : vector<16xf32>
        %all_reduce_population_count3A_657 = tpu.all_reduce %gt3A_656 {dim = 0 : i64, kind = #tpu.reduction_kind<sum>} : vector<16xi1> -> vector<16xi32>
        %slice3A_658 = vector.extract_strided_slice %all_reduce_population_count3A_657 {offsets = [0], sizes = [1], strides = [1]} : vector<16xi32> to vector<1xi32>
        %squeeze3A_659 = vector.extract %slice3A_658[0] : i32 from vector<1xi32>
        %gt3A_660 = arith.constant 0 : i32
        %gt3A_661 = arith.cmpi sgt, %squeeze3A_659, %gt3A_660 : i32
        %convert_element_type3A_662 = arith.extui %gt3A_661 : i1 to i32
        %cond3A_663 = arith.constant 0 : i32
        %cond3A_664 = arith.cmpi ne, %convert_element_type3A_662, %cond3A_663 : i32
        %cond3A_665:8 = scf.if %cond3A_664 -> (vector<16xf32>, vector<16xf32>, vector<16xf32>, vector<16xf32>, vector<16xf32>, vector<16xf32>, vector<16xf32>, vector<16xf32>) {
          %max3A_784 = arith.maximumf %get3A_613, %get3A_618 : vector<16xf32>
          %min3A = arith.minimumf %get3A_613, %get3A_618 : vector<16xf32>
          %max3A_785 = arith.maximumf %get3A_623, %get3A_628 : vector<16xf32>
          %min3A_786 = arith.minimumf %get3A_623, %get3A_628 : vector<16xf32>
          %max3A_787 = arith.maximumf %get3A_633, %get3A_638 : vector<16xf32>
          %min3A_788 = arith.minimumf %get3A_633, %get3A_638 : vector<16xf32>
          %max3A_789 = arith.maximumf %get3A_643, %get3A_648 : vector<16xf32>
          %min3A_790 = arith.minimumf %get3A_643, %get3A_648 : vector<16xf32>
          %max3A_791 = arith.maximumf %max3A_784, %max3A_785 : vector<16xf32>
          %min3A_792 = arith.minimumf %max3A_784, %max3A_785 : vector<16xf32>
          %max3A_793 = arith.maximumf %min3A, %min3A_786 : vector<16xf32>
          %min3A_794 = arith.minimumf %min3A, %min3A_786 : vector<16xf32>
          %max3A_795 = arith.maximumf %max3A_787, %max3A_789 : vector<16xf32>
          %min3A_796 = arith.minimumf %max3A_787, %max3A_789 : vector<16xf32>
          %max3A_797 = arith.maximumf %min3A_788, %min3A_790 : vector<16xf32>
          %min3A_798 = arith.minimumf %min3A_788, %min3A_790 : vector<16xf32>
          %max3A_799 = arith.maximumf %max3A_793, %min3A_792 : vector<16xf32>
          %min3A_800 = arith.minimumf %max3A_793, %min3A_792 : vector<16xf32>
          %max3A_801 = arith.maximumf %max3A_797, %min3A_796 : vector<16xf32>
          %min3A_802 = arith.minimumf %max3A_797, %min3A_796 : vector<16xf32>
          %max3A_803 = arith.maximumf %max3A_791, %max3A_795 : vector<16xf32>
          %min3A_804 = arith.minimumf %max3A_791, %max3A_795 : vector<16xf32>
          %max3A_805 = arith.maximumf %max3A_799, %max3A_801 : vector<16xf32>
          %min3A_806 = arith.minimumf %max3A_799, %max3A_801 : vector<16xf32>
          %max3A_807 = arith.maximumf %min3A_800, %min3A_802 : vector<16xf32>
          %min3A_808 = arith.minimumf %min3A_800, %min3A_802 : vector<16xf32>
          %max3A_809 = arith.maximumf %min3A_794, %min3A_798 : vector<16xf32>
          %min3A_810 = arith.minimumf %min3A_794, %min3A_798 : vector<16xf32>
          %max3A_811 = arith.maximumf %max3A_807, %min3A_804 : vector<16xf32>
          %min3A_812 = arith.minimumf %max3A_807, %min3A_804 : vector<16xf32>
          %max3A_813 = arith.maximumf %max3A_809, %min3A_806 : vector<16xf32>
          %min3A_814 = arith.minimumf %max3A_809, %min3A_806 : vector<16xf32>
          %max3A_815 = arith.maximumf %max3A_805, %max3A_811 : vector<16xf32>
          %min3A_816 = arith.minimumf %max3A_805, %max3A_811 : vector<16xf32>
          %max3A_817 = arith.maximumf %max3A_813, %min3A_812 : vector<16xf32>
          %min3A_818 = arith.minimumf %max3A_813, %min3A_812 : vector<16xf32>
          %max3A_819 = arith.maximumf %min3A_814, %min3A_808 : vector<16xf32>
          %min3A_820 = arith.minimumf %min3A_814, %min3A_808 : vector<16xf32>
          %max3A_821 = arith.maximumf %cond3A_606#0, %min3A_810 : vector<16xf32>
          %max3A_822 = arith.maximumf %cond3A_606#1, %min3A_820 : vector<16xf32>
          %max3A_823 = arith.maximumf %cond3A_606#2, %max3A_819 : vector<16xf32>
          %max3A_824 = arith.maximumf %cond3A_606#3, %min3A_818 : vector<16xf32>
          %max3A_825 = arith.maximumf %cond3A_606#4, %max3A_817 : vector<16xf32>
          %max3A_826 = arith.maximumf %cond3A_606#5, %min3A_816 : vector<16xf32>
          %max3A_827 = arith.maximumf %cond3A_606#6, %max3A_815 : vector<16xf32>
          %max3A_828 = arith.maximumf %cond3A_606#7, %max3A_803 : vector<16xf32>
          %max3A_829 = arith.maximumf %max3A_821, %max3A_825 : vector<16xf32>
          %min3A_830 = arith.minimumf %max3A_821, %max3A_825 : vector<16xf32>
          %max3A_831 = arith.maximumf %max3A_822, %max3A_826 : vector<16xf32>
          %min3A_832 = arith.minimumf %max3A_822, %max3A_826 : vector<16xf32>
          %max3A_833 = arith.maximumf %max3A_823, %max3A_827 : vector<16xf32>
          %min3A_834 = arith.minimumf %max3A_823, %max3A_827 : vector<16xf32>
          %max3A_835 = arith.maximumf %max3A_824, %max3A_828 : vector<16xf32>
          %min3A_836 = arith.minimumf %max3A_824, %max3A_828 : vector<16xf32>
          %max3A_837 = arith.maximumf %max3A_829, %max3A_833 : vector<16xf32>
          %min3A_838 = arith.minimumf %max3A_829, %max3A_833 : vector<16xf32>
          %max3A_839 = arith.maximumf %max3A_831, %max3A_835 : vector<16xf32>
          %min3A_840 = arith.minimumf %max3A_831, %max3A_835 : vector<16xf32>
          %max3A_841 = arith.maximumf %min3A_830, %min3A_834 : vector<16xf32>
          %min3A_842 = arith.minimumf %min3A_830, %min3A_834 : vector<16xf32>
          %max3A_843 = arith.maximumf %min3A_832, %min3A_836 : vector<16xf32>
          %min3A_844 = arith.minimumf %min3A_832, %min3A_836 : vector<16xf32>
          %max3A_845 = arith.maximumf %max3A_837, %max3A_839 : vector<16xf32>
          %min3A_846 = arith.minimumf %max3A_837, %max3A_839 : vector<16xf32>
          %max3A_847 = arith.maximumf %min3A_838, %min3A_840 : vector<16xf32>
          %min3A_848 = arith.minimumf %min3A_838, %min3A_840 : vector<16xf32>
          %max3A_849 = arith.maximumf %max3A_841, %max3A_843 : vector<16xf32>
          %min3A_850 = arith.minimumf %max3A_841, %max3A_843 : vector<16xf32>
          %max3A_851 = arith.maximumf %min3A_842, %min3A_844 : vector<16xf32>
          %min3A_852 = arith.minimumf %min3A_842, %min3A_844 : vector<16xf32>
          scf.yield %max3A_845, %min3A_846, %max3A_847, %min3A_848, %max3A_849, %min3A_850, %max3A_851, %min3A_852 : vector<16xf32>, vector<16xf32>, vector<16xf32>, vector<16xf32>, vector<16xf32>, vector<16xf32>, vector<16xf32>, vector<16xf32>
        } else {
          scf.yield %cond3A_606#0, %cond3A_606#1, %cond3A_606#2, %cond3A_606#3, %cond3A_606#4, %cond3A_606#5, %cond3A_606#6, %cond3A_606#7 : vector<16xf32>, vector<16xf32>, vector<16xf32>, vector<16xf32>, vector<16xf32>, vector<16xf32>, vector<16xf32>, vector<16xf32>
        }
        %add3A_666 = arith.constant 0 : i32
        %add3A_667 = arith.addi %mul3A_317, %add3A_666 : i32
        %add3A_668 = arith.constant 0 : i32
        %add3A_669 = arith.addi %add3A_667, %add3A_668 : i32
        %get3A_670 = arith.index_cast %add3A_669 : i32 to index
        %get3A_671 = arith.constant 48 : index
        %get3A_672 = tpu.vector_load %arg4[%get3A_670, %get3A_671] {strides = array<i32>} : memref<256x64xf32, #tpu.memory_space<vmem>>, vector<16xf32>,
        %add3A_673 = arith.constant 1 : i32
        %add3A_674 = arith.addi %add3A_667, %add3A_673 : i32
        %get3A_675 = arith.index_cast %add3A_674 : i32 to index
        %get3A_676 = arith.constant 48 : index
        %get3A_677 = tpu.vector_load %arg4[%get3A_675, %get3A_676] {strides = array<i32>} : memref<256x64xf32, #tpu.memory_space<vmem>>, vector<16xf32>,
        %add3A_678 = arith.constant 2 : i32
        %add3A_679 = arith.addi %add3A_667, %add3A_678 : i32
        %get3A_680 = arith.index_cast %add3A_679 : i32 to index
        %get3A_681 = arith.constant 48 : index
        %get3A_682 = tpu.vector_load %arg4[%get3A_680, %get3A_681] {strides = array<i32>} : memref<256x64xf32, #tpu.memory_space<vmem>>, vector<16xf32>,
        %add3A_683 = arith.constant 3 : i32
        %add3A_684 = arith.addi %add3A_667, %add3A_683 : i32
        %get3A_685 = arith.index_cast %add3A_684 : i32 to index
        %get3A_686 = arith.constant 48 : index
        %get3A_687 = tpu.vector_load %arg4[%get3A_685, %get3A_686] {strides = array<i32>} : memref<256x64xf32, #tpu.memory_space<vmem>>, vector<16xf32>,
        %add3A_688 = arith.constant 4 : i32
        %add3A_689 = arith.addi %add3A_667, %add3A_688 : i32
        %get3A_690 = arith.index_cast %add3A_689 : i32 to index
        %get3A_691 = arith.constant 48 : index
        %get3A_692 = tpu.vector_load %arg4[%get3A_690, %get3A_691] {strides = array<i32>} : memref<256x64xf32, #tpu.memory_space<vmem>>, vector<16xf32>,
        %add3A_693 = arith.constant 5 : i32
        %add3A_694 = arith.addi %add3A_667, %add3A_693 : i32
        %get3A_695 = arith.index_cast %add3A_694 : i32 to index
        %get3A_696 = arith.constant 48 : index
        %get3A_697 = tpu.vector_load %arg4[%get3A_695, %get3A_696] {strides = array<i32>} : memref<256x64xf32, #tpu.memory_space<vmem>>, vector<16xf32>,
        %add3A_698 = arith.constant 6 : i32
        %add3A_699 = arith.addi %add3A_667, %add3A_698 : i32
        %get3A_700 = arith.index_cast %add3A_699 : i32 to index
        %get3A_701 = arith.constant 48 : index
        %get3A_702 = tpu.vector_load %arg4[%get3A_700, %get3A_701] {strides = array<i32>} : memref<256x64xf32, #tpu.memory_space<vmem>>, vector<16xf32>,
        %add3A_703 = arith.constant 7 : i32
        %add3A_704 = arith.addi %add3A_667, %add3A_703 : i32
        %get3A_705 = arith.index_cast %add3A_704 : i32 to index
        %get3A_706 = arith.constant 48 : index
        %get3A_707 = tpu.vector_load %arg4[%get3A_705, %get3A_706] {strides = array<i32>} : memref<256x64xf32, #tpu.memory_space<vmem>>, vector<16xf32>,
        %max3A_708 = arith.maximumf %get3A_672, %get3A_677 : vector<16xf32>
        %max3A_709 = arith.maximumf %get3A_682, %get3A_687 : vector<16xf32>
        %max3A_710 = arith.maximumf %get3A_692, %get3A_697 : vector<16xf32>
        %max3A_711 = arith.maximumf %get3A_702, %get3A_707 : vector<16xf32>
        %max3A_712 = arith.maximumf %max3A_708, %max3A_709 : vector<16xf32>
        %max3A_713 = arith.maximumf %max3A_710, %max3A_711 : vector<16xf32>
        %max3A_714 = arith.maximumf %max3A_712, %max3A_713 : vector<16xf32>
        %gt3A_715 = arith.cmpf ogt, %max3A_714, %scan3A_313 : vector<16xf32>
        %all_reduce_population_count3A_716 = tpu.all_reduce %gt3A_715 {dim = 0 : i64, kind = #tpu.reduction_kind<sum>} : vector<16xi1> -> vector<16xi32>
        %slice3A_717 = vector.extract_strided_slice %all_reduce_population_count3A_716 {offsets = [0], sizes = [1], strides = [1]} : vector<16xi32> to vector<1xi32>
        %squeeze3A_718 = vector.extract %slice3A_717[0] : i32 from vector<1xi32>
        %gt3A_719 = arith.constant 0 : i32
        %gt3A_720 = arith.cmpi sgt, %squeeze3A_718, %gt3A_719 : i32
        %convert_element_type3A_721 = arith.extui %gt3A_720 : i1 to i32
        %cond3A_722 = arith.constant 0 : i32
        %cond3A_723 = arith.cmpi ne, %convert_element_type3A_721, %cond3A_722 : i32
        %cond3A_724:8 = scf.if %cond3A_723 -> (vector<16xf32>, vector<16xf32>, vector<16xf32>, vector<16xf32>, vector<16xf32>, vector<16xf32>, vector<16xf32>, vector<16xf32>) {
          %max3A_784 = arith.maximumf %get3A_672, %get3A_677 : vector<16xf32>
          %min3A = arith.minimumf %get3A_672, %get3A_677 : vector<16xf32>
          %max3A_785 = arith.maximumf %get3A_682, %get3A_687 : vector<16xf32>
          %min3A_786 = arith.minimumf %get3A_682, %get3A_687 : vector<16xf32>
          %max3A_787 = arith.maximumf %get3A_692, %get3A_697 : vector<16xf32>
          %min3A_788 = arith.minimumf %get3A_692, %get3A_697 : vector<16xf32>
          %max3A_789 = arith.maximumf %get3A_702, %get3A_707 : vector<16xf32>
          %min3A_790 = arith.minimumf %get3A_702, %get3A_707 : vector<16xf32>
          %max3A_791 = arith.maximumf %max3A_784, %max3A_785 : vector<16xf32>
          %min3A_792 = arith.minimumf %max3A_784, %max3A_785 : vector<16xf32>
          %max3A_793 = arith.maximumf %min3A, %min3A_786 : vector<16xf32>
          %min3A_794 = arith.minimumf %min3A, %min3A_786 : vector<16xf32>
          %max3A_795 = arith.maximumf %max3A_787, %max3A_789 : vector<16xf32>
          %min3A_796 = arith.minimumf %max3A_787, %max3A_789 : vector<16xf32>
          %max3A_797 = arith.maximumf %min3A_788, %min3A_790 : vector<16xf32>
          %min3A_798 = arith.minimumf %min3A_788, %min3A_790 : vector<16xf32>
          %max3A_799 = arith.maximumf %max3A_793, %min3A_792 : vector<16xf32>
          %min3A_800 = arith.minimumf %max3A_793, %min3A_792 : vector<16xf32>
          %max3A_801 = arith.maximumf %max3A_797, %min3A_796 : vector<16xf32>
          %min3A_802 = arith.minimumf %max3A_797, %min3A_796 : vector<16xf32>
          %max3A_803 = arith.maximumf %max3A_791, %max3A_795 : vector<16xf32>
          %min3A_804 = arith.minimumf %max3A_791, %max3A_795 : vector<16xf32>
          %max3A_805 = arith.maximumf %max3A_799, %max3A_801 : vector<16xf32>
          %min3A_806 = arith.minimumf %max3A_799, %max3A_801 : vector<16xf32>
          %max3A_807 = arith.maximumf %min3A_800, %min3A_802 : vector<16xf32>
          %min3A_808 = arith.minimumf %min3A_800, %min3A_802 : vector<16xf32>
          %max3A_809 = arith.maximumf %min3A_794, %min3A_798 : vector<16xf32>
          %min3A_810 = arith.minimumf %min3A_794, %min3A_798 : vector<16xf32>
          %max3A_811 = arith.maximumf %max3A_807, %min3A_804 : vector<16xf32>
          %min3A_812 = arith.minimumf %max3A_807, %min3A_804 : vector<16xf32>
          %max3A_813 = arith.maximumf %max3A_809, %min3A_806 : vector<16xf32>
          %min3A_814 = arith.minimumf %max3A_809, %min3A_806 : vector<16xf32>
          %max3A_815 = arith.maximumf %max3A_805, %max3A_811 : vector<16xf32>
          %min3A_816 = arith.minimumf %max3A_805, %max3A_811 : vector<16xf32>
          %max3A_817 = arith.maximumf %max3A_813, %min3A_812 : vector<16xf32>
          %min3A_818 = arith.minimumf %max3A_813, %min3A_812 : vector<16xf32>
          %max3A_819 = arith.maximumf %min3A_814, %min3A_808 : vector<16xf32>
          %min3A_820 = arith.minimumf %min3A_814, %min3A_808 : vector<16xf32>
          %max3A_821 = arith.maximumf %scan3A_306, %min3A_810 : vector<16xf32>
          %max3A_822 = arith.maximumf %scan3A_307, %min3A_820 : vector<16xf32>
          %max3A_823 = arith.maximumf %scan3A_308, %max3A_819 : vector<16xf32>
          %max3A_824 = arith.maximumf %scan3A_309, %min3A_818 : vector<16xf32>
          %max3A_825 = arith.maximumf %scan3A_310, %max3A_817 : vector<16xf32>
          %max3A_826 = arith.maximumf %scan3A_311, %min3A_816 : vector<16xf32>
          %max3A_827 = arith.maximumf %scan3A_312, %max3A_815 : vector<16xf32>
          %max3A_828 = arith.maximumf %scan3A_313, %max3A_803 : vector<16xf32>
          %max3A_829 = arith.maximumf %max3A_821, %max3A_825 : vector<16xf32>
          %min3A_830 = arith.minimumf %max3A_821, %max3A_825 : vector<16xf32>
          %max3A_831 = arith.maximumf %max3A_822, %max3A_826 : vector<16xf32>
          %min3A_832 = arith.minimumf %max3A_822, %max3A_826 : vector<16xf32>
          %max3A_833 = arith.maximumf %max3A_823, %max3A_827 : vector<16xf32>
          %min3A_834 = arith.minimumf %max3A_823, %max3A_827 : vector<16xf32>
          %max3A_835 = arith.maximumf %max3A_824, %max3A_828 : vector<16xf32>
          %min3A_836 = arith.minimumf %max3A_824, %max3A_828 : vector<16xf32>
          %max3A_837 = arith.maximumf %max3A_829, %max3A_833 : vector<16xf32>
          %min3A_838 = arith.minimumf %max3A_829, %max3A_833 : vector<16xf32>
          %max3A_839 = arith.maximumf %max3A_831, %max3A_835 : vector<16xf32>
          %min3A_840 = arith.minimumf %max3A_831, %max3A_835 : vector<16xf32>
          %max3A_841 = arith.maximumf %min3A_830, %min3A_834 : vector<16xf32>
          %min3A_842 = arith.minimumf %min3A_830, %min3A_834 : vector<16xf32>
          %max3A_843 = arith.maximumf %min3A_832, %min3A_836 : vector<16xf32>
          %min3A_844 = arith.minimumf %min3A_832, %min3A_836 : vector<16xf32>
          %max3A_845 = arith.maximumf %max3A_837, %max3A_839 : vector<16xf32>
          %min3A_846 = arith.minimumf %max3A_837, %max3A_839 : vector<16xf32>
          %max3A_847 = arith.maximumf %min3A_838, %min3A_840 : vector<16xf32>
          %min3A_848 = arith.minimumf %min3A_838, %min3A_840 : vector<16xf32>
          %max3A_849 = arith.maximumf %max3A_841, %max3A_843 : vector<16xf32>
          %min3A_850 = arith.minimumf %max3A_841, %max3A_843 : vector<16xf32>
          %max3A_851 = arith.maximumf %min3A_842, %min3A_844 : vector<16xf32>
          %min3A_852 = arith.minimumf %min3A_842, %min3A_844 : vector<16xf32>
          scf.yield %max3A_845, %min3A_846, %max3A_847, %min3A_848, %max3A_849, %min3A_850, %max3A_851, %min3A_852 : vector<16xf32>, vector<16xf32>, vector<16xf32>, vector<16xf32>, vector<16xf32>, vector<16xf32>, vector<16xf32>, vector<16xf32>
        } else {
          scf.yield %scan3A_306, %scan3A_307, %scan3A_308, %scan3A_309, %scan3A_310, %scan3A_311, %scan3A_312, %scan3A_313 : vector<16xf32>, vector<16xf32>, vector<16xf32>, vector<16xf32>, vector<16xf32>, vector<16xf32>, vector<16xf32>, vector<16xf32>
        }
        %add3A_725 = arith.constant 8 : i32
        %add3A_726 = arith.addi %mul3A_317, %add3A_725 : i32
        %add3A_727 = arith.constant 0 : i32
        %add3A_728 = arith.addi %add3A_726, %add3A_727 : i32
        %get3A_729 = arith.index_cast %add3A_728 : i32 to index
        %get3A_730 = arith.constant 48 : index
        %get3A_731 = tpu.vector_load %arg4[%get3A_729, %get3A_730] {strides = array<i32>} : memref<256x64xf32, #tpu.memory_space<vmem>>, vector<16xf32>,
        %add3A_732 = arith.constant 1 : i32
        %add3A_733 = arith.addi %add3A_726, %add3A_732 : i32
        %get3A_734 = arith.index_cast %add3A_733 : i32 to index
        %get3A_735 = arith.constant 48 : index
        %get3A_736 = tpu.vector_load %arg4[%get3A_734, %get3A_735] {strides = array<i32>} : memref<256x64xf32, #tpu.memory_space<vmem>>, vector<16xf32>,
        %add3A_737 = arith.constant 2 : i32
        %add3A_738 = arith.addi %add3A_726, %add3A_737 : i32
        %get3A_739 = arith.index_cast %add3A_738 : i32 to index
        %get3A_740 = arith.constant 48 : index
        %get3A_741 = tpu.vector_load %arg4[%get3A_739, %get3A_740] {strides = array<i32>} : memref<256x64xf32, #tpu.memory_space<vmem>>, vector<16xf32>,
        %add3A_742 = arith.constant 3 : i32
        %add3A_743 = arith.addi %add3A_726, %add3A_742 : i32
        %get3A_744 = arith.index_cast %add3A_743 : i32 to index
        %get3A_745 = arith.constant 48 : index
        %get3A_746 = tpu.vector_load %arg4[%get3A_744, %get3A_745] {strides = array<i32>} : memref<256x64xf32, #tpu.memory_space<vmem>>, vector<16xf32>,
        %add3A_747 = arith.constant 4 : i32
        %add3A_748 = arith.addi %add3A_726, %add3A_747 : i32
        %get3A_749 = arith.index_cast %add3A_748 : i32 to index
        %get3A_750 = arith.constant 48 : index
        %get3A_751 = tpu.vector_load %arg4[%get3A_749, %get3A_750] {strides = array<i32>} : memref<256x64xf32, #tpu.memory_space<vmem>>, vector<16xf32>,
        %add3A_752 = arith.constant 5 : i32
        %add3A_753 = arith.addi %add3A_726, %add3A_752 : i32
        %get3A_754 = arith.index_cast %add3A_753 : i32 to index
        %get3A_755 = arith.constant 48 : index
        %get3A_756 = tpu.vector_load %arg4[%get3A_754, %get3A_755] {strides = array<i32>} : memref<256x64xf32, #tpu.memory_space<vmem>>, vector<16xf32>,
        %add3A_757 = arith.constant 6 : i32
        %add3A_758 = arith.addi %add3A_726, %add3A_757 : i32
        %get3A_759 = arith.index_cast %add3A_758 : i32 to index
        %get3A_760 = arith.constant 48 : index
        %get3A_761 = tpu.vector_load %arg4[%get3A_759, %get3A_760] {strides = array<i32>} : memref<256x64xf32, #tpu.memory_space<vmem>>, vector<16xf32>,
        %add3A_762 = arith.constant 7 : i32
        %add3A_763 = arith.addi %add3A_726, %add3A_762 : i32
        %get3A_764 = arith.index_cast %add3A_763 : i32 to index
        %get3A_765 = arith.constant 48 : index
        %get3A_766 = tpu.vector_load %arg4[%get3A_764, %get3A_765] {strides = array<i32>} : memref<256x64xf32, #tpu.memory_space<vmem>>, vector<16xf32>,
        %max3A_767 = arith.maximumf %get3A_731, %get3A_736 : vector<16xf32>
        %max3A_768 = arith.maximumf %get3A_741, %get3A_746 : vector<16xf32>
        %max3A_769 = arith.maximumf %get3A_751, %get3A_756 : vector<16xf32>
        %max3A_770 = arith.maximumf %get3A_761, %get3A_766 : vector<16xf32>
        %max3A_771 = arith.maximumf %max3A_767, %max3A_768 : vector<16xf32>
        %max3A_772 = arith.maximumf %max3A_769, %max3A_770 : vector<16xf32>
        %max3A_773 = arith.maximumf %max3A_771, %max3A_772 : vector<16xf32>
        %gt3A_774 = arith.cmpf ogt, %max3A_773, %cond3A_724#7 : vector<16xf32>
        %all_reduce_population_count3A_775 = tpu.all_reduce %gt3A_774 {dim = 0 : i64, kind = #tpu.reduction_kind<sum>} : vector<16xi1> -> vector<16xi32>
        %slice3A_776 = vector.extract_strided_slice %all_reduce_population_count3A_775 {offsets = [0], sizes = [1], strides = [1]} : vector<16xi32> to vector<1xi32>
        %squeeze3A_777 = vector.extract %slice3A_776[0] : i32 from vector<1xi32>
        %gt3A_778 = arith.constant 0 : i32
        %gt3A_779 = arith.cmpi sgt, %squeeze3A_777, %gt3A_778 : i32
        %convert_element_type3A_780 = arith.extui %gt3A_779 : i1 to i32
        %cond3A_781 = arith.constant 0 : i32
        %cond3A_782 = arith.cmpi ne, %convert_element_type3A_780, %cond3A_781 : i32
        %cond3A_783:8 = scf.if %cond3A_782 -> (vector<16xf32>, vector<16xf32>, vector<16xf32>, vector<16xf32>, vector<16xf32>, vector<16xf32>, vector<16xf32>, vector<16xf32>) {
          %max3A_784 = arith.maximumf %get3A_731, %get3A_736 : vector<16xf32>
          %min3A = arith.minimumf %get3A_731, %get3A_736 : vector<16xf32>
          %max3A_785 = arith.maximumf %get3A_741, %get3A_746 : vector<16xf32>
          %min3A_786 = arith.minimumf %get3A_741, %get3A_746 : vector<16xf32>
          %max3A_787 = arith.maximumf %get3A_751, %get3A_756 : vector<16xf32>
          %min3A_788 = arith.minimumf %get3A_751, %get3A_756 : vector<16xf32>
          %max3A_789 = arith.maximumf %get3A_761, %get3A_766 : vector<16xf32>
          %min3A_790 = arith.minimumf %get3A_761, %get3A_766 : vector<16xf32>
          %max3A_791 = arith.maximumf %max3A_784, %max3A_785 : vector<16xf32>
          %min3A_792 = arith.minimumf %max3A_784, %max3A_785 : vector<16xf32>
          %max3A_793 = arith.maximumf %min3A, %min3A_786 : vector<16xf32>
          %min3A_794 = arith.minimumf %min3A, %min3A_786 : vector<16xf32>
          %max3A_795 = arith.maximumf %max3A_787, %max3A_789 : vector<16xf32>
          %min3A_796 = arith.minimumf %max3A_787, %max3A_789 : vector<16xf32>
          %max3A_797 = arith.maximumf %min3A_788, %min3A_790 : vector<16xf32>
          %min3A_798 = arith.minimumf %min3A_788, %min3A_790 : vector<16xf32>
          %max3A_799 = arith.maximumf %max3A_793, %min3A_792 : vector<16xf32>
          %min3A_800 = arith.minimumf %max3A_793, %min3A_792 : vector<16xf32>
          %max3A_801 = arith.maximumf %max3A_797, %min3A_796 : vector<16xf32>
          %min3A_802 = arith.minimumf %max3A_797, %min3A_796 : vector<16xf32>
          %max3A_803 = arith.maximumf %max3A_791, %max3A_795 : vector<16xf32>
          %min3A_804 = arith.minimumf %max3A_791, %max3A_795 : vector<16xf32>
          %max3A_805 = arith.maximumf %max3A_799, %max3A_801 : vector<16xf32>
          %min3A_806 = arith.minimumf %max3A_799, %max3A_801 : vector<16xf32>
          %max3A_807 = arith.maximumf %min3A_800, %min3A_802 : vector<16xf32>
          %min3A_808 = arith.minimumf %min3A_800, %min3A_802 : vector<16xf32>
          %max3A_809 = arith.maximumf %min3A_794, %min3A_798 : vector<16xf32>
          %min3A_810 = arith.minimumf %min3A_794, %min3A_798 : vector<16xf32>
          %max3A_811 = arith.maximumf %max3A_807, %min3A_804 : vector<16xf32>
          %min3A_812 = arith.minimumf %max3A_807, %min3A_804 : vector<16xf32>
          %max3A_813 = arith.maximumf %max3A_809, %min3A_806 : vector<16xf32>
          %min3A_814 = arith.minimumf %max3A_809, %min3A_806 : vector<16xf32>
          %max3A_815 = arith.maximumf %max3A_805, %max3A_811 : vector<16xf32>
          %min3A_816 = arith.minimumf %max3A_805, %max3A_811 : vector<16xf32>
          %max3A_817 = arith.maximumf %max3A_813, %min3A_812 : vector<16xf32>
          %min3A_818 = arith.minimumf %max3A_813, %min3A_812 : vector<16xf32>
          %max3A_819 = arith.maximumf %min3A_814, %min3A_808 : vector<16xf32>
          %min3A_820 = arith.minimumf %min3A_814, %min3A_808 : vector<16xf32>
          %max3A_821 = arith.maximumf %cond3A_724#0, %min3A_810 : vector<16xf32>
          %max3A_822 = arith.maximumf %cond3A_724#1, %min3A_820 : vector<16xf32>
          %max3A_823 = arith.maximumf %cond3A_724#2, %max3A_819 : vector<16xf32>
          %max3A_824 = arith.maximumf %cond3A_724#3, %min3A_818 : vector<16xf32>
          %max3A_825 = arith.maximumf %cond3A_724#4, %max3A_817 : vector<16xf32>
          %max3A_826 = arith.maximumf %cond3A_724#5, %min3A_816 : vector<16xf32>
          %max3A_827 = arith.maximumf %cond3A_724#6, %max3A_815 : vector<16xf32>
          %max3A_828 = arith.maximumf %cond3A_724#7, %max3A_803 : vector<16xf32>
          %max3A_829 = arith.maximumf %max3A_821, %max3A_825 : vector<16xf32>
          %min3A_830 = arith.minimumf %max3A_821, %max3A_825 : vector<16xf32>
          %max3A_831 = arith.maximumf %max3A_822, %max3A_826 : vector<16xf32>
          %min3A_832 = arith.minimumf %max3A_822, %max3A_826 : vector<16xf32>
          %max3A_833 = arith.maximumf %max3A_823, %max3A_827 : vector<16xf32>
          %min3A_834 = arith.minimumf %max3A_823, %max3A_827 : vector<16xf32>
          %max3A_835 = arith.maximumf %max3A_824, %max3A_828 : vector<16xf32>
          %min3A_836 = arith.minimumf %max3A_824, %max3A_828 : vector<16xf32>
          %max3A_837 = arith.maximumf %max3A_829, %max3A_833 : vector<16xf32>
          %min3A_838 = arith.minimumf %max3A_829, %max3A_833 : vector<16xf32>
          %max3A_839 = arith.maximumf %max3A_831, %max3A_835 : vector<16xf32>
          %min3A_840 = arith.minimumf %max3A_831, %max3A_835 : vector<16xf32>
          %max3A_841 = arith.maximumf %min3A_830, %min3A_834 : vector<16xf32>
          %min3A_842 = arith.minimumf %min3A_830, %min3A_834 : vector<16xf32>
          %max3A_843 = arith.maximumf %min3A_832, %min3A_836 : vector<16xf32>
          %min3A_844 = arith.minimumf %min3A_832, %min3A_836 : vector<16xf32>
          %max3A_845 = arith.maximumf %max3A_837, %max3A_839 : vector<16xf32>
          %min3A_846 = arith.minimumf %max3A_837, %max3A_839 : vector<16xf32>
          %max3A_847 = arith.maximumf %min3A_838, %min3A_840 : vector<16xf32>
          %min3A_848 = arith.minimumf %min3A_838, %min3A_840 : vector<16xf32>
          %max3A_849 = arith.maximumf %max3A_841, %max3A_843 : vector<16xf32>
          %min3A_850 = arith.minimumf %max3A_841, %max3A_843 : vector<16xf32>
          %max3A_851 = arith.maximumf %min3A_842, %min3A_844 : vector<16xf32>
          %min3A_852 = arith.minimumf %min3A_842, %min3A_844 : vector<16xf32>
          scf.yield %max3A_845, %min3A_846, %max3A_847, %min3A_848, %max3A_849, %min3A_850, %max3A_851, %min3A_852 : vector<16xf32>, vector<16xf32>, vector<16xf32>, vector<16xf32>, vector<16xf32>, vector<16xf32>, vector<16xf32>, vector<16xf32>
        } else {
          scf.yield %cond3A_724#0, %cond3A_724#1, %cond3A_724#2, %cond3A_724#3, %cond3A_724#4, %cond3A_724#5, %cond3A_724#6, %cond3A_724#7 : vector<16xf32>, vector<16xf32>, vector<16xf32>, vector<16xf32>, vector<16xf32>, vector<16xf32>, vector<16xf32>, vector<16xf32>
        }
        scf.yield %cond3A_429#0, %cond3A_429#1, %cond3A_429#2, %cond3A_429#3, %cond3A_429#4, %cond3A_429#5, %cond3A_429#6, %cond3A_429#7, %cond3A_547#0, %cond3A_547#1, %cond3A_547#2, %cond3A_547#3, %cond3A_547#4, %cond3A_547#5, %cond3A_547#6, %cond3A_547#7, %cond3A_665#0, %cond3A_665#1, %cond3A_665#2, %cond3A_665#3, %cond3A_665#4, %cond3A_665#5, %cond3A_665#6, %cond3A_665#7, %cond3A_783#0, %cond3A_783#1, %cond3A_783#2, %cond3A_783#3, %cond3A_783#4, %cond3A_783#5, %cond3A_783#6, %cond3A_783#7 : vector<16xf32>, vector<16xf32>, vector<16xf32>, vector<16xf32>, vector<16xf32>, vector<16xf32>, vector<16xf32>, vector<16xf32>, vector<16xf32>, vector<16xf32>, vector<16xf32>, vector<16xf32>, vector<16xf32>, vector<16xf32>, vector<16xf32>, vector<16xf32>, vector<16xf32>, vector<16xf32>, vector<16xf32>, vector<16xf32>, vector<16xf32>, vector<16xf32>, vector<16xf32>, vector<16xf32>, vector<16xf32>, vector<16xf32>, vector<16xf32>, vector<16xf32>, vector<16xf32>, vector<16xf32>, vector<16xf32>, vector<16xf32>
      }
      %scan3A_260 = arith.constant 16 : i32
      %add3A_261 = arith.constant 1 : i32
      %add3A_262 = arith.addi %mul3A_237, %add3A_261 : i32
      %mul3A_263 = arith.constant 256 : i32
      %mul3A_264 = arith.muli %add3A_262, %mul3A_263 : i32
      %dma_wait3A_265 = arith.constant 0 : i32
      %dma_wait3A_266 = tpu.memref_slice %arg2[%add3A, %mul3A_264, %dma_wait3A_265] : memref<32x32768x64xf32, #tpu.memory_space<hbm>> -> memref<1x256x64xf32, #tpu.memory_space<hbm>>
      %dma_wait3A_267 = tpu.memref_squeeze %dma_wait3A_266 : memref<1x256x64xf32, #tpu.memory_space<hbm>> -> memref<256x64xf32, #tpu.memory_space<hbm>>
      %dma_wait3A_268 = arith.constant 0 : i32
      %dma_wait3A_269 = tpu.memref_slice %arg2[%add3A, %mul3A_264, %dma_wait3A_268] : memref<32x32768x64xf32, #tpu.memory_space<hbm>> -> memref<1x256x64xf32, #tpu.memory_space<hbm>>
      %dma_wait3A_270 = tpu.memref_squeeze %dma_wait3A_269 : memref<1x256x64xf32, #tpu.memory_space<hbm>> -> memref<256x64xf32, #tpu.memory_space<hbm>>
      tpu.wait_dma2 semaphore(%arg8 : memref<!tpu.dma_semaphore, #tpu.memory_space<semaphore_mem>>) src(%dma_wait3A_270 : memref<256x64xf32, #tpu.memory_space<hbm>>) dst(%arg5 : memref<256x64xf32, #tpu.memory_space<vmem>>)
      %add3A_271 = arith.constant 2 : i32
      %add3A_272 = arith.addi %mul3A_237, %add3A_271 : i32
      %lt3A = arith.constant 128 : i32
      %lt3A_273 = arith.cmpi slt, %add3A_272, %lt3A : i32
      %convert_element_type3A = arith.extui %lt3A_273 : i1 to i32
      %cond3A = arith.constant 0 : i32
      %cond3A_274 = arith.cmpi ne, %convert_element_type3A, %cond3A : i32
      scf.if %cond3A_274 {
        %add3A_281 = arith.constant 2 : i32
        %add3A_282 = arith.addi %mul3A_237, %add3A_281 : i32
        %mul3A_283 = arith.constant 256 : i32
        %mul3A_284 = arith.muli %add3A_282, %mul3A_283 : i32
        %dma_start3A_285 = arith.constant 0 : i32
        %dma_start3A_286 = tpu.memref_slice %arg2[%add3A, %mul3A_284, %dma_start3A_285] : memref<32x32768x64xf32, #tpu.memory_space<hbm>> -> memref<1x256x64xf32, #tpu.memory_space<hbm>>
        %dma_start3A_287 = tpu.memref_squeeze %dma_start3A_286 : memref<1x256x64xf32, #tpu.memory_space<hbm>> -> memref<256x64xf32, #tpu.memory_space<hbm>>
        %dma_start3A_288 = arith.constant 0 : i32
        %dma_start3A_289 = tpu.memref_slice %arg2[%add3A, %mul3A_284, %dma_start3A_288] : memref<32x32768x64xf32, #tpu.memory_space<hbm>> -> memref<1x256x64xf32, #tpu.memory_space<hbm>>
        %dma_start3A_290 = tpu.memref_squeeze %dma_start3A_289 : memref<1x256x64xf32, #tpu.memory_space<hbm>> -> memref<256x64xf32, #tpu.memory_space<hbm>>
        tpu.enqueue_dma source(%dma_start3A_290 : memref<256x64xf32, #tpu.memory_space<hbm>>) target(%arg4 : memref<256x64xf32, #tpu.memory_space<vmem>>) target_semaphore(%arg7 : memref<!tpu.dma_semaphore, #tpu.memory_space<semaphore_mem>>)
      } else {
      }
      %scan3A_275 = arith.constant 0 : i32
      %scan3A_276 = arith.constant 16 : i32
      %scan3A_277 = arith.addi %scan3A_275, %scan3A_276 : i32
      %scan3A_278 = arith.constant 1 : i32
      %scan3A_279:32 = scf.for %scan3A_281 = %scan3A_275 to %scan3A_277 step %scan3A_278 iter_args(%scan3A_282 = %scan3A_259#0, %scan3A_283 = %scan3A_259#1, %scan3A_284 = %scan3A_259#2, %scan3A_285 = %scan3A_259#3, %scan3A_286 = %scan3A_259#4, %scan3A_287 = %scan3A_259#5, %scan3A_288 = %scan3A_259#6, %scan3A_289 = %scan3A_259#7, %scan3A_290 = %scan3A_259#8, %scan3A_291 = %scan3A_259#9, %scan3A_292 = %scan3A_259#10, %scan3A_293 = %scan3A_259#11, %scan3A_294 = %scan3A_259#12, %scan3A_295 = %scan3A_259#13, %scan3A_296 = %scan3A_259#14, %scan3A_297 = %scan3A_259#15, %scan3A_298 = %scan3A_259#16, %scan3A_299 = %scan3A_259#17, %scan3A_300 = %scan3A_259#18, %scan3A_301 = %scan3A_259#19, %scan3A_302 = %scan3A_259#20, %scan3A_303 = %scan3A_259#21, %scan3A_304 = %scan3A_259#22, %scan3A_305 = %scan3A_259#23, %scan3A_306 = %scan3A_259#24, %scan3A_307 = %scan3A_259#25, %scan3A_308 = %scan3A_259#26, %scan3A_309 = %scan3A_259#27, %scan3A_310 = %scan3A_259#28, %scan3A_311 = %scan3A_259#29, %scan3A_312 = %scan3A_259#30, %scan3A_313 = %scan3A_259#31) -> (vector<16xf32>, vector<16xf32>, vector<16xf32>, vector<16xf32>, vector<16xf32>, vector<16xf32>, vector<16xf32>, vector<16xf32>, vector<16xf32>, vector<16xf32>, vector<16xf32>, vector<16xf32>, vector<16xf32>, vector<16xf32>, vector<16xf32>, vector<16xf32>, vector<16xf32>, vector<16xf32>, vector<16xf32>, vector<16xf32>, vector<16xf32>, vector<16xf32>, vector<16xf32>, vector<16xf32>, vector<16xf32>, vector<16xf32>, vector<16xf32>, vector<16xf32>, vector<16xf32>, vector<16xf32>, vector<16xf32>, vector<16xf32>)  : i32 {
        %mul3A_314 = arith.constant 2 : i32
        %mul3A_315 = arith.muli %scan3A_281, %mul3A_314 : i32
        %mul3A_316 = arith.constant 8 : i32
        %mul3A_317 = arith.muli %mul3A_315, %mul3A_316 : i32
        %add3A_318 = arith.constant 0 : i32
        %add3A_319 = arith.addi %mul3A_317, %add3A_318 : i32
        %add3A_320 = arith.constant 0 : i32
        %add3A_321 = arith.addi %add3A_319, %add3A_320 : i32
        %get3A = arith.index_cast %add3A_321 : i32 to index
        %get3A_322 = arith.constant 0 : index
        %get3A_323 = tpu.vector_load %arg5[%get3A, %get3A_322] {strides = array<i32>} : memref<256x64xf32, #tpu.memory_space<vmem>>, vector<16xf32>,
        %add3A_324 = arith.constant 1 : i32
        %add3A_325 = arith.addi %add3A_319, %add3A_324 : i32
        %get3A_326 = arith.index_cast %add3A_325 : i32 to index
        %get3A_327 = arith.constant 0 : index
        %get3A_328 = tpu.vector_load %arg5[%get3A_326, %get3A_327] {strides = array<i32>} : memref<256x64xf32, #tpu.memory_space<vmem>>, vector<16xf32>,
        %add3A_329 = arith.constant 2 : i32
        %add3A_330 = arith.addi %add3A_319, %add3A_329 : i32
        %get3A_331 = arith.index_cast %add3A_330 : i32 to index
        %get3A_332 = arith.constant 0 : index
        %get3A_333 = tpu.vector_load %arg5[%get3A_331, %get3A_332] {strides = array<i32>} : memref<256x64xf32, #tpu.memory_space<vmem>>, vector<16xf32>,
        %add3A_334 = arith.constant 3 : i32
        %add3A_335 = arith.addi %add3A_319, %add3A_334 : i32
        %get3A_336 = arith.index_cast %add3A_335 : i32 to index
        %get3A_337 = arith.constant 0 : index
        %get3A_338 = tpu.vector_load %arg5[%get3A_336, %get3A_337] {strides = array<i32>} : memref<256x64xf32, #tpu.memory_space<vmem>>, vector<16xf32>,
        %add3A_339 = arith.constant 4 : i32
        %add3A_340 = arith.addi %add3A_319, %add3A_339 : i32
        %get3A_341 = arith.index_cast %add3A_340 : i32 to index
        %get3A_342 = arith.constant 0 : index
        %get3A_343 = tpu.vector_load %arg5[%get3A_341, %get3A_342] {strides = array<i32>} : memref<256x64xf32, #tpu.memory_space<vmem>>, vector<16xf32>,
        %add3A_344 = arith.constant 5 : i32
        %add3A_345 = arith.addi %add3A_319, %add3A_344 : i32
        %get3A_346 = arith.index_cast %add3A_345 : i32 to index
        %get3A_347 = arith.constant 0 : index
        %get3A_348 = tpu.vector_load %arg5[%get3A_346, %get3A_347] {strides = array<i32>} : memref<256x64xf32, #tpu.memory_space<vmem>>, vector<16xf32>,
        %add3A_349 = arith.constant 6 : i32
        %add3A_350 = arith.addi %add3A_319, %add3A_349 : i32
        %get3A_351 = arith.index_cast %add3A_350 : i32 to index
        %get3A_352 = arith.constant 0 : index
        %get3A_353 = tpu.vector_load %arg5[%get3A_351, %get3A_352] {strides = array<i32>} : memref<256x64xf32, #tpu.memory_space<vmem>>, vector<16xf32>,
        %add3A_354 = arith.constant 7 : i32
        %add3A_355 = arith.addi %add3A_319, %add3A_354 : i32
        %get3A_356 = arith.index_cast %add3A_355 : i32 to index
        %get3A_357 = arith.constant 0 : index
        %get3A_358 = tpu.vector_load %arg5[%get3A_356, %get3A_357] {strides = array<i32>} : memref<256x64xf32, #tpu.memory_space<vmem>>, vector<16xf32>,
        %max3A = arith.maximumf %get3A_323, %get3A_328 : vector<16xf32>
        %max3A_359 = arith.maximumf %get3A_333, %get3A_338 : vector<16xf32>
        %max3A_360 = arith.maximumf %get3A_343, %get3A_348 : vector<16xf32>
        %max3A_361 = arith.maximumf %get3A_353, %get3A_358 : vector<16xf32>
        %max3A_362 = arith.maximumf %max3A, %max3A_359 : vector<16xf32>
        %max3A_363 = arith.maximumf %max3A_360, %max3A_361 : vector<16xf32>
        %max3A_364 = arith.maximumf %max3A_362, %max3A_363 : vector<16xf32>
        %gt3A = arith.cmpf ogt, %max3A_364, %scan3A_289 : vector<16xf32>
        %all_reduce_population_count3A = tpu.all_reduce %gt3A {dim = 0 : i64, kind = #tpu.reduction_kind<sum>} : vector<16xi1> -> vector<16xi32>
        %slice3A = vector.extract_strided_slice %all_reduce_population_count3A {offsets = [0], sizes = [1], strides = [1]} : vector<16xi32> to vector<1xi32>
        %squeeze3A = vector.extract %slice3A[0] : i32 from vector<1xi32>
        %gt3A_365 = arith.constant 0 : i32
        %gt3A_366 = arith.cmpi sgt, %squeeze3A, %gt3A_365 : i32
        %convert_element_type3A_367 = arith.extui %gt3A_366 : i1 to i32
        %cond3A_368 = arith.constant 0 : i32
        %cond3A_369 = arith.cmpi ne, %convert_element_type3A_367, %cond3A_368 : i32
        %cond3A_370:8 = scf.if %cond3A_369 -> (vector<16xf32>, vector<16xf32>, vector<16xf32>, vector<16xf32>, vector<16xf32>, vector<16xf32>, vector<16xf32>, vector<16xf32>) {
          %max3A_784 = arith.maximumf %get3A_323, %get3A_328 : vector<16xf32>
          %min3A = arith.minimumf %get3A_323, %get3A_328 : vector<16xf32>
          %max3A_785 = arith.maximumf %get3A_333, %get3A_338 : vector<16xf32>
          %min3A_786 = arith.minimumf %get3A_333, %get3A_338 : vector<16xf32>
          %max3A_787 = arith.maximumf %get3A_343, %get3A_348 : vector<16xf32>
          %min3A_788 = arith.minimumf %get3A_343, %get3A_348 : vector<16xf32>
          %max3A_789 = arith.maximumf %get3A_353, %get3A_358 : vector<16xf32>
          %min3A_790 = arith.minimumf %get3A_353, %get3A_358 : vector<16xf32>
          %max3A_791 = arith.maximumf %max3A_784, %max3A_785 : vector<16xf32>
          %min3A_792 = arith.minimumf %max3A_784, %max3A_785 : vector<16xf32>
          %max3A_793 = arith.maximumf %min3A, %min3A_786 : vector<16xf32>
          %min3A_794 = arith.minimumf %min3A, %min3A_786 : vector<16xf32>
          %max3A_795 = arith.maximumf %max3A_787, %max3A_789 : vector<16xf32>
          %min3A_796 = arith.minimumf %max3A_787, %max3A_789 : vector<16xf32>
          %max3A_797 = arith.maximumf %min3A_788, %min3A_790 : vector<16xf32>
          %min3A_798 = arith.minimumf %min3A_788, %min3A_790 : vector<16xf32>
          %max3A_799 = arith.maximumf %max3A_793, %min3A_792 : vector<16xf32>
          %min3A_800 = arith.minimumf %max3A_793, %min3A_792 : vector<16xf32>
          %max3A_801 = arith.maximumf %max3A_797, %min3A_796 : vector<16xf32>
          %min3A_802 = arith.minimumf %max3A_797, %min3A_796 : vector<16xf32>
          %max3A_803 = arith.maximumf %max3A_791, %max3A_795 : vector<16xf32>
          %min3A_804 = arith.minimumf %max3A_791, %max3A_795 : vector<16xf32>
          %max3A_805 = arith.maximumf %max3A_799, %max3A_801 : vector<16xf32>
          %min3A_806 = arith.minimumf %max3A_799, %max3A_801 : vector<16xf32>
          %max3A_807 = arith.maximumf %min3A_800, %min3A_802 : vector<16xf32>
          %min3A_808 = arith.minimumf %min3A_800, %min3A_802 : vector<16xf32>
          %max3A_809 = arith.maximumf %min3A_794, %min3A_798 : vector<16xf32>
          %min3A_810 = arith.minimumf %min3A_794, %min3A_798 : vector<16xf32>
          %max3A_811 = arith.maximumf %max3A_807, %min3A_804 : vector<16xf32>
          %min3A_812 = arith.minimumf %max3A_807, %min3A_804 : vector<16xf32>
          %max3A_813 = arith.maximumf %max3A_809, %min3A_806 : vector<16xf32>
          %min3A_814 = arith.minimumf %max3A_809, %min3A_806 : vector<16xf32>
          %max3A_815 = arith.maximumf %max3A_805, %max3A_811 : vector<16xf32>
          %min3A_816 = arith.minimumf %max3A_805, %max3A_811 : vector<16xf32>
          %max3A_817 = arith.maximumf %max3A_813, %min3A_812 : vector<16xf32>
          %min3A_818 = arith.minimumf %max3A_813, %min3A_812 : vector<16xf32>
          %max3A_819 = arith.maximumf %min3A_814, %min3A_808 : vector<16xf32>
          %min3A_820 = arith.minimumf %min3A_814, %min3A_808 : vector<16xf32>
          %max3A_821 = arith.maximumf %scan3A_282, %min3A_810 : vector<16xf32>
          %max3A_822 = arith.maximumf %scan3A_283, %min3A_820 : vector<16xf32>
          %max3A_823 = arith.maximumf %scan3A_284, %max3A_819 : vector<16xf32>
          %max3A_824 = arith.maximumf %scan3A_285, %min3A_818 : vector<16xf32>
          %max3A_825 = arith.maximumf %scan3A_286, %max3A_817 : vector<16xf32>
          %max3A_826 = arith.maximumf %scan3A_287, %min3A_816 : vector<16xf32>
          %max3A_827 = arith.maximumf %scan3A_288, %max3A_815 : vector<16xf32>
          %max3A_828 = arith.maximumf %scan3A_289, %max3A_803 : vector<16xf32>
          %max3A_829 = arith.maximumf %max3A_821, %max3A_825 : vector<16xf32>
          %min3A_830 = arith.minimumf %max3A_821, %max3A_825 : vector<16xf32>
          %max3A_831 = arith.maximumf %max3A_822, %max3A_826 : vector<16xf32>
          %min3A_832 = arith.minimumf %max3A_822, %max3A_826 : vector<16xf32>
          %max3A_833 = arith.maximumf %max3A_823, %max3A_827 : vector<16xf32>
          %min3A_834 = arith.minimumf %max3A_823, %max3A_827 : vector<16xf32>
          %max3A_835 = arith.maximumf %max3A_824, %max3A_828 : vector<16xf32>
          %min3A_836 = arith.minimumf %max3A_824, %max3A_828 : vector<16xf32>
          %max3A_837 = arith.maximumf %max3A_829, %max3A_833 : vector<16xf32>
          %min3A_838 = arith.minimumf %max3A_829, %max3A_833 : vector<16xf32>
          %max3A_839 = arith.maximumf %max3A_831, %max3A_835 : vector<16xf32>
          %min3A_840 = arith.minimumf %max3A_831, %max3A_835 : vector<16xf32>
          %max3A_841 = arith.maximumf %min3A_830, %min3A_834 : vector<16xf32>
          %min3A_842 = arith.minimumf %min3A_830, %min3A_834 : vector<16xf32>
          %max3A_843 = arith.maximumf %min3A_832, %min3A_836 : vector<16xf32>
          %min3A_844 = arith.minimumf %min3A_832, %min3A_836 : vector<16xf32>
          %max3A_845 = arith.maximumf %max3A_837, %max3A_839 : vector<16xf32>
          %min3A_846 = arith.minimumf %max3A_837, %max3A_839 : vector<16xf32>
          %max3A_847 = arith.maximumf %min3A_838, %min3A_840 : vector<16xf32>
          %min3A_848 = arith.minimumf %min3A_838, %min3A_840 : vector<16xf32>
          %max3A_849 = arith.maximumf %max3A_841, %max3A_843 : vector<16xf32>
          %min3A_850 = arith.minimumf %max3A_841, %max3A_843 : vector<16xf32>
          %max3A_851 = arith.maximumf %min3A_842, %min3A_844 : vector<16xf32>
          %min3A_852 = arith.minimumf %min3A_842, %min3A_844 : vector<16xf32>
          scf.yield %max3A_845, %min3A_846, %max3A_847, %min3A_848, %max3A_849, %min3A_850, %max3A_851, %min3A_852 : vector<16xf32>, vector<16xf32>, vector<16xf32>, vector<16xf32>, vector<16xf32>, vector<16xf32>, vector<16xf32>, vector<16xf32>
        } else {
          scf.yield %scan3A_282, %scan3A_283, %scan3A_284, %scan3A_285, %scan3A_286, %scan3A_287, %scan3A_288, %scan3A_289 : vector<16xf32>, vector<16xf32>, vector<16xf32>, vector<16xf32>, vector<16xf32>, vector<16xf32>, vector<16xf32>, vector<16xf32>
        }
        %add3A_371 = arith.constant 8 : i32
        %add3A_372 = arith.addi %mul3A_317, %add3A_371 : i32
        %add3A_373 = arith.constant 0 : i32
        %add3A_374 = arith.addi %add3A_372, %add3A_373 : i32
        %get3A_375 = arith.index_cast %add3A_374 : i32 to index
        %get3A_376 = arith.constant 0 : index
        %get3A_377 = tpu.vector_load %arg5[%get3A_375, %get3A_376] {strides = array<i32>} : memref<256x64xf32, #tpu.memory_space<vmem>>, vector<16xf32>,
        %add3A_378 = arith.constant 1 : i32
        %add3A_379 = arith.addi %add3A_372, %add3A_378 : i32
        %get3A_380 = arith.index_cast %add3A_379 : i32 to index
        %get3A_381 = arith.constant 0 : index
        %get3A_382 = tpu.vector_load %arg5[%get3A_380, %get3A_381] {strides = array<i32>} : memref<256x64xf32, #tpu.memory_space<vmem>>, vector<16xf32>,
        %add3A_383 = arith.constant 2 : i32
        %add3A_384 = arith.addi %add3A_372, %add3A_383 : i32
        %get3A_385 = arith.index_cast %add3A_384 : i32 to index
        %get3A_386 = arith.constant 0 : index
        %get3A_387 = tpu.vector_load %arg5[%get3A_385, %get3A_386] {strides = array<i32>} : memref<256x64xf32, #tpu.memory_space<vmem>>, vector<16xf32>,
        %add3A_388 = arith.constant 3 : i32
        %add3A_389 = arith.addi %add3A_372, %add3A_388 : i32
        %get3A_390 = arith.index_cast %add3A_389 : i32 to index
        %get3A_391 = arith.constant 0 : index
        %get3A_392 = tpu.vector_load %arg5[%get3A_390, %get3A_391] {strides = array<i32>} : memref<256x64xf32, #tpu.memory_space<vmem>>, vector<16xf32>,
        %add3A_393 = arith.constant 4 : i32
        %add3A_394 = arith.addi %add3A_372, %add3A_393 : i32
        %get3A_395 = arith.index_cast %add3A_394 : i32 to index
        %get3A_396 = arith.constant 0 : index
        %get3A_397 = tpu.vector_load %arg5[%get3A_395, %get3A_396] {strides = array<i32>} : memref<256x64xf32, #tpu.memory_space<vmem>>, vector<16xf32>,
        %add3A_398 = arith.constant 5 : i32
        %add3A_399 = arith.addi %add3A_372, %add3A_398 : i32
        %get3A_400 = arith.index_cast %add3A_399 : i32 to index
        %get3A_401 = arith.constant 0 : index
        %get3A_402 = tpu.vector_load %arg5[%get3A_400, %get3A_401] {strides = array<i32>} : memref<256x64xf32, #tpu.memory_space<vmem>>, vector<16xf32>,
        %add3A_403 = arith.constant 6 : i32
        %add3A_404 = arith.addi %add3A_372, %add3A_403 : i32
        %get3A_405 = arith.index_cast %add3A_404 : i32 to index
        %get3A_406 = arith.constant 0 : index
        %get3A_407 = tpu.vector_load %arg5[%get3A_405, %get3A_406] {strides = array<i32>} : memref<256x64xf32, #tpu.memory_space<vmem>>, vector<16xf32>,
        %add3A_408 = arith.constant 7 : i32
        %add3A_409 = arith.addi %add3A_372, %add3A_408 : i32
        %get3A_410 = arith.index_cast %add3A_409 : i32 to index
        %get3A_411 = arith.constant 0 : index
        %get3A_412 = tpu.vector_load %arg5[%get3A_410, %get3A_411] {strides = array<i32>} : memref<256x64xf32, #tpu.memory_space<vmem>>, vector<16xf32>,
        %max3A_413 = arith.maximumf %get3A_377, %get3A_382 : vector<16xf32>
        %max3A_414 = arith.maximumf %get3A_387, %get3A_392 : vector<16xf32>
        %max3A_415 = arith.maximumf %get3A_397, %get3A_402 : vector<16xf32>
        %max3A_416 = arith.maximumf %get3A_407, %get3A_412 : vector<16xf32>
        %max3A_417 = arith.maximumf %max3A_413, %max3A_414 : vector<16xf32>
        %max3A_418 = arith.maximumf %max3A_415, %max3A_416 : vector<16xf32>
        %max3A_419 = arith.maximumf %max3A_417, %max3A_418 : vector<16xf32>
        %gt3A_420 = arith.cmpf ogt, %max3A_419, %cond3A_370#7 : vector<16xf32>
        %all_reduce_population_count3A_421 = tpu.all_reduce %gt3A_420 {dim = 0 : i64, kind = #tpu.reduction_kind<sum>} : vector<16xi1> -> vector<16xi32>
        %slice3A_422 = vector.extract_strided_slice %all_reduce_population_count3A_421 {offsets = [0], sizes = [1], strides = [1]} : vector<16xi32> to vector<1xi32>
        %squeeze3A_423 = vector.extract %slice3A_422[0] : i32 from vector<1xi32>
        %gt3A_424 = arith.constant 0 : i32
        %gt3A_425 = arith.cmpi sgt, %squeeze3A_423, %gt3A_424 : i32
        %convert_element_type3A_426 = arith.extui %gt3A_425 : i1 to i32
        %cond3A_427 = arith.constant 0 : i32
        %cond3A_428 = arith.cmpi ne, %convert_element_type3A_426, %cond3A_427 : i32
        %cond3A_429:8 = scf.if %cond3A_428 -> (vector<16xf32>, vector<16xf32>, vector<16xf32>, vector<16xf32>, vector<16xf32>, vector<16xf32>, vector<16xf32>, vector<16xf32>) {
          %max3A_784 = arith.maximumf %get3A_377, %get3A_382 : vector<16xf32>
          %min3A = arith.minimumf %get3A_377, %get3A_382 : vector<16xf32>
          %max3A_785 = arith.maximumf %get3A_387, %get3A_392 : vector<16xf32>
          %min3A_786 = arith.minimumf %get3A_387, %get3A_392 : vector<16xf32>
          %max3A_787 = arith.maximumf %get3A_397, %get3A_402 : vector<16xf32>
          %min3A_788 = arith.minimumf %get3A_397, %get3A_402 : vector<16xf32>
          %max3A_789 = arith.maximumf %get3A_407, %get3A_412 : vector<16xf32>
          %min3A_790 = arith.minimumf %get3A_407, %get3A_412 : vector<16xf32>
          %max3A_791 = arith.maximumf %max3A_784, %max3A_785 : vector<16xf32>
          %min3A_792 = arith.minimumf %max3A_784, %max3A_785 : vector<16xf32>
          %max3A_793 = arith.maximumf %min3A, %min3A_786 : vector<16xf32>
          %min3A_794 = arith.minimumf %min3A, %min3A_786 : vector<16xf32>
          %max3A_795 = arith.maximumf %max3A_787, %max3A_789 : vector<16xf32>
          %min3A_796 = arith.minimumf %max3A_787, %max3A_789 : vector<16xf32>
          %max3A_797 = arith.maximumf %min3A_788, %min3A_790 : vector<16xf32>
          %min3A_798 = arith.minimumf %min3A_788, %min3A_790 : vector<16xf32>
          %max3A_799 = arith.maximumf %max3A_793, %min3A_792 : vector<16xf32>
          %min3A_800 = arith.minimumf %max3A_793, %min3A_792 : vector<16xf32>
          %max3A_801 = arith.maximumf %max3A_797, %min3A_796 : vector<16xf32>
          %min3A_802 = arith.minimumf %max3A_797, %min3A_796 : vector<16xf32>
          %max3A_803 = arith.maximumf %max3A_791, %max3A_795 : vector<16xf32>
          %min3A_804 = arith.minimumf %max3A_791, %max3A_795 : vector<16xf32>
          %max3A_805 = arith.maximumf %max3A_799, %max3A_801 : vector<16xf32>
          %min3A_806 = arith.minimumf %max3A_799, %max3A_801 : vector<16xf32>
          %max3A_807 = arith.maximumf %min3A_800, %min3A_802 : vector<16xf32>
          %min3A_808 = arith.minimumf %min3A_800, %min3A_802 : vector<16xf32>
          %max3A_809 = arith.maximumf %min3A_794, %min3A_798 : vector<16xf32>
          %min3A_810 = arith.minimumf %min3A_794, %min3A_798 : vector<16xf32>
          %max3A_811 = arith.maximumf %max3A_807, %min3A_804 : vector<16xf32>
          %min3A_812 = arith.minimumf %max3A_807, %min3A_804 : vector<16xf32>
          %max3A_813 = arith.maximumf %max3A_809, %min3A_806 : vector<16xf32>
          %min3A_814 = arith.minimumf %max3A_809, %min3A_806 : vector<16xf32>
          %max3A_815 = arith.maximumf %max3A_805, %max3A_811 : vector<16xf32>
          %min3A_816 = arith.minimumf %max3A_805, %max3A_811 : vector<16xf32>
          %max3A_817 = arith.maximumf %max3A_813, %min3A_812 : vector<16xf32>
          %min3A_818 = arith.minimumf %max3A_813, %min3A_812 : vector<16xf32>
          %max3A_819 = arith.maximumf %min3A_814, %min3A_808 : vector<16xf32>
          %min3A_820 = arith.minimumf %min3A_814, %min3A_808 : vector<16xf32>
          %max3A_821 = arith.maximumf %cond3A_370#0, %min3A_810 : vector<16xf32>
          %max3A_822 = arith.maximumf %cond3A_370#1, %min3A_820 : vector<16xf32>
          %max3A_823 = arith.maximumf %cond3A_370#2, %max3A_819 : vector<16xf32>
          %max3A_824 = arith.maximumf %cond3A_370#3, %min3A_818 : vector<16xf32>
          %max3A_825 = arith.maximumf %cond3A_370#4, %max3A_817 : vector<16xf32>
          %max3A_826 = arith.maximumf %cond3A_370#5, %min3A_816 : vector<16xf32>
          %max3A_827 = arith.maximumf %cond3A_370#6, %max3A_815 : vector<16xf32>
          %max3A_828 = arith.maximumf %cond3A_370#7, %max3A_803 : vector<16xf32>
          %max3A_829 = arith.maximumf %max3A_821, %max3A_825 : vector<16xf32>
          %min3A_830 = arith.minimumf %max3A_821, %max3A_825 : vector<16xf32>
          %max3A_831 = arith.maximumf %max3A_822, %max3A_826 : vector<16xf32>
          %min3A_832 = arith.minimumf %max3A_822, %max3A_826 : vector<16xf32>
          %max3A_833 = arith.maximumf %max3A_823, %max3A_827 : vector<16xf32>
          %min3A_834 = arith.minimumf %max3A_823, %max3A_827 : vector<16xf32>
          %max3A_835 = arith.maximumf %max3A_824, %max3A_828 : vector<16xf32>
          %min3A_836 = arith.minimumf %max3A_824, %max3A_828 : vector<16xf32>
          %max3A_837 = arith.maximumf %max3A_829, %max3A_833 : vector<16xf32>
          %min3A_838 = arith.minimumf %max3A_829, %max3A_833 : vector<16xf32>
          %max3A_839 = arith.maximumf %max3A_831, %max3A_835 : vector<16xf32>
          %min3A_840 = arith.minimumf %max3A_831, %max3A_835 : vector<16xf32>
          %max3A_841 = arith.maximumf %min3A_830, %min3A_834 : vector<16xf32>
          %min3A_842 = arith.minimumf %min3A_830, %min3A_834 : vector<16xf32>
          %max3A_843 = arith.maximumf %min3A_832, %min3A_836 : vector<16xf32>
          %min3A_844 = arith.minimumf %min3A_832, %min3A_836 : vector<16xf32>
          %max3A_845 = arith.maximumf %max3A_837, %max3A_839 : vector<16xf32>
          %min3A_846 = arith.minimumf %max3A_837, %max3A_839 : vector<16xf32>
          %max3A_847 = arith.maximumf %min3A_838, %min3A_840 : vector<16xf32>
          %min3A_848 = arith.minimumf %min3A_838, %min3A_840 : vector<16xf32>
          %max3A_849 = arith.maximumf %max3A_841, %max3A_843 : vector<16xf32>
          %min3A_850 = arith.minimumf %max3A_841, %max3A_843 : vector<16xf32>
          %max3A_851 = arith.maximumf %min3A_842, %min3A_844 : vector<16xf32>
          %min3A_852 = arith.minimumf %min3A_842, %min3A_844 : vector<16xf32>
          scf.yield %max3A_845, %min3A_846, %max3A_847, %min3A_848, %max3A_849, %min3A_850, %max3A_851, %min3A_852 : vector<16xf32>, vector<16xf32>, vector<16xf32>, vector<16xf32>, vector<16xf32>, vector<16xf32>, vector<16xf32>, vector<16xf32>
        } else {
          scf.yield %cond3A_370#0, %cond3A_370#1, %cond3A_370#2, %cond3A_370#3, %cond3A_370#4, %cond3A_370#5, %cond3A_370#6, %cond3A_370#7 : vector<16xf32>, vector<16xf32>, vector<16xf32>, vector<16xf32>, vector<16xf32>, vector<16xf32>, vector<16xf32>, vector<16xf32>
        }
        %add3A_430 = arith.constant 0 : i32
        %add3A_431 = arith.addi %mul3A_317, %add3A_430 : i32
        %add3A_432 = arith.constant 0 : i32
        %add3A_433 = arith.addi %add3A_431, %add3A_432 : i32
        %get3A_434 = arith.index_cast %add3A_433 : i32 to index
        %get3A_435 = arith.constant 16 : index
        %get3A_436 = tpu.vector_load %arg5[%get3A_434, %get3A_435] {strides = array<i32>} : memref<256x64xf32, #tpu.memory_space<vmem>>, vector<16xf32>,
        %add3A_437 = arith.constant 1 : i32
        %add3A_438 = arith.addi %add3A_431, %add3A_437 : i32
        %get3A_439 = arith.index_cast %add3A_438 : i32 to index
        %get3A_440 = arith.constant 16 : index
        %get3A_441 = tpu.vector_load %arg5[%get3A_439, %get3A_440] {strides = array<i32>} : memref<256x64xf32, #tpu.memory_space<vmem>>, vector<16xf32>,
        %add3A_442 = arith.constant 2 : i32
        %add3A_443 = arith.addi %add3A_431, %add3A_442 : i32
        %get3A_444 = arith.index_cast %add3A_443 : i32 to index
        %get3A_445 = arith.constant 16 : index
        %get3A_446 = tpu.vector_load %arg5[%get3A_444, %get3A_445] {strides = array<i32>} : memref<256x64xf32, #tpu.memory_space<vmem>>, vector<16xf32>,
        %add3A_447 = arith.constant 3 : i32
        %add3A_448 = arith.addi %add3A_431, %add3A_447 : i32
        %get3A_449 = arith.index_cast %add3A_448 : i32 to index
        %get3A_450 = arith.constant 16 : index
        %get3A_451 = tpu.vector_load %arg5[%get3A_449, %get3A_450] {strides = array<i32>} : memref<256x64xf32, #tpu.memory_space<vmem>>, vector<16xf32>,
        %add3A_452 = arith.constant 4 : i32
        %add3A_453 = arith.addi %add3A_431, %add3A_452 : i32
        %get3A_454 = arith.index_cast %add3A_453 : i32 to index
        %get3A_455 = arith.constant 16 : index
        %get3A_456 = tpu.vector_load %arg5[%get3A_454, %get3A_455] {strides = array<i32>} : memref<256x64xf32, #tpu.memory_space<vmem>>, vector<16xf32>,
        %add3A_457 = arith.constant 5 : i32
        %add3A_458 = arith.addi %add3A_431, %add3A_457 : i32
        %get3A_459 = arith.index_cast %add3A_458 : i32 to index
        %get3A_460 = arith.constant 16 : index
        %get3A_461 = tpu.vector_load %arg5[%get3A_459, %get3A_460] {strides = array<i32>} : memref<256x64xf32, #tpu.memory_space<vmem>>, vector<16xf32>,
        %add3A_462 = arith.constant 6 : i32
        %add3A_463 = arith.addi %add3A_431, %add3A_462 : i32
        %get3A_464 = arith.index_cast %add3A_463 : i32 to index
        %get3A_465 = arith.constant 16 : index
        %get3A_466 = tpu.vector_load %arg5[%get3A_464, %get3A_465] {strides = array<i32>} : memref<256x64xf32, #tpu.memory_space<vmem>>, vector<16xf32>,
        %add3A_467 = arith.constant 7 : i32
        %add3A_468 = arith.addi %add3A_431, %add3A_467 : i32
        %get3A_469 = arith.index_cast %add3A_468 : i32 to index
        %get3A_470 = arith.constant 16 : index
        %get3A_471 = tpu.vector_load %arg5[%get3A_469, %get3A_470] {strides = array<i32>} : memref<256x64xf32, #tpu.memory_space<vmem>>, vector<16xf32>,
        %max3A_472 = arith.maximumf %get3A_436, %get3A_441 : vector<16xf32>
        %max3A_473 = arith.maximumf %get3A_446, %get3A_451 : vector<16xf32>
        %max3A_474 = arith.maximumf %get3A_456, %get3A_461 : vector<16xf32>
        %max3A_475 = arith.maximumf %get3A_466, %get3A_471 : vector<16xf32>
        %max3A_476 = arith.maximumf %max3A_472, %max3A_473 : vector<16xf32>
        %max3A_477 = arith.maximumf %max3A_474, %max3A_475 : vector<16xf32>
        %max3A_478 = arith.maximumf %max3A_476, %max3A_477 : vector<16xf32>
        %gt3A_479 = arith.cmpf ogt, %max3A_478, %scan3A_297 : vector<16xf32>
        %all_reduce_population_count3A_480 = tpu.all_reduce %gt3A_479 {dim = 0 : i64, kind = #tpu.reduction_kind<sum>} : vector<16xi1> -> vector<16xi32>
        %slice3A_481 = vector.extract_strided_slice %all_reduce_population_count3A_480 {offsets = [0], sizes = [1], strides = [1]} : vector<16xi32> to vector<1xi32>
        %squeeze3A_482 = vector.extract %slice3A_481[0] : i32 from vector<1xi32>
        %gt3A_483 = arith.constant 0 : i32
        %gt3A_484 = arith.cmpi sgt, %squeeze3A_482, %gt3A_483 : i32
        %convert_element_type3A_485 = arith.extui %gt3A_484 : i1 to i32
        %cond3A_486 = arith.constant 0 : i32
        %cond3A_487 = arith.cmpi ne, %convert_element_type3A_485, %cond3A_486 : i32
        %cond3A_488:8 = scf.if %cond3A_487 -> (vector<16xf32>, vector<16xf32>, vector<16xf32>, vector<16xf32>, vector<16xf32>, vector<16xf32>, vector<16xf32>, vector<16xf32>) {
          %max3A_784 = arith.maximumf %get3A_436, %get3A_441 : vector<16xf32>
          %min3A = arith.minimumf %get3A_436, %get3A_441 : vector<16xf32>
          %max3A_785 = arith.maximumf %get3A_446, %get3A_451 : vector<16xf32>
          %min3A_786 = arith.minimumf %get3A_446, %get3A_451 : vector<16xf32>
          %max3A_787 = arith.maximumf %get3A_456, %get3A_461 : vector<16xf32>
          %min3A_788 = arith.minimumf %get3A_456, %get3A_461 : vector<16xf32>
          %max3A_789 = arith.maximumf %get3A_466, %get3A_471 : vector<16xf32>
          %min3A_790 = arith.minimumf %get3A_466, %get3A_471 : vector<16xf32>
          %max3A_791 = arith.maximumf %max3A_784, %max3A_785 : vector<16xf32>
          %min3A_792 = arith.minimumf %max3A_784, %max3A_785 : vector<16xf32>
          %max3A_793 = arith.maximumf %min3A, %min3A_786 : vector<16xf32>
          %min3A_794 = arith.minimumf %min3A, %min3A_786 : vector<16xf32>
          %max3A_795 = arith.maximumf %max3A_787, %max3A_789 : vector<16xf32>
          %min3A_796 = arith.minimumf %max3A_787, %max3A_789 : vector<16xf32>
          %max3A_797 = arith.maximumf %min3A_788, %min3A_790 : vector<16xf32>
          %min3A_798 = arith.minimumf %min3A_788, %min3A_790 : vector<16xf32>
          %max3A_799 = arith.maximumf %max3A_793, %min3A_792 : vector<16xf32>
          %min3A_800 = arith.minimumf %max3A_793, %min3A_792 : vector<16xf32>
          %max3A_801 = arith.maximumf %max3A_797, %min3A_796 : vector<16xf32>
          %min3A_802 = arith.minimumf %max3A_797, %min3A_796 : vector<16xf32>
          %max3A_803 = arith.maximumf %max3A_791, %max3A_795 : vector<16xf32>
          %min3A_804 = arith.minimumf %max3A_791, %max3A_795 : vector<16xf32>
          %max3A_805 = arith.maximumf %max3A_799, %max3A_801 : vector<16xf32>
          %min3A_806 = arith.minimumf %max3A_799, %max3A_801 : vector<16xf32>
          %max3A_807 = arith.maximumf %min3A_800, %min3A_802 : vector<16xf32>
          %min3A_808 = arith.minimumf %min3A_800, %min3A_802 : vector<16xf32>
          %max3A_809 = arith.maximumf %min3A_794, %min3A_798 : vector<16xf32>
          %min3A_810 = arith.minimumf %min3A_794, %min3A_798 : vector<16xf32>
          %max3A_811 = arith.maximumf %max3A_807, %min3A_804 : vector<16xf32>
          %min3A_812 = arith.minimumf %max3A_807, %min3A_804 : vector<16xf32>
          %max3A_813 = arith.maximumf %max3A_809, %min3A_806 : vector<16xf32>
          %min3A_814 = arith.minimumf %max3A_809, %min3A_806 : vector<16xf32>
          %max3A_815 = arith.maximumf %max3A_805, %max3A_811 : vector<16xf32>
          %min3A_816 = arith.minimumf %max3A_805, %max3A_811 : vector<16xf32>
          %max3A_817 = arith.maximumf %max3A_813, %min3A_812 : vector<16xf32>
          %min3A_818 = arith.minimumf %max3A_813, %min3A_812 : vector<16xf32>
          %max3A_819 = arith.maximumf %min3A_814, %min3A_808 : vector<16xf32>
          %min3A_820 = arith.minimumf %min3A_814, %min3A_808 : vector<16xf32>
          %max3A_821 = arith.maximumf %scan3A_290, %min3A_810 : vector<16xf32>
          %max3A_822 = arith.maximumf %scan3A_291, %min3A_820 : vector<16xf32>
          %max3A_823 = arith.maximumf %scan3A_292, %max3A_819 : vector<16xf32>
          %max3A_824 = arith.maximumf %scan3A_293, %min3A_818 : vector<16xf32>
          %max3A_825 = arith.maximumf %scan3A_294, %max3A_817 : vector<16xf32>
          %max3A_826 = arith.maximumf %scan3A_295, %min3A_816 : vector<16xf32>
          %max3A_827 = arith.maximumf %scan3A_296, %max3A_815 : vector<16xf32>
          %max3A_828 = arith.maximumf %scan3A_297, %max3A_803 : vector<16xf32>
          %max3A_829 = arith.maximumf %max3A_821, %max3A_825 : vector<16xf32>
          %min3A_830 = arith.minimumf %max3A_821, %max3A_825 : vector<16xf32>
          %max3A_831 = arith.maximumf %max3A_822, %max3A_826 : vector<16xf32>
          %min3A_832 = arith.minimumf %max3A_822, %max3A_826 : vector<16xf32>
          %max3A_833 = arith.maximumf %max3A_823, %max3A_827 : vector<16xf32>
          %min3A_834 = arith.minimumf %max3A_823, %max3A_827 : vector<16xf32>
          %max3A_835 = arith.maximumf %max3A_824, %max3A_828 : vector<16xf32>
          %min3A_836 = arith.minimumf %max3A_824, %max3A_828 : vector<16xf32>
          %max3A_837 = arith.maximumf %max3A_829, %max3A_833 : vector<16xf32>
          %min3A_838 = arith.minimumf %max3A_829, %max3A_833 : vector<16xf32>
          %max3A_839 = arith.maximumf %max3A_831, %max3A_835 : vector<16xf32>
          %min3A_840 = arith.minimumf %max3A_831, %max3A_835 : vector<16xf32>
          %max3A_841 = arith.maximumf %min3A_830, %min3A_834 : vector<16xf32>
          %min3A_842 = arith.minimumf %min3A_830, %min3A_834 : vector<16xf32>
          %max3A_843 = arith.maximumf %min3A_832, %min3A_836 : vector<16xf32>
          %min3A_844 = arith.minimumf %min3A_832, %min3A_836 : vector<16xf32>
          %max3A_845 = arith.maximumf %max3A_837, %max3A_839 : vector<16xf32>
          %min3A_846 = arith.minimumf %max3A_837, %max3A_839 : vector<16xf32>
          %max3A_847 = arith.maximumf %min3A_838, %min3A_840 : vector<16xf32>
          %min3A_848 = arith.minimumf %min3A_838, %min3A_840 : vector<16xf32>
          %max3A_849 = arith.maximumf %max3A_841, %max3A_843 : vector<16xf32>
          %min3A_850 = arith.minimumf %max3A_841, %max3A_843 : vector<16xf32>
          %max3A_851 = arith.maximumf %min3A_842, %min3A_844 : vector<16xf32>
          %min3A_852 = arith.minimumf %min3A_842, %min3A_844 : vector<16xf32>
          scf.yield %max3A_845, %min3A_846, %max3A_847, %min3A_848, %max3A_849, %min3A_850, %max3A_851, %min3A_852 : vector<16xf32>, vector<16xf32>, vector<16xf32>, vector<16xf32>, vector<16xf32>, vector<16xf32>, vector<16xf32>, vector<16xf32>
        } else {
          scf.yield %scan3A_290, %scan3A_291, %scan3A_292, %scan3A_293, %scan3A_294, %scan3A_295, %scan3A_296, %scan3A_297 : vector<16xf32>, vector<16xf32>, vector<16xf32>, vector<16xf32>, vector<16xf32>, vector<16xf32>, vector<16xf32>, vector<16xf32>
        }
        %add3A_489 = arith.constant 8 : i32
        %add3A_490 = arith.addi %mul3A_317, %add3A_489 : i32
        %add3A_491 = arith.constant 0 : i32
        %add3A_492 = arith.addi %add3A_490, %add3A_491 : i32
        %get3A_493 = arith.index_cast %add3A_492 : i32 to index
        %get3A_494 = arith.constant 16 : index
        %get3A_495 = tpu.vector_load %arg5[%get3A_493, %get3A_494] {strides = array<i32>} : memref<256x64xf32, #tpu.memory_space<vmem>>, vector<16xf32>,
        %add3A_496 = arith.constant 1 : i32
        %add3A_497 = arith.addi %add3A_490, %add3A_496 : i32
        %get3A_498 = arith.index_cast %add3A_497 : i32 to index
        %get3A_499 = arith.constant 16 : index
        %get3A_500 = tpu.vector_load %arg5[%get3A_498, %get3A_499] {strides = array<i32>} : memref<256x64xf32, #tpu.memory_space<vmem>>, vector<16xf32>,
        %add3A_501 = arith.constant 2 : i32
        %add3A_502 = arith.addi %add3A_490, %add3A_501 : i32
        %get3A_503 = arith.index_cast %add3A_502 : i32 to index
        %get3A_504 = arith.constant 16 : index
        %get3A_505 = tpu.vector_load %arg5[%get3A_503, %get3A_504] {strides = array<i32>} : memref<256x64xf32, #tpu.memory_space<vmem>>, vector<16xf32>,
        %add3A_506 = arith.constant 3 : i32
        %add3A_507 = arith.addi %add3A_490, %add3A_506 : i32
        %get3A_508 = arith.index_cast %add3A_507 : i32 to index
        %get3A_509 = arith.constant 16 : index
        %get3A_510 = tpu.vector_load %arg5[%get3A_508, %get3A_509] {strides = array<i32>} : memref<256x64xf32, #tpu.memory_space<vmem>>, vector<16xf32>,
        %add3A_511 = arith.constant 4 : i32
        %add3A_512 = arith.addi %add3A_490, %add3A_511 : i32
        %get3A_513 = arith.index_cast %add3A_512 : i32 to index
        %get3A_514 = arith.constant 16 : index
        %get3A_515 = tpu.vector_load %arg5[%get3A_513, %get3A_514] {strides = array<i32>} : memref<256x64xf32, #tpu.memory_space<vmem>>, vector<16xf32>,
        %add3A_516 = arith.constant 5 : i32
        %add3A_517 = arith.addi %add3A_490, %add3A_516 : i32
        %get3A_518 = arith.index_cast %add3A_517 : i32 to index
        %get3A_519 = arith.constant 16 : index
        %get3A_520 = tpu.vector_load %arg5[%get3A_518, %get3A_519] {strides = array<i32>} : memref<256x64xf32, #tpu.memory_space<vmem>>, vector<16xf32>,
        %add3A_521 = arith.constant 6 : i32
        %add3A_522 = arith.addi %add3A_490, %add3A_521 : i32
        %get3A_523 = arith.index_cast %add3A_522 : i32 to index
        %get3A_524 = arith.constant 16 : index
        %get3A_525 = tpu.vector_load %arg5[%get3A_523, %get3A_524] {strides = array<i32>} : memref<256x64xf32, #tpu.memory_space<vmem>>, vector<16xf32>,
        %add3A_526 = arith.constant 7 : i32
        %add3A_527 = arith.addi %add3A_490, %add3A_526 : i32
        %get3A_528 = arith.index_cast %add3A_527 : i32 to index
        %get3A_529 = arith.constant 16 : index
        %get3A_530 = tpu.vector_load %arg5[%get3A_528, %get3A_529] {strides = array<i32>} : memref<256x64xf32, #tpu.memory_space<vmem>>, vector<16xf32>,
        %max3A_531 = arith.maximumf %get3A_495, %get3A_500 : vector<16xf32>
        %max3A_532 = arith.maximumf %get3A_505, %get3A_510 : vector<16xf32>
        %max3A_533 = arith.maximumf %get3A_515, %get3A_520 : vector<16xf32>
        %max3A_534 = arith.maximumf %get3A_525, %get3A_530 : vector<16xf32>
        %max3A_535 = arith.maximumf %max3A_531, %max3A_532 : vector<16xf32>
        %max3A_536 = arith.maximumf %max3A_533, %max3A_534 : vector<16xf32>
        %max3A_537 = arith.maximumf %max3A_535, %max3A_536 : vector<16xf32>
        %gt3A_538 = arith.cmpf ogt, %max3A_537, %cond3A_488#7 : vector<16xf32>
        %all_reduce_population_count3A_539 = tpu.all_reduce %gt3A_538 {dim = 0 : i64, kind = #tpu.reduction_kind<sum>} : vector<16xi1> -> vector<16xi32>
        %slice3A_540 = vector.extract_strided_slice %all_reduce_population_count3A_539 {offsets = [0], sizes = [1], strides = [1]} : vector<16xi32> to vector<1xi32>
        %squeeze3A_541 = vector.extract %slice3A_540[0] : i32 from vector<1xi32>
        %gt3A_542 = arith.constant 0 : i32
        %gt3A_543 = arith.cmpi sgt, %squeeze3A_541, %gt3A_542 : i32
        %convert_element_type3A_544 = arith.extui %gt3A_543 : i1 to i32
        %cond3A_545 = arith.constant 0 : i32
        %cond3A_546 = arith.cmpi ne, %convert_element_type3A_544, %cond3A_545 : i32
        %cond3A_547:8 = scf.if %cond3A_546 -> (vector<16xf32>, vector<16xf32>, vector<16xf32>, vector<16xf32>, vector<16xf32>, vector<16xf32>, vector<16xf32>, vector<16xf32>) {
          %max3A_784 = arith.maximumf %get3A_495, %get3A_500 : vector<16xf32>
          %min3A = arith.minimumf %get3A_495, %get3A_500 : vector<16xf32>
          %max3A_785 = arith.maximumf %get3A_505, %get3A_510 : vector<16xf32>
          %min3A_786 = arith.minimumf %get3A_505, %get3A_510 : vector<16xf32>
          %max3A_787 = arith.maximumf %get3A_515, %get3A_520 : vector<16xf32>
          %min3A_788 = arith.minimumf %get3A_515, %get3A_520 : vector<16xf32>
          %max3A_789 = arith.maximumf %get3A_525, %get3A_530 : vector<16xf32>
          %min3A_790 = arith.minimumf %get3A_525, %get3A_530 : vector<16xf32>
          %max3A_791 = arith.maximumf %max3A_784, %max3A_785 : vector<16xf32>
          %min3A_792 = arith.minimumf %max3A_784, %max3A_785 : vector<16xf32>
          %max3A_793 = arith.maximumf %min3A, %min3A_786 : vector<16xf32>
          %min3A_794 = arith.minimumf %min3A, %min3A_786 : vector<16xf32>
          %max3A_795 = arith.maximumf %max3A_787, %max3A_789 : vector<16xf32>
          %min3A_796 = arith.minimumf %max3A_787, %max3A_789 : vector<16xf32>
          %max3A_797 = arith.maximumf %min3A_788, %min3A_790 : vector<16xf32>
          %min3A_798 = arith.minimumf %min3A_788, %min3A_790 : vector<16xf32>
          %max3A_799 = arith.maximumf %max3A_793, %min3A_792 : vector<16xf32>
          %min3A_800 = arith.minimumf %max3A_793, %min3A_792 : vector<16xf32>
          %max3A_801 = arith.maximumf %max3A_797, %min3A_796 : vector<16xf32>
          %min3A_802 = arith.minimumf %max3A_797, %min3A_796 : vector<16xf32>
          %max3A_803 = arith.maximumf %max3A_791, %max3A_795 : vector<16xf32>
          %min3A_804 = arith.minimumf %max3A_791, %max3A_795 : vector<16xf32>
          %max3A_805 = arith.maximumf %max3A_799, %max3A_801 : vector<16xf32>
          %min3A_806 = arith.minimumf %max3A_799, %max3A_801 : vector<16xf32>
          %max3A_807 = arith.maximumf %min3A_800, %min3A_802 : vector<16xf32>
          %min3A_808 = arith.minimumf %min3A_800, %min3A_802 : vector<16xf32>
          %max3A_809 = arith.maximumf %min3A_794, %min3A_798 : vector<16xf32>
          %min3A_810 = arith.minimumf %min3A_794, %min3A_798 : vector<16xf32>
          %max3A_811 = arith.maximumf %max3A_807, %min3A_804 : vector<16xf32>
          %min3A_812 = arith.minimumf %max3A_807, %min3A_804 : vector<16xf32>
          %max3A_813 = arith.maximumf %max3A_809, %min3A_806 : vector<16xf32>
          %min3A_814 = arith.minimumf %max3A_809, %min3A_806 : vector<16xf32>
          %max3A_815 = arith.maximumf %max3A_805, %max3A_811 : vector<16xf32>
          %min3A_816 = arith.minimumf %max3A_805, %max3A_811 : vector<16xf32>
          %max3A_817 = arith.maximumf %max3A_813, %min3A_812 : vector<16xf32>
          %min3A_818 = arith.minimumf %max3A_813, %min3A_812 : vector<16xf32>
          %max3A_819 = arith.maximumf %min3A_814, %min3A_808 : vector<16xf32>
          %min3A_820 = arith.minimumf %min3A_814, %min3A_808 : vector<16xf32>
          %max3A_821 = arith.maximumf %cond3A_488#0, %min3A_810 : vector<16xf32>
          %max3A_822 = arith.maximumf %cond3A_488#1, %min3A_820 : vector<16xf32>
          %max3A_823 = arith.maximumf %cond3A_488#2, %max3A_819 : vector<16xf32>
          %max3A_824 = arith.maximumf %cond3A_488#3, %min3A_818 : vector<16xf32>
          %max3A_825 = arith.maximumf %cond3A_488#4, %max3A_817 : vector<16xf32>
          %max3A_826 = arith.maximumf %cond3A_488#5, %min3A_816 : vector<16xf32>
          %max3A_827 = arith.maximumf %cond3A_488#6, %max3A_815 : vector<16xf32>
          %max3A_828 = arith.maximumf %cond3A_488#7, %max3A_803 : vector<16xf32>
          %max3A_829 = arith.maximumf %max3A_821, %max3A_825 : vector<16xf32>
          %min3A_830 = arith.minimumf %max3A_821, %max3A_825 : vector<16xf32>
          %max3A_831 = arith.maximumf %max3A_822, %max3A_826 : vector<16xf32>
          %min3A_832 = arith.minimumf %max3A_822, %max3A_826 : vector<16xf32>
          %max3A_833 = arith.maximumf %max3A_823, %max3A_827 : vector<16xf32>
          %min3A_834 = arith.minimumf %max3A_823, %max3A_827 : vector<16xf32>
          %max3A_835 = arith.maximumf %max3A_824, %max3A_828 : vector<16xf32>
          %min3A_836 = arith.minimumf %max3A_824, %max3A_828 : vector<16xf32>
          %max3A_837 = arith.maximumf %max3A_829, %max3A_833 : vector<16xf32>
          %min3A_838 = arith.minimumf %max3A_829, %max3A_833 : vector<16xf32>
          %max3A_839 = arith.maximumf %max3A_831, %max3A_835 : vector<16xf32>
          %min3A_840 = arith.minimumf %max3A_831, %max3A_835 : vector<16xf32>
          %max3A_841 = arith.maximumf %min3A_830, %min3A_834 : vector<16xf32>
          %min3A_842 = arith.minimumf %min3A_830, %min3A_834 : vector<16xf32>
          %max3A_843 = arith.maximumf %min3A_832, %min3A_836 : vector<16xf32>
          %min3A_844 = arith.minimumf %min3A_832, %min3A_836 : vector<16xf32>
          %max3A_845 = arith.maximumf %max3A_837, %max3A_839 : vector<16xf32>
          %min3A_846 = arith.minimumf %max3A_837, %max3A_839 : vector<16xf32>
          %max3A_847 = arith.maximumf %min3A_838, %min3A_840 : vector<16xf32>
          %min3A_848 = arith.minimumf %min3A_838, %min3A_840 : vector<16xf32>
          %max3A_849 = arith.maximumf %max3A_841, %max3A_843 : vector<16xf32>
          %min3A_850 = arith.minimumf %max3A_841, %max3A_843 : vector<16xf32>
          %max3A_851 = arith.maximumf %min3A_842, %min3A_844 : vector<16xf32>
          %min3A_852 = arith.minimumf %min3A_842, %min3A_844 : vector<16xf32>
          scf.yield %max3A_845, %min3A_846, %max3A_847, %min3A_848, %max3A_849, %min3A_850, %max3A_851, %min3A_852 : vector<16xf32>, vector<16xf32>, vector<16xf32>, vector<16xf32>, vector<16xf32>, vector<16xf32>, vector<16xf32>, vector<16xf32>
        } else {
          scf.yield %cond3A_488#0, %cond3A_488#1, %cond3A_488#2, %cond3A_488#3, %cond3A_488#4, %cond3A_488#5, %cond3A_488#6, %cond3A_488#7 : vector<16xf32>, vector<16xf32>, vector<16xf32>, vector<16xf32>, vector<16xf32>, vector<16xf32>, vector<16xf32>, vector<16xf32>
        }
        %add3A_548 = arith.constant 0 : i32
        %add3A_549 = arith.addi %mul3A_317, %add3A_548 : i32
        %add3A_550 = arith.constant 0 : i32
        %add3A_551 = arith.addi %add3A_549, %add3A_550 : i32
        %get3A_552 = arith.index_cast %add3A_551 : i32 to index
        %get3A_553 = arith.constant 32 : index
        %get3A_554 = tpu.vector_load %arg5[%get3A_552, %get3A_553] {strides = array<i32>} : memref<256x64xf32, #tpu.memory_space<vmem>>, vector<16xf32>,
        %add3A_555 = arith.constant 1 : i32
        %add3A_556 = arith.addi %add3A_549, %add3A_555 : i32
        %get3A_557 = arith.index_cast %add3A_556 : i32 to index
        %get3A_558 = arith.constant 32 : index
        %get3A_559 = tpu.vector_load %arg5[%get3A_557, %get3A_558] {strides = array<i32>} : memref<256x64xf32, #tpu.memory_space<vmem>>, vector<16xf32>,
        %add3A_560 = arith.constant 2 : i32
        %add3A_561 = arith.addi %add3A_549, %add3A_560 : i32
        %get3A_562 = arith.index_cast %add3A_561 : i32 to index
        %get3A_563 = arith.constant 32 : index
        %get3A_564 = tpu.vector_load %arg5[%get3A_562, %get3A_563] {strides = array<i32>} : memref<256x64xf32, #tpu.memory_space<vmem>>, vector<16xf32>,
        %add3A_565 = arith.constant 3 : i32
        %add3A_566 = arith.addi %add3A_549, %add3A_565 : i32
        %get3A_567 = arith.index_cast %add3A_566 : i32 to index
        %get3A_568 = arith.constant 32 : index
        %get3A_569 = tpu.vector_load %arg5[%get3A_567, %get3A_568] {strides = array<i32>} : memref<256x64xf32, #tpu.memory_space<vmem>>, vector<16xf32>,
        %add3A_570 = arith.constant 4 : i32
        %add3A_571 = arith.addi %add3A_549, %add3A_570 : i32
        %get3A_572 = arith.index_cast %add3A_571 : i32 to index
        %get3A_573 = arith.constant 32 : index
        %get3A_574 = tpu.vector_load %arg5[%get3A_572, %get3A_573] {strides = array<i32>} : memref<256x64xf32, #tpu.memory_space<vmem>>, vector<16xf32>,
        %add3A_575 = arith.constant 5 : i32
        %add3A_576 = arith.addi %add3A_549, %add3A_575 : i32
        %get3A_577 = arith.index_cast %add3A_576 : i32 to index
        %get3A_578 = arith.constant 32 : index
        %get3A_579 = tpu.vector_load %arg5[%get3A_577, %get3A_578] {strides = array<i32>} : memref<256x64xf32, #tpu.memory_space<vmem>>, vector<16xf32>,
        %add3A_580 = arith.constant 6 : i32
        %add3A_581 = arith.addi %add3A_549, %add3A_580 : i32
        %get3A_582 = arith.index_cast %add3A_581 : i32 to index
        %get3A_583 = arith.constant 32 : index
        %get3A_584 = tpu.vector_load %arg5[%get3A_582, %get3A_583] {strides = array<i32>} : memref<256x64xf32, #tpu.memory_space<vmem>>, vector<16xf32>,
        %add3A_585 = arith.constant 7 : i32
        %add3A_586 = arith.addi %add3A_549, %add3A_585 : i32
        %get3A_587 = arith.index_cast %add3A_586 : i32 to index
        %get3A_588 = arith.constant 32 : index
        %get3A_589 = tpu.vector_load %arg5[%get3A_587, %get3A_588] {strides = array<i32>} : memref<256x64xf32, #tpu.memory_space<vmem>>, vector<16xf32>,
        %max3A_590 = arith.maximumf %get3A_554, %get3A_559 : vector<16xf32>
        %max3A_591 = arith.maximumf %get3A_564, %get3A_569 : vector<16xf32>
        %max3A_592 = arith.maximumf %get3A_574, %get3A_579 : vector<16xf32>
        %max3A_593 = arith.maximumf %get3A_584, %get3A_589 : vector<16xf32>
        %max3A_594 = arith.maximumf %max3A_590, %max3A_591 : vector<16xf32>
        %max3A_595 = arith.maximumf %max3A_592, %max3A_593 : vector<16xf32>
        %max3A_596 = arith.maximumf %max3A_594, %max3A_595 : vector<16xf32>
        %gt3A_597 = arith.cmpf ogt, %max3A_596, %scan3A_305 : vector<16xf32>
        %all_reduce_population_count3A_598 = tpu.all_reduce %gt3A_597 {dim = 0 : i64, kind = #tpu.reduction_kind<sum>} : vector<16xi1> -> vector<16xi32>
        %slice3A_599 = vector.extract_strided_slice %all_reduce_population_count3A_598 {offsets = [0], sizes = [1], strides = [1]} : vector<16xi32> to vector<1xi32>
        %squeeze3A_600 = vector.extract %slice3A_599[0] : i32 from vector<1xi32>
        %gt3A_601 = arith.constant 0 : i32
        %gt3A_602 = arith.cmpi sgt, %squeeze3A_600, %gt3A_601 : i32
        %convert_element_type3A_603 = arith.extui %gt3A_602 : i1 to i32
        %cond3A_604 = arith.constant 0 : i32
        %cond3A_605 = arith.cmpi ne, %convert_element_type3A_603, %cond3A_604 : i32
        %cond3A_606:8 = scf.if %cond3A_605 -> (vector<16xf32>, vector<16xf32>, vector<16xf32>, vector<16xf32>, vector<16xf32>, vector<16xf32>, vector<16xf32>, vector<16xf32>) {
          %max3A_784 = arith.maximumf %get3A_554, %get3A_559 : vector<16xf32>
          %min3A = arith.minimumf %get3A_554, %get3A_559 : vector<16xf32>
          %max3A_785 = arith.maximumf %get3A_564, %get3A_569 : vector<16xf32>
          %min3A_786 = arith.minimumf %get3A_564, %get3A_569 : vector<16xf32>
          %max3A_787 = arith.maximumf %get3A_574, %get3A_579 : vector<16xf32>
          %min3A_788 = arith.minimumf %get3A_574, %get3A_579 : vector<16xf32>
          %max3A_789 = arith.maximumf %get3A_584, %get3A_589 : vector<16xf32>
          %min3A_790 = arith.minimumf %get3A_584, %get3A_589 : vector<16xf32>
          %max3A_791 = arith.maximumf %max3A_784, %max3A_785 : vector<16xf32>
          %min3A_792 = arith.minimumf %max3A_784, %max3A_785 : vector<16xf32>
          %max3A_793 = arith.maximumf %min3A, %min3A_786 : vector<16xf32>
          %min3A_794 = arith.minimumf %min3A, %min3A_786 : vector<16xf32>
          %max3A_795 = arith.maximumf %max3A_787, %max3A_789 : vector<16xf32>
          %min3A_796 = arith.minimumf %max3A_787, %max3A_789 : vector<16xf32>
          %max3A_797 = arith.maximumf %min3A_788, %min3A_790 : vector<16xf32>
          %min3A_798 = arith.minimumf %min3A_788, %min3A_790 : vector<16xf32>
          %max3A_799 = arith.maximumf %max3A_793, %min3A_792 : vector<16xf32>
          %min3A_800 = arith.minimumf %max3A_793, %min3A_792 : vector<16xf32>
          %max3A_801 = arith.maximumf %max3A_797, %min3A_796 : vector<16xf32>
          %min3A_802 = arith.minimumf %max3A_797, %min3A_796 : vector<16xf32>
          %max3A_803 = arith.maximumf %max3A_791, %max3A_795 : vector<16xf32>
          %min3A_804 = arith.minimumf %max3A_791, %max3A_795 : vector<16xf32>
          %max3A_805 = arith.maximumf %max3A_799, %max3A_801 : vector<16xf32>
          %min3A_806 = arith.minimumf %max3A_799, %max3A_801 : vector<16xf32>
          %max3A_807 = arith.maximumf %min3A_800, %min3A_802 : vector<16xf32>
          %min3A_808 = arith.minimumf %min3A_800, %min3A_802 : vector<16xf32>
          %max3A_809 = arith.maximumf %min3A_794, %min3A_798 : vector<16xf32>
          %min3A_810 = arith.minimumf %min3A_794, %min3A_798 : vector<16xf32>
          %max3A_811 = arith.maximumf %max3A_807, %min3A_804 : vector<16xf32>
          %min3A_812 = arith.minimumf %max3A_807, %min3A_804 : vector<16xf32>
          %max3A_813 = arith.maximumf %max3A_809, %min3A_806 : vector<16xf32>
          %min3A_814 = arith.minimumf %max3A_809, %min3A_806 : vector<16xf32>
          %max3A_815 = arith.maximumf %max3A_805, %max3A_811 : vector<16xf32>
          %min3A_816 = arith.minimumf %max3A_805, %max3A_811 : vector<16xf32>
          %max3A_817 = arith.maximumf %max3A_813, %min3A_812 : vector<16xf32>
          %min3A_818 = arith.minimumf %max3A_813, %min3A_812 : vector<16xf32>
          %max3A_819 = arith.maximumf %min3A_814, %min3A_808 : vector<16xf32>
          %min3A_820 = arith.minimumf %min3A_814, %min3A_808 : vector<16xf32>
          %max3A_821 = arith.maximumf %scan3A_298, %min3A_810 : vector<16xf32>
          %max3A_822 = arith.maximumf %scan3A_299, %min3A_820 : vector<16xf32>
          %max3A_823 = arith.maximumf %scan3A_300, %max3A_819 : vector<16xf32>
          %max3A_824 = arith.maximumf %scan3A_301, %min3A_818 : vector<16xf32>
          %max3A_825 = arith.maximumf %scan3A_302, %max3A_817 : vector<16xf32>
          %max3A_826 = arith.maximumf %scan3A_303, %min3A_816 : vector<16xf32>
          %max3A_827 = arith.maximumf %scan3A_304, %max3A_815 : vector<16xf32>
          %max3A_828 = arith.maximumf %scan3A_305, %max3A_803 : vector<16xf32>
          %max3A_829 = arith.maximumf %max3A_821, %max3A_825 : vector<16xf32>
          %min3A_830 = arith.minimumf %max3A_821, %max3A_825 : vector<16xf32>
          %max3A_831 = arith.maximumf %max3A_822, %max3A_826 : vector<16xf32>
          %min3A_832 = arith.minimumf %max3A_822, %max3A_826 : vector<16xf32>
          %max3A_833 = arith.maximumf %max3A_823, %max3A_827 : vector<16xf32>
          %min3A_834 = arith.minimumf %max3A_823, %max3A_827 : vector<16xf32>
          %max3A_835 = arith.maximumf %max3A_824, %max3A_828 : vector<16xf32>
          %min3A_836 = arith.minimumf %max3A_824, %max3A_828 : vector<16xf32>
          %max3A_837 = arith.maximumf %max3A_829, %max3A_833 : vector<16xf32>
          %min3A_838 = arith.minimumf %max3A_829, %max3A_833 : vector<16xf32>
          %max3A_839 = arith.maximumf %max3A_831, %max3A_835 : vector<16xf32>
          %min3A_840 = arith.minimumf %max3A_831, %max3A_835 : vector<16xf32>
          %max3A_841 = arith.maximumf %min3A_830, %min3A_834 : vector<16xf32>
          %min3A_842 = arith.minimumf %min3A_830, %min3A_834 : vector<16xf32>
          %max3A_843 = arith.maximumf %min3A_832, %min3A_836 : vector<16xf32>
          %min3A_844 = arith.minimumf %min3A_832, %min3A_836 : vector<16xf32>
          %max3A_845 = arith.maximumf %max3A_837, %max3A_839 : vector<16xf32>
          %min3A_846 = arith.minimumf %max3A_837, %max3A_839 : vector<16xf32>
          %max3A_847 = arith.maximumf %min3A_838, %min3A_840 : vector<16xf32>
          %min3A_848 = arith.minimumf %min3A_838, %min3A_840 : vector<16xf32>
          %max3A_849 = arith.maximumf %max3A_841, %max3A_843 : vector<16xf32>
          %min3A_850 = arith.minimumf %max3A_841, %max3A_843 : vector<16xf32>
          %max3A_851 = arith.maximumf %min3A_842, %min3A_844 : vector<16xf32>
          %min3A_852 = arith.minimumf %min3A_842, %min3A_844 : vector<16xf32>
          scf.yield %max3A_845, %min3A_846, %max3A_847, %min3A_848, %max3A_849, %min3A_850, %max3A_851, %min3A_852 : vector<16xf32>, vector<16xf32>, vector<16xf32>, vector<16xf32>, vector<16xf32>, vector<16xf32>, vector<16xf32>, vector<16xf32>
        } else {
          scf.yield %scan3A_298, %scan3A_299, %scan3A_300, %scan3A_301, %scan3A_302, %scan3A_303, %scan3A_304, %scan3A_305 : vector<16xf32>, vector<16xf32>, vector<16xf32>, vector<16xf32>, vector<16xf32>, vector<16xf32>, vector<16xf32>, vector<16xf32>
        }
        %add3A_607 = arith.constant 8 : i32
        %add3A_608 = arith.addi %mul3A_317, %add3A_607 : i32
        %add3A_609 = arith.constant 0 : i32
        %add3A_610 = arith.addi %add3A_608, %add3A_609 : i32
        %get3A_611 = arith.index_cast %add3A_610 : i32 to index
        %get3A_612 = arith.constant 32 : index
        %get3A_613 = tpu.vector_load %arg5[%get3A_611, %get3A_612] {strides = array<i32>} : memref<256x64xf32, #tpu.memory_space<vmem>>, vector<16xf32>,
        %add3A_614 = arith.constant 1 : i32
        %add3A_615 = arith.addi %add3A_608, %add3A_614 : i32
        %get3A_616 = arith.index_cast %add3A_615 : i32 to index
        %get3A_617 = arith.constant 32 : index
        %get3A_618 = tpu.vector_load %arg5[%get3A_616, %get3A_617] {strides = array<i32>} : memref<256x64xf32, #tpu.memory_space<vmem>>, vector<16xf32>,
        %add3A_619 = arith.constant 2 : i32
        %add3A_620 = arith.addi %add3A_608, %add3A_619 : i32
        %get3A_621 = arith.index_cast %add3A_620 : i32 to index
        %get3A_622 = arith.constant 32 : index
        %get3A_623 = tpu.vector_load %arg5[%get3A_621, %get3A_622] {strides = array<i32>} : memref<256x64xf32, #tpu.memory_space<vmem>>, vector<16xf32>,
        %add3A_624 = arith.constant 3 : i32
        %add3A_625 = arith.addi %add3A_608, %add3A_624 : i32
        %get3A_626 = arith.index_cast %add3A_625 : i32 to index
        %get3A_627 = arith.constant 32 : index
        %get3A_628 = tpu.vector_load %arg5[%get3A_626, %get3A_627] {strides = array<i32>} : memref<256x64xf32, #tpu.memory_space<vmem>>, vector<16xf32>,
        %add3A_629 = arith.constant 4 : i32
        %add3A_630 = arith.addi %add3A_608, %add3A_629 : i32
        %get3A_631 = arith.index_cast %add3A_630 : i32 to index
        %get3A_632 = arith.constant 32 : index
        %get3A_633 = tpu.vector_load %arg5[%get3A_631, %get3A_632] {strides = array<i32>} : memref<256x64xf32, #tpu.memory_space<vmem>>, vector<16xf32>,
        %add3A_634 = arith.constant 5 : i32
        %add3A_635 = arith.addi %add3A_608, %add3A_634 : i32
        %get3A_636 = arith.index_cast %add3A_635 : i32 to index
        %get3A_637 = arith.constant 32 : index
        %get3A_638 = tpu.vector_load %arg5[%get3A_636, %get3A_637] {strides = array<i32>} : memref<256x64xf32, #tpu.memory_space<vmem>>, vector<16xf32>,
        %add3A_639 = arith.constant 6 : i32
        %add3A_640 = arith.addi %add3A_608, %add3A_639 : i32
        %get3A_641 = arith.index_cast %add3A_640 : i32 to index
        %get3A_642 = arith.constant 32 : index
        %get3A_643 = tpu.vector_load %arg5[%get3A_641, %get3A_642] {strides = array<i32>} : memref<256x64xf32, #tpu.memory_space<vmem>>, vector<16xf32>,
        %add3A_644 = arith.constant 7 : i32
        %add3A_645 = arith.addi %add3A_608, %add3A_644 : i32
        %get3A_646 = arith.index_cast %add3A_645 : i32 to index
        %get3A_647 = arith.constant 32 : index
        %get3A_648 = tpu.vector_load %arg5[%get3A_646, %get3A_647] {strides = array<i32>} : memref<256x64xf32, #tpu.memory_space<vmem>>, vector<16xf32>,
        %max3A_649 = arith.maximumf %get3A_613, %get3A_618 : vector<16xf32>
        %max3A_650 = arith.maximumf %get3A_623, %get3A_628 : vector<16xf32>
        %max3A_651 = arith.maximumf %get3A_633, %get3A_638 : vector<16xf32>
        %max3A_652 = arith.maximumf %get3A_643, %get3A_648 : vector<16xf32>
        %max3A_653 = arith.maximumf %max3A_649, %max3A_650 : vector<16xf32>
        %max3A_654 = arith.maximumf %max3A_651, %max3A_652 : vector<16xf32>
        %max3A_655 = arith.maximumf %max3A_653, %max3A_654 : vector<16xf32>
        %gt3A_656 = arith.cmpf ogt, %max3A_655, %cond3A_606#7 : vector<16xf32>
        %all_reduce_population_count3A_657 = tpu.all_reduce %gt3A_656 {dim = 0 : i64, kind = #tpu.reduction_kind<sum>} : vector<16xi1> -> vector<16xi32>
        %slice3A_658 = vector.extract_strided_slice %all_reduce_population_count3A_657 {offsets = [0], sizes = [1], strides = [1]} : vector<16xi32> to vector<1xi32>
        %squeeze3A_659 = vector.extract %slice3A_658[0] : i32 from vector<1xi32>
        %gt3A_660 = arith.constant 0 : i32
        %gt3A_661 = arith.cmpi sgt, %squeeze3A_659, %gt3A_660 : i32
        %convert_element_type3A_662 = arith.extui %gt3A_661 : i1 to i32
        %cond3A_663 = arith.constant 0 : i32
        %cond3A_664 = arith.cmpi ne, %convert_element_type3A_662, %cond3A_663 : i32
        %cond3A_665:8 = scf.if %cond3A_664 -> (vector<16xf32>, vector<16xf32>, vector<16xf32>, vector<16xf32>, vector<16xf32>, vector<16xf32>, vector<16xf32>, vector<16xf32>) {
          %max3A_784 = arith.maximumf %get3A_613, %get3A_618 : vector<16xf32>
          %min3A = arith.minimumf %get3A_613, %get3A_618 : vector<16xf32>
          %max3A_785 = arith.maximumf %get3A_623, %get3A_628 : vector<16xf32>
          %min3A_786 = arith.minimumf %get3A_623, %get3A_628 : vector<16xf32>
          %max3A_787 = arith.maximumf %get3A_633, %get3A_638 : vector<16xf32>
          %min3A_788 = arith.minimumf %get3A_633, %get3A_638 : vector<16xf32>
          %max3A_789 = arith.maximumf %get3A_643, %get3A_648 : vector<16xf32>
          %min3A_790 = arith.minimumf %get3A_643, %get3A_648 : vector<16xf32>
          %max3A_791 = arith.maximumf %max3A_784, %max3A_785 : vector<16xf32>
          %min3A_792 = arith.minimumf %max3A_784, %max3A_785 : vector<16xf32>
          %max3A_793 = arith.maximumf %min3A, %min3A_786 : vector<16xf32>
          %min3A_794 = arith.minimumf %min3A, %min3A_786 : vector<16xf32>
          %max3A_795 = arith.maximumf %max3A_787, %max3A_789 : vector<16xf32>
          %min3A_796 = arith.minimumf %max3A_787, %max3A_789 : vector<16xf32>
          %max3A_797 = arith.maximumf %min3A_788, %min3A_790 : vector<16xf32>
          %min3A_798 = arith.minimumf %min3A_788, %min3A_790 : vector<16xf32>
          %max3A_799 = arith.maximumf %max3A_793, %min3A_792 : vector<16xf32>
          %min3A_800 = arith.minimumf %max3A_793, %min3A_792 : vector<16xf32>
          %max3A_801 = arith.maximumf %max3A_797, %min3A_796 : vector<16xf32>
          %min3A_802 = arith.minimumf %max3A_797, %min3A_796 : vector<16xf32>
          %max3A_803 = arith.maximumf %max3A_791, %max3A_795 : vector<16xf32>
          %min3A_804 = arith.minimumf %max3A_791, %max3A_795 : vector<16xf32>
          %max3A_805 = arith.maximumf %max3A_799, %max3A_801 : vector<16xf32>
          %min3A_806 = arith.minimumf %max3A_799, %max3A_801 : vector<16xf32>
          %max3A_807 = arith.maximumf %min3A_800, %min3A_802 : vector<16xf32>
          %min3A_808 = arith.minimumf %min3A_800, %min3A_802 : vector<16xf32>
          %max3A_809 = arith.maximumf %min3A_794, %min3A_798 : vector<16xf32>
          %min3A_810 = arith.minimumf %min3A_794, %min3A_798 : vector<16xf32>
          %max3A_811 = arith.maximumf %max3A_807, %min3A_804 : vector<16xf32>
          %min3A_812 = arith.minimumf %max3A_807, %min3A_804 : vector<16xf32>
          %max3A_813 = arith.maximumf %max3A_809, %min3A_806 : vector<16xf32>
          %min3A_814 = arith.minimumf %max3A_809, %min3A_806 : vector<16xf32>
          %max3A_815 = arith.maximumf %max3A_805, %max3A_811 : vector<16xf32>
          %min3A_816 = arith.minimumf %max3A_805, %max3A_811 : vector<16xf32>
          %max3A_817 = arith.maximumf %max3A_813, %min3A_812 : vector<16xf32>
          %min3A_818 = arith.minimumf %max3A_813, %min3A_812 : vector<16xf32>
          %max3A_819 = arith.maximumf %min3A_814, %min3A_808 : vector<16xf32>
          %min3A_820 = arith.minimumf %min3A_814, %min3A_808 : vector<16xf32>
          %max3A_821 = arith.maximumf %cond3A_606#0, %min3A_810 : vector<16xf32>
          %max3A_822 = arith.maximumf %cond3A_606#1, %min3A_820 : vector<16xf32>
          %max3A_823 = arith.maximumf %cond3A_606#2, %max3A_819 : vector<16xf32>
          %max3A_824 = arith.maximumf %cond3A_606#3, %min3A_818 : vector<16xf32>
          %max3A_825 = arith.maximumf %cond3A_606#4, %max3A_817 : vector<16xf32>
          %max3A_826 = arith.maximumf %cond3A_606#5, %min3A_816 : vector<16xf32>
          %max3A_827 = arith.maximumf %cond3A_606#6, %max3A_815 : vector<16xf32>
          %max3A_828 = arith.maximumf %cond3A_606#7, %max3A_803 : vector<16xf32>
          %max3A_829 = arith.maximumf %max3A_821, %max3A_825 : vector<16xf32>
          %min3A_830 = arith.minimumf %max3A_821, %max3A_825 : vector<16xf32>
          %max3A_831 = arith.maximumf %max3A_822, %max3A_826 : vector<16xf32>
          %min3A_832 = arith.minimumf %max3A_822, %max3A_826 : vector<16xf32>
          %max3A_833 = arith.maximumf %max3A_823, %max3A_827 : vector<16xf32>
          %min3A_834 = arith.minimumf %max3A_823, %max3A_827 : vector<16xf32>
          %max3A_835 = arith.maximumf %max3A_824, %max3A_828 : vector<16xf32>
          %min3A_836 = arith.minimumf %max3A_824, %max3A_828 : vector<16xf32>
          %max3A_837 = arith.maximumf %max3A_829, %max3A_833 : vector<16xf32>
          %min3A_838 = arith.minimumf %max3A_829, %max3A_833 : vector<16xf32>
          %max3A_839 = arith.maximumf %max3A_831, %max3A_835 : vector<16xf32>
          %min3A_840 = arith.minimumf %max3A_831, %max3A_835 : vector<16xf32>
          %max3A_841 = arith.maximumf %min3A_830, %min3A_834 : vector<16xf32>
          %min3A_842 = arith.minimumf %min3A_830, %min3A_834 : vector<16xf32>
          %max3A_843 = arith.maximumf %min3A_832, %min3A_836 : vector<16xf32>
          %min3A_844 = arith.minimumf %min3A_832, %min3A_836 : vector<16xf32>
          %max3A_845 = arith.maximumf %max3A_837, %max3A_839 : vector<16xf32>
          %min3A_846 = arith.minimumf %max3A_837, %max3A_839 : vector<16xf32>
          %max3A_847 = arith.maximumf %min3A_838, %min3A_840 : vector<16xf32>
          %min3A_848 = arith.minimumf %min3A_838, %min3A_840 : vector<16xf32>
          %max3A_849 = arith.maximumf %max3A_841, %max3A_843 : vector<16xf32>
          %min3A_850 = arith.minimumf %max3A_841, %max3A_843 : vector<16xf32>
          %max3A_851 = arith.maximumf %min3A_842, %min3A_844 : vector<16xf32>
          %min3A_852 = arith.minimumf %min3A_842, %min3A_844 : vector<16xf32>
          scf.yield %max3A_845, %min3A_846, %max3A_847, %min3A_848, %max3A_849, %min3A_850, %max3A_851, %min3A_852 : vector<16xf32>, vector<16xf32>, vector<16xf32>, vector<16xf32>, vector<16xf32>, vector<16xf32>, vector<16xf32>, vector<16xf32>
        } else {
          scf.yield %cond3A_606#0, %cond3A_606#1, %cond3A_606#2, %cond3A_606#3, %cond3A_606#4, %cond3A_606#5, %cond3A_606#6, %cond3A_606#7 : vector<16xf32>, vector<16xf32>, vector<16xf32>, vector<16xf32>, vector<16xf32>, vector<16xf32>, vector<16xf32>, vector<16xf32>
        }
        %add3A_666 = arith.constant 0 : i32
        %add3A_667 = arith.addi %mul3A_317, %add3A_666 : i32
        %add3A_668 = arith.constant 0 : i32
        %add3A_669 = arith.addi %add3A_667, %add3A_668 : i32
        %get3A_670 = arith.index_cast %add3A_669 : i32 to index
        %get3A_671 = arith.constant 48 : index
        %get3A_672 = tpu.vector_load %arg5[%get3A_670, %get3A_671] {strides = array<i32>} : memref<256x64xf32, #tpu.memory_space<vmem>>, vector<16xf32>,
        %add3A_673 = arith.constant 1 : i32
        %add3A_674 = arith.addi %add3A_667, %add3A_673 : i32
        %get3A_675 = arith.index_cast %add3A_674 : i32 to index
        %get3A_676 = arith.constant 48 : index
        %get3A_677 = tpu.vector_load %arg5[%get3A_675, %get3A_676] {strides = array<i32>} : memref<256x64xf32, #tpu.memory_space<vmem>>, vector<16xf32>,
        %add3A_678 = arith.constant 2 : i32
        %add3A_679 = arith.addi %add3A_667, %add3A_678 : i32
        %get3A_680 = arith.index_cast %add3A_679 : i32 to index
        %get3A_681 = arith.constant 48 : index
        %get3A_682 = tpu.vector_load %arg5[%get3A_680, %get3A_681] {strides = array<i32>} : memref<256x64xf32, #tpu.memory_space<vmem>>, vector<16xf32>,
        %add3A_683 = arith.constant 3 : i32
        %add3A_684 = arith.addi %add3A_667, %add3A_683 : i32
        %get3A_685 = arith.index_cast %add3A_684 : i32 to index
        %get3A_686 = arith.constant 48 : index
        %get3A_687 = tpu.vector_load %arg5[%get3A_685, %get3A_686] {strides = array<i32>} : memref<256x64xf32, #tpu.memory_space<vmem>>, vector<16xf32>,
        %add3A_688 = arith.constant 4 : i32
        %add3A_689 = arith.addi %add3A_667, %add3A_688 : i32
        %get3A_690 = arith.index_cast %add3A_689 : i32 to index
        %get3A_691 = arith.constant 48 : index
        %get3A_692 = tpu.vector_load %arg5[%get3A_690, %get3A_691] {strides = array<i32>} : memref<256x64xf32, #tpu.memory_space<vmem>>, vector<16xf32>,
        %add3A_693 = arith.constant 5 : i32
        %add3A_694 = arith.addi %add3A_667, %add3A_693 : i32
        %get3A_695 = arith.index_cast %add3A_694 : i32 to index
        %get3A_696 = arith.constant 48 : index
        %get3A_697 = tpu.vector_load %arg5[%get3A_695, %get3A_696] {strides = array<i32>} : memref<256x64xf32, #tpu.memory_space<vmem>>, vector<16xf32>,
        %add3A_698 = arith.constant 6 : i32
        %add3A_699 = arith.addi %add3A_667, %add3A_698 : i32
        %get3A_700 = arith.index_cast %add3A_699 : i32 to index
        %get3A_701 = arith.constant 48 : index
        %get3A_702 = tpu.vector_load %arg5[%get3A_700, %get3A_701] {strides = array<i32>} : memref<256x64xf32, #tpu.memory_space<vmem>>, vector<16xf32>,
        %add3A_703 = arith.constant 7 : i32
        %add3A_704 = arith.addi %add3A_667, %add3A_703 : i32
        %get3A_705 = arith.index_cast %add3A_704 : i32 to index
        %get3A_706 = arith.constant 48 : index
        %get3A_707 = tpu.vector_load %arg5[%get3A_705, %get3A_706] {strides = array<i32>} : memref<256x64xf32, #tpu.memory_space<vmem>>, vector<16xf32>,
        %max3A_708 = arith.maximumf %get3A_672, %get3A_677 : vector<16xf32>
        %max3A_709 = arith.maximumf %get3A_682, %get3A_687 : vector<16xf32>
        %max3A_710 = arith.maximumf %get3A_692, %get3A_697 : vector<16xf32>
        %max3A_711 = arith.maximumf %get3A_702, %get3A_707 : vector<16xf32>
        %max3A_712 = arith.maximumf %max3A_708, %max3A_709 : vector<16xf32>
        %max3A_713 = arith.maximumf %max3A_710, %max3A_711 : vector<16xf32>
        %max3A_714 = arith.maximumf %max3A_712, %max3A_713 : vector<16xf32>
        %gt3A_715 = arith.cmpf ogt, %max3A_714, %scan3A_313 : vector<16xf32>
        %all_reduce_population_count3A_716 = tpu.all_reduce %gt3A_715 {dim = 0 : i64, kind = #tpu.reduction_kind<sum>} : vector<16xi1> -> vector<16xi32>
        %slice3A_717 = vector.extract_strided_slice %all_reduce_population_count3A_716 {offsets = [0], sizes = [1], strides = [1]} : vector<16xi32> to vector<1xi32>
        %squeeze3A_718 = vector.extract %slice3A_717[0] : i32 from vector<1xi32>
        %gt3A_719 = arith.constant 0 : i32
        %gt3A_720 = arith.cmpi sgt, %squeeze3A_718, %gt3A_719 : i32
        %convert_element_type3A_721 = arith.extui %gt3A_720 : i1 to i32
        %cond3A_722 = arith.constant 0 : i32
        %cond3A_723 = arith.cmpi ne, %convert_element_type3A_721, %cond3A_722 : i32
        %cond3A_724:8 = scf.if %cond3A_723 -> (vector<16xf32>, vector<16xf32>, vector<16xf32>, vector<16xf32>, vector<16xf32>, vector<16xf32>, vector<16xf32>, vector<16xf32>) {
          %max3A_784 = arith.maximumf %get3A_672, %get3A_677 : vector<16xf32>
          %min3A = arith.minimumf %get3A_672, %get3A_677 : vector<16xf32>
          %max3A_785 = arith.maximumf %get3A_682, %get3A_687 : vector<16xf32>
          %min3A_786 = arith.minimumf %get3A_682, %get3A_687 : vector<16xf32>
          %max3A_787 = arith.maximumf %get3A_692, %get3A_697 : vector<16xf32>
          %min3A_788 = arith.minimumf %get3A_692, %get3A_697 : vector<16xf32>
          %max3A_789 = arith.maximumf %get3A_702, %get3A_707 : vector<16xf32>
          %min3A_790 = arith.minimumf %get3A_702, %get3A_707 : vector<16xf32>
          %max3A_791 = arith.maximumf %max3A_784, %max3A_785 : vector<16xf32>
          %min3A_792 = arith.minimumf %max3A_784, %max3A_785 : vector<16xf32>
          %max3A_793 = arith.maximumf %min3A, %min3A_786 : vector<16xf32>
          %min3A_794 = arith.minimumf %min3A, %min3A_786 : vector<16xf32>
          %max3A_795 = arith.maximumf %max3A_787, %max3A_789 : vector<16xf32>
          %min3A_796 = arith.minimumf %max3A_787, %max3A_789 : vector<16xf32>
          %max3A_797 = arith.maximumf %min3A_788, %min3A_790 : vector<16xf32>
          %min3A_798 = arith.minimumf %min3A_788, %min3A_790 : vector<16xf32>
          %max3A_799 = arith.maximumf %max3A_793, %min3A_792 : vector<16xf32>
          %min3A_800 = arith.minimumf %max3A_793, %min3A_792 : vector<16xf32>
          %max3A_801 = arith.maximumf %max3A_797, %min3A_796 : vector<16xf32>
          %min3A_802 = arith.minimumf %max3A_797, %min3A_796 : vector<16xf32>
          %max3A_803 = arith.maximumf %max3A_791, %max3A_795 : vector<16xf32>
          %min3A_804 = arith.minimumf %max3A_791, %max3A_795 : vector<16xf32>
          %max3A_805 = arith.maximumf %max3A_799, %max3A_801 : vector<16xf32>
          %min3A_806 = arith.minimumf %max3A_799, %max3A_801 : vector<16xf32>
          %max3A_807 = arith.maximumf %min3A_800, %min3A_802 : vector<16xf32>
          %min3A_808 = arith.minimumf %min3A_800, %min3A_802 : vector<16xf32>
          %max3A_809 = arith.maximumf %min3A_794, %min3A_798 : vector<16xf32>
          %min3A_810 = arith.minimumf %min3A_794, %min3A_798 : vector<16xf32>
          %max3A_811 = arith.maximumf %max3A_807, %min3A_804 : vector<16xf32>
          %min3A_812 = arith.minimumf %max3A_807, %min3A_804 : vector<16xf32>
          %max3A_813 = arith.maximumf %max3A_809, %min3A_806 : vector<16xf32>
          %min3A_814 = arith.minimumf %max3A_809, %min3A_806 : vector<16xf32>
          %max3A_815 = arith.maximumf %max3A_805, %max3A_811 : vector<16xf32>
          %min3A_816 = arith.minimumf %max3A_805, %max3A_811 : vector<16xf32>
          %max3A_817 = arith.maximumf %max3A_813, %min3A_812 : vector<16xf32>
          %min3A_818 = arith.minimumf %max3A_813, %min3A_812 : vector<16xf32>
          %max3A_819 = arith.maximumf %min3A_814, %min3A_808 : vector<16xf32>
          %min3A_820 = arith.minimumf %min3A_814, %min3A_808 : vector<16xf32>
          %max3A_821 = arith.maximumf %scan3A_306, %min3A_810 : vector<16xf32>
          %max3A_822 = arith.maximumf %scan3A_307, %min3A_820 : vector<16xf32>
          %max3A_823 = arith.maximumf %scan3A_308, %max3A_819 : vector<16xf32>
          %max3A_824 = arith.maximumf %scan3A_309, %min3A_818 : vector<16xf32>
          %max3A_825 = arith.maximumf %scan3A_310, %max3A_817 : vector<16xf32>
          %max3A_826 = arith.maximumf %scan3A_311, %min3A_816 : vector<16xf32>
          %max3A_827 = arith.maximumf %scan3A_312, %max3A_815 : vector<16xf32>
          %max3A_828 = arith.maximumf %scan3A_313, %max3A_803 : vector<16xf32>
          %max3A_829 = arith.maximumf %max3A_821, %max3A_825 : vector<16xf32>
          %min3A_830 = arith.minimumf %max3A_821, %max3A_825 : vector<16xf32>
          %max3A_831 = arith.maximumf %max3A_822, %max3A_826 : vector<16xf32>
          %min3A_832 = arith.minimumf %max3A_822, %max3A_826 : vector<16xf32>
          %max3A_833 = arith.maximumf %max3A_823, %max3A_827 : vector<16xf32>
          %min3A_834 = arith.minimumf %max3A_823, %max3A_827 : vector<16xf32>
          %max3A_835 = arith.maximumf %max3A_824, %max3A_828 : vector<16xf32>
          %min3A_836 = arith.minimumf %max3A_824, %max3A_828 : vector<16xf32>
          %max3A_837 = arith.maximumf %max3A_829, %max3A_833 : vector<16xf32>
          %min3A_838 = arith.minimumf %max3A_829, %max3A_833 : vector<16xf32>
          %max3A_839 = arith.maximumf %max3A_831, %max3A_835 : vector<16xf32>
          %min3A_840 = arith.minimumf %max3A_831, %max3A_835 : vector<16xf32>
          %max3A_841 = arith.maximumf %min3A_830, %min3A_834 : vector<16xf32>
          %min3A_842 = arith.minimumf %min3A_830, %min3A_834 : vector<16xf32>
          %max3A_843 = arith.maximumf %min3A_832, %min3A_836 : vector<16xf32>
          %min3A_844 = arith.minimumf %min3A_832, %min3A_836 : vector<16xf32>
          %max3A_845 = arith.maximumf %max3A_837, %max3A_839 : vector<16xf32>
          %min3A_846 = arith.minimumf %max3A_837, %max3A_839 : vector<16xf32>
          %max3A_847 = arith.maximumf %min3A_838, %min3A_840 : vector<16xf32>
          %min3A_848 = arith.minimumf %min3A_838, %min3A_840 : vector<16xf32>
          %max3A_849 = arith.maximumf %max3A_841, %max3A_843 : vector<16xf32>
          %min3A_850 = arith.minimumf %max3A_841, %max3A_843 : vector<16xf32>
          %max3A_851 = arith.maximumf %min3A_842, %min3A_844 : vector<16xf32>
          %min3A_852 = arith.minimumf %min3A_842, %min3A_844 : vector<16xf32>
          scf.yield %max3A_845, %min3A_846, %max3A_847, %min3A_848, %max3A_849, %min3A_850, %max3A_851, %min3A_852 : vector<16xf32>, vector<16xf32>, vector<16xf32>, vector<16xf32>, vector<16xf32>, vector<16xf32>, vector<16xf32>, vector<16xf32>
        } else {
          scf.yield %scan3A_306, %scan3A_307, %scan3A_308, %scan3A_309, %scan3A_310, %scan3A_311, %scan3A_312, %scan3A_313 : vector<16xf32>, vector<16xf32>, vector<16xf32>, vector<16xf32>, vector<16xf32>, vector<16xf32>, vector<16xf32>, vector<16xf32>
        }
        %add3A_725 = arith.constant 8 : i32
        %add3A_726 = arith.addi %mul3A_317, %add3A_725 : i32
        %add3A_727 = arith.constant 0 : i32
        %add3A_728 = arith.addi %add3A_726, %add3A_727 : i32
        %get3A_729 = arith.index_cast %add3A_728 : i32 to index
        %get3A_730 = arith.constant 48 : index
        %get3A_731 = tpu.vector_load %arg5[%get3A_729, %get3A_730] {strides = array<i32>} : memref<256x64xf32, #tpu.memory_space<vmem>>, vector<16xf32>,
        %add3A_732 = arith.constant 1 : i32
        %add3A_733 = arith.addi %add3A_726, %add3A_732 : i32
        %get3A_734 = arith.index_cast %add3A_733 : i32 to index
        %get3A_735 = arith.constant 48 : index
        %get3A_736 = tpu.vector_load %arg5[%get3A_734, %get3A_735] {strides = array<i32>} : memref<256x64xf32, #tpu.memory_space<vmem>>, vector<16xf32>,
        %add3A_737 = arith.constant 2 : i32
        %add3A_738 = arith.addi %add3A_726, %add3A_737 : i32
        %get3A_739 = arith.index_cast %add3A_738 : i32 to index
        %get3A_740 = arith.constant 48 : index
        %get3A_741 = tpu.vector_load %arg5[%get3A_739, %get3A_740] {strides = array<i32>} : memref<256x64xf32, #tpu.memory_space<vmem>>, vector<16xf32>,
        %add3A_742 = arith.constant 3 : i32
        %add3A_743 = arith.addi %add3A_726, %add3A_742 : i32
        %get3A_744 = arith.index_cast %add3A_743 : i32 to index
        %get3A_745 = arith.constant 48 : index
        %get3A_746 = tpu.vector_load %arg5[%get3A_744, %get3A_745] {strides = array<i32>} : memref<256x64xf32, #tpu.memory_space<vmem>>, vector<16xf32>,
        %add3A_747 = arith.constant 4 : i32
        %add3A_748 = arith.addi %add3A_726, %add3A_747 : i32
        %get3A_749 = arith.index_cast %add3A_748 : i32 to index
        %get3A_750 = arith.constant 48 : index
        %get3A_751 = tpu.vector_load %arg5[%get3A_749, %get3A_750] {strides = array<i32>} : memref<256x64xf32, #tpu.memory_space<vmem>>, vector<16xf32>,
        %add3A_752 = arith.constant 5 : i32
        %add3A_753 = arith.addi %add3A_726, %add3A_752 : i32
        %get3A_754 = arith.index_cast %add3A_753 : i32 to index
        %get3A_755 = arith.constant 48 : index
        %get3A_756 = tpu.vector_load %arg5[%get3A_754, %get3A_755] {strides = array<i32>} : memref<256x64xf32, #tpu.memory_space<vmem>>, vector<16xf32>,
        %add3A_757 = arith.constant 6 : i32
        %add3A_758 = arith.addi %add3A_726, %add3A_757 : i32
        %get3A_759 = arith.index_cast %add3A_758 : i32 to index
        %get3A_760 = arith.constant 48 : index
        %get3A_761 = tpu.vector_load %arg5[%get3A_759, %get3A_760] {strides = array<i32>} : memref<256x64xf32, #tpu.memory_space<vmem>>, vector<16xf32>,
        %add3A_762 = arith.constant 7 : i32
        %add3A_763 = arith.addi %add3A_726, %add3A_762 : i32
        %get3A_764 = arith.index_cast %add3A_763 : i32 to index
        %get3A_765 = arith.constant 48 : index
        %get3A_766 = tpu.vector_load %arg5[%get3A_764, %get3A_765] {strides = array<i32>} : memref<256x64xf32, #tpu.memory_space<vmem>>, vector<16xf32>,
        %max3A_767 = arith.maximumf %get3A_731, %get3A_736 : vector<16xf32>
        %max3A_768 = arith.maximumf %get3A_741, %get3A_746 : vector<16xf32>
        %max3A_769 = arith.maximumf %get3A_751, %get3A_756 : vector<16xf32>
        %max3A_770 = arith.maximumf %get3A_761, %get3A_766 : vector<16xf32>
        %max3A_771 = arith.maximumf %max3A_767, %max3A_768 : vector<16xf32>
        %max3A_772 = arith.maximumf %max3A_769, %max3A_770 : vector<16xf32>
        %max3A_773 = arith.maximumf %max3A_771, %max3A_772 : vector<16xf32>
        %gt3A_774 = arith.cmpf ogt, %max3A_773, %cond3A_724#7 : vector<16xf32>
        %all_reduce_population_count3A_775 = tpu.all_reduce %gt3A_774 {dim = 0 : i64, kind = #tpu.reduction_kind<sum>} : vector<16xi1> -> vector<16xi32>
        %slice3A_776 = vector.extract_strided_slice %all_reduce_population_count3A_775 {offsets = [0], sizes = [1], strides = [1]} : vector<16xi32> to vector<1xi32>
        %squeeze3A_777 = vector.extract %slice3A_776[0] : i32 from vector<1xi32>
        %gt3A_778 = arith.constant 0 : i32
        %gt3A_779 = arith.cmpi sgt, %squeeze3A_777, %gt3A_778 : i32
        %convert_element_type3A_780 = arith.extui %gt3A_779 : i1 to i32
        %cond3A_781 = arith.constant 0 : i32
        %cond3A_782 = arith.cmpi ne, %convert_element_type3A_780, %cond3A_781 : i32
        %cond3A_783:8 = scf.if %cond3A_782 -> (vector<16xf32>, vector<16xf32>, vector<16xf32>, vector<16xf32>, vector<16xf32>, vector<16xf32>, vector<16xf32>, vector<16xf32>) {
          %max3A_784 = arith.maximumf %get3A_731, %get3A_736 : vector<16xf32>
          %min3A = arith.minimumf %get3A_731, %get3A_736 : vector<16xf32>
          %max3A_785 = arith.maximumf %get3A_741, %get3A_746 : vector<16xf32>
          %min3A_786 = arith.minimumf %get3A_741, %get3A_746 : vector<16xf32>
          %max3A_787 = arith.maximumf %get3A_751, %get3A_756 : vector<16xf32>
          %min3A_788 = arith.minimumf %get3A_751, %get3A_756 : vector<16xf32>
          %max3A_789 = arith.maximumf %get3A_761, %get3A_766 : vector<16xf32>
          %min3A_790 = arith.minimumf %get3A_761, %get3A_766 : vector<16xf32>
          %max3A_791 = arith.maximumf %max3A_784, %max3A_785 : vector<16xf32>
          %min3A_792 = arith.minimumf %max3A_784, %max3A_785 : vector<16xf32>
          %max3A_793 = arith.maximumf %min3A, %min3A_786 : vector<16xf32>
          %min3A_794 = arith.minimumf %min3A, %min3A_786 : vector<16xf32>
          %max3A_795 = arith.maximumf %max3A_787, %max3A_789 : vector<16xf32>
          %min3A_796 = arith.minimumf %max3A_787, %max3A_789 : vector<16xf32>
          %max3A_797 = arith.maximumf %min3A_788, %min3A_790 : vector<16xf32>
          %min3A_798 = arith.minimumf %min3A_788, %min3A_790 : vector<16xf32>
          %max3A_799 = arith.maximumf %max3A_793, %min3A_792 : vector<16xf32>
          %min3A_800 = arith.minimumf %max3A_793, %min3A_792 : vector<16xf32>
          %max3A_801 = arith.maximumf %max3A_797, %min3A_796 : vector<16xf32>
          %min3A_802 = arith.minimumf %max3A_797, %min3A_796 : vector<16xf32>
          %max3A_803 = arith.maximumf %max3A_791, %max3A_795 : vector<16xf32>
          %min3A_804 = arith.minimumf %max3A_791, %max3A_795 : vector<16xf32>
          %max3A_805 = arith.maximumf %max3A_799, %max3A_801 : vector<16xf32>
          %min3A_806 = arith.minimumf %max3A_799, %max3A_801 : vector<16xf32>
          %max3A_807 = arith.maximumf %min3A_800, %min3A_802 : vector<16xf32>
          %min3A_808 = arith.minimumf %min3A_800, %min3A_802 : vector<16xf32>
          %max3A_809 = arith.maximumf %min3A_794, %min3A_798 : vector<16xf32>
          %min3A_810 = arith.minimumf %min3A_794, %min3A_798 : vector<16xf32>
          %max3A_811 = arith.maximumf %max3A_807, %min3A_804 : vector<16xf32>
          %min3A_812 = arith.minimumf %max3A_807, %min3A_804 : vector<16xf32>
          %max3A_813 = arith.maximumf %max3A_809, %min3A_806 : vector<16xf32>
          %min3A_814 = arith.minimumf %max3A_809, %min3A_806 : vector<16xf32>
          %max3A_815 = arith.maximumf %max3A_805, %max3A_811 : vector<16xf32>
          %min3A_816 = arith.minimumf %max3A_805, %max3A_811 : vector<16xf32>
          %max3A_817 = arith.maximumf %max3A_813, %min3A_812 : vector<16xf32>
          %min3A_818 = arith.minimumf %max3A_813, %min3A_812 : vector<16xf32>
          %max3A_819 = arith.maximumf %min3A_814, %min3A_808 : vector<16xf32>
          %min3A_820 = arith.minimumf %min3A_814, %min3A_808 : vector<16xf32>
          %max3A_821 = arith.maximumf %cond3A_724#0, %min3A_810 : vector<16xf32>
          %max3A_822 = arith.maximumf %cond3A_724#1, %min3A_820 : vector<16xf32>
          %max3A_823 = arith.maximumf %cond3A_724#2, %max3A_819 : vector<16xf32>
          %max3A_824 = arith.maximumf %cond3A_724#3, %min3A_818 : vector<16xf32>
          %max3A_825 = arith.maximumf %cond3A_724#4, %max3A_817 : vector<16xf32>
          %max3A_826 = arith.maximumf %cond3A_724#5, %min3A_816 : vector<16xf32>
          %max3A_827 = arith.maximumf %cond3A_724#6, %max3A_815 : vector<16xf32>
          %max3A_828 = arith.maximumf %cond3A_724#7, %max3A_803 : vector<16xf32>
          %max3A_829 = arith.maximumf %max3A_821, %max3A_825 : vector<16xf32>
          %min3A_830 = arith.minimumf %max3A_821, %max3A_825 : vector<16xf32>
          %max3A_831 = arith.maximumf %max3A_822, %max3A_826 : vector<16xf32>
          %min3A_832 = arith.minimumf %max3A_822, %max3A_826 : vector<16xf32>
          %max3A_833 = arith.maximumf %max3A_823, %max3A_827 : vector<16xf32>
          %min3A_834 = arith.minimumf %max3A_823, %max3A_827 : vector<16xf32>
          %max3A_835 = arith.maximumf %max3A_824, %max3A_828 : vector<16xf32>
          %min3A_836 = arith.minimumf %max3A_824, %max3A_828 : vector<16xf32>
          %max3A_837 = arith.maximumf %max3A_829, %max3A_833 : vector<16xf32>
          %min3A_838 = arith.minimumf %max3A_829, %max3A_833 : vector<16xf32>
          %max3A_839 = arith.maximumf %max3A_831, %max3A_835 : vector<16xf32>
          %min3A_840 = arith.minimumf %max3A_831, %max3A_835 : vector<16xf32>
          %max3A_841 = arith.maximumf %min3A_830, %min3A_834 : vector<16xf32>
          %min3A_842 = arith.minimumf %min3A_830, %min3A_834 : vector<16xf32>
          %max3A_843 = arith.maximumf %min3A_832, %min3A_836 : vector<16xf32>
          %min3A_844 = arith.minimumf %min3A_832, %min3A_836 : vector<16xf32>
          %max3A_845 = arith.maximumf %max3A_837, %max3A_839 : vector<16xf32>
          %min3A_846 = arith.minimumf %max3A_837, %max3A_839 : vector<16xf32>
          %max3A_847 = arith.maximumf %min3A_838, %min3A_840 : vector<16xf32>
          %min3A_848 = arith.minimumf %min3A_838, %min3A_840 : vector<16xf32>
          %max3A_849 = arith.maximumf %max3A_841, %max3A_843 : vector<16xf32>
          %min3A_850 = arith.minimumf %max3A_841, %max3A_843 : vector<16xf32>
          %max3A_851 = arith.maximumf %min3A_842, %min3A_844 : vector<16xf32>
          %min3A_852 = arith.minimumf %min3A_842, %min3A_844 : vector<16xf32>
          scf.yield %max3A_845, %min3A_846, %max3A_847, %min3A_848, %max3A_849, %min3A_850, %max3A_851, %min3A_852 : vector<16xf32>, vector<16xf32>, vector<16xf32>, vector<16xf32>, vector<16xf32>, vector<16xf32>, vector<16xf32>, vector<16xf32>
        } else {
          scf.yield %cond3A_724#0, %cond3A_724#1, %cond3A_724#2, %cond3A_724#3, %cond3A_724#4, %cond3A_724#5, %cond3A_724#6, %cond3A_724#7 : vector<16xf32>, vector<16xf32>, vector<16xf32>, vector<16xf32>, vector<16xf32>, vector<16xf32>, vector<16xf32>, vector<16xf32>
        }
        scf.yield %cond3A_429#0, %cond3A_429#1, %cond3A_429#2, %cond3A_429#3, %cond3A_429#4, %cond3A_429#5, %cond3A_429#6, %cond3A_429#7, %cond3A_547#0, %cond3A_547#1, %cond3A_547#2, %cond3A_547#3, %cond3A_547#4, %cond3A_547#5, %cond3A_547#6, %cond3A_547#7, %cond3A_665#0, %cond3A_665#1, %cond3A_665#2, %cond3A_665#3, %cond3A_665#4, %cond3A_665#5, %cond3A_665#6, %cond3A_665#7, %cond3A_783#0, %cond3A_783#1, %cond3A_783#2, %cond3A_783#3, %cond3A_783#4, %cond3A_783#5, %cond3A_783#6, %cond3A_783#7 : vector<16xf32>, vector<16xf32>, vector<16xf32>, vector<16xf32>, vector<16xf32>, vector<16xf32>, vector<16xf32>, vector<16xf32>, vector<16xf32>, vector<16xf32>, vector<16xf32>, vector<16xf32>, vector<16xf32>, vector<16xf32>, vector<16xf32>, vector<16xf32>, vector<16xf32>, vector<16xf32>, vector<16xf32>, vector<16xf32>, vector<16xf32>, vector<16xf32>, vector<16xf32>, vector<16xf32>, vector<16xf32>, vector<16xf32>, vector<16xf32>, vector<16xf32>, vector<16xf32>, vector<16xf32>, vector<16xf32>, vector<16xf32>
      }
      %scan3A_280 = arith.constant 16 : i32
      scf.yield %scan3A_279#0, %scan3A_279#1, %scan3A_279#2, %scan3A_279#3, %scan3A_279#4, %scan3A_279#5, %scan3A_279#6, %scan3A_279#7, %scan3A_279#8, %scan3A_279#9, %scan3A_279#10, %scan3A_279#11, %scan3A_279#12, %scan3A_279#13, %scan3A_279#14, %scan3A_279#15, %scan3A_279#16, %scan3A_279#17, %scan3A_279#18, %scan3A_279#19, %scan3A_279#20, %scan3A_279#21, %scan3A_279#22, %scan3A_279#23, %scan3A_279#24, %scan3A_279#25, %scan3A_279#26, %scan3A_279#27, %scan3A_279#28, %scan3A_279#29, %scan3A_279#30, %scan3A_279#31 : vector<16xf32>, vector<16xf32>, vector<16xf32>, vector<16xf32>, vector<16xf32>, vector<16xf32>, vector<16xf32>, vector<16xf32>, vector<16xf32>, vector<16xf32>, vector<16xf32>, vector<16xf32>, vector<16xf32>, vector<16xf32>, vector<16xf32>, vector<16xf32>, vector<16xf32>, vector<16xf32>, vector<16xf32>, vector<16xf32>, vector<16xf32>, vector<16xf32>, vector<16xf32>, vector<16xf32>, vector<16xf32>, vector<16xf32>, vector<16xf32>, vector<16xf32>, vector<16xf32>, vector<16xf32>, vector<16xf32>, vector<16xf32>
    }
    %scan3A_75 = arith.constant 64 : i32
    %swap3A = arith.constant 0 : i32
    %swap3A_76 = arith.index_cast %swap3A : i32 to index
    %swap3A_77 = arith.constant 0 : index
    %swap3A_78 = tpu.vector_load %arg6[%swap3A_76, %swap3A_77] {strides = array<i32>} : memref<8x64xf32, #tpu.memory_space<vmem>>, vector<16xf32>,
    tpu.vector_store %arg6[%swap3A_76, %swap3A_77], %scan3A_74#0 {strides = array<i32>} : memref<8x64xf32, #tpu.memory_space<vmem>>, vector<16xf32>,
    %swap3A_79 = arith.constant 1 : i32
    %swap3A_80 = arith.index_cast %swap3A_79 : i32 to index
    %swap3A_81 = arith.constant 0 : index
    %swap3A_82 = tpu.vector_load %arg6[%swap3A_80, %swap3A_81] {strides = array<i32>} : memref<8x64xf32, #tpu.memory_space<vmem>>, vector<16xf32>,
    tpu.vector_store %arg6[%swap3A_80, %swap3A_81], %scan3A_74#1 {strides = array<i32>} : memref<8x64xf32, #tpu.memory_space<vmem>>, vector<16xf32>,
    %swap3A_83 = arith.constant 2 : i32
    %swap3A_84 = arith.index_cast %swap3A_83 : i32 to index
    %swap3A_85 = arith.constant 0 : index
    %swap3A_86 = tpu.vector_load %arg6[%swap3A_84, %swap3A_85] {strides = array<i32>} : memref<8x64xf32, #tpu.memory_space<vmem>>, vector<16xf32>,
    tpu.vector_store %arg6[%swap3A_84, %swap3A_85], %scan3A_74#2 {strides = array<i32>} : memref<8x64xf32, #tpu.memory_space<vmem>>, vector<16xf32>,
    %swap3A_87 = arith.constant 3 : i32
    %swap3A_88 = arith.index_cast %swap3A_87 : i32 to index
    %swap3A_89 = arith.constant 0 : index
    %swap3A_90 = tpu.vector_load %arg6[%swap3A_88, %swap3A_89] {strides = array<i32>} : memref<8x64xf32, #tpu.memory_space<vmem>>, vector<16xf32>,
    tpu.vector_store %arg6[%swap3A_88, %swap3A_89], %scan3A_74#3 {strides = array<i32>} : memref<8x64xf32, #tpu.memory_space<vmem>>, vector<16xf32>,
    %swap3A_91 = arith.constant 4 : i32
    %swap3A_92 = arith.index_cast %swap3A_91 : i32 to index
    %swap3A_93 = arith.constant 0 : index
    %swap3A_94 = tpu.vector_load %arg6[%swap3A_92, %swap3A_93] {strides = array<i32>} : memref<8x64xf32, #tpu.memory_space<vmem>>, vector<16xf32>,
    tpu.vector_store %arg6[%swap3A_92, %swap3A_93], %scan3A_74#4 {strides = array<i32>} : memref<8x64xf32, #tpu.memory_space<vmem>>, vector<16xf32>,
    %swap3A_95 = arith.constant 5 : i32
    %swap3A_96 = arith.index_cast %swap3A_95 : i32 to index
    %swap3A_97 = arith.constant 0 : index
    %swap3A_98 = tpu.vector_load %arg6[%swap3A_96, %swap3A_97] {strides = array<i32>} : memref<8x64xf32, #tpu.memory_space<vmem>>, vector<16xf32>,
    tpu.vector_store %arg6[%swap3A_96, %swap3A_97], %scan3A_74#5 {strides = array<i32>} : memref<8x64xf32, #tpu.memory_space<vmem>>, vector<16xf32>,
    %swap3A_99 = arith.constant 6 : i32
    %swap3A_100 = arith.index_cast %swap3A_99 : i32 to index
    %swap3A_101 = arith.constant 0 : index
    %swap3A_102 = tpu.vector_load %arg6[%swap3A_100, %swap3A_101] {strides = array<i32>} : memref<8x64xf32, #tpu.memory_space<vmem>>, vector<16xf32>,
    tpu.vector_store %arg6[%swap3A_100, %swap3A_101], %scan3A_74#6 {strides = array<i32>} : memref<8x64xf32, #tpu.memory_space<vmem>>, vector<16xf32>,
    %swap3A_103 = arith.constant 7 : i32
    %swap3A_104 = arith.index_cast %swap3A_103 : i32 to index
    %swap3A_105 = arith.constant 0 : index
    %swap3A_106 = tpu.vector_load %arg6[%swap3A_104, %swap3A_105] {strides = array<i32>} : memref<8x64xf32, #tpu.memory_space<vmem>>, vector<16xf32>,
    tpu.vector_store %arg6[%swap3A_104, %swap3A_105], %scan3A_74#7 {strides = array<i32>} : memref<8x64xf32, #tpu.memory_space<vmem>>, vector<16xf32>,
    %swap3A_107 = arith.constant 0 : i32
    %swap3A_108 = arith.index_cast %swap3A_107 : i32 to index
    %swap3A_109 = arith.constant 16 : index
    %swap3A_110 = tpu.vector_load %arg6[%swap3A_108, %swap3A_109] {strides = array<i32>} : memref<8x64xf32, #tpu.memory_space<vmem>>, vector<16xf32>,
    tpu.vector_store %arg6[%swap3A_108, %swap3A_109], %scan3A_74#8 {strides = array<i32>} : memref<8x64xf32, #tpu.memory_space<vmem>>, vector<16xf32>,
    %swap3A_111 = arith.constant 1 : i32
    %swap3A_112 = arith.index_cast %swap3A_111 : i32 to index
    %swap3A_113 = arith.constant 16 : index
    %swap3A_114 = tpu.vector_load %arg6[%swap3A_112, %swap3A_113] {strides = array<i32>} : memref<8x64xf32, #tpu.memory_space<vmem>>, vector<16xf32>,
    tpu.vector_store %arg6[%swap3A_112, %swap3A_113], %scan3A_74#9 {strides = array<i32>} : memref<8x64xf32, #tpu.memory_space<vmem>>, vector<16xf32>,
    %swap3A_115 = arith.constant 2 : i32
    %swap3A_116 = arith.index_cast %swap3A_115 : i32 to index
    %swap3A_117 = arith.constant 16 : index
    %swap3A_118 = tpu.vector_load %arg6[%swap3A_116, %swap3A_117] {strides = array<i32>} : memref<8x64xf32, #tpu.memory_space<vmem>>, vector<16xf32>,
    tpu.vector_store %arg6[%swap3A_116, %swap3A_117], %scan3A_74#10 {strides = array<i32>} : memref<8x64xf32, #tpu.memory_space<vmem>>, vector<16xf32>,
    %swap3A_119 = arith.constant 3 : i32
    %swap3A_120 = arith.index_cast %swap3A_119 : i32 to index
    %swap3A_121 = arith.constant 16 : index
    %swap3A_122 = tpu.vector_load %arg6[%swap3A_120, %swap3A_121] {strides = array<i32>} : memref<8x64xf32, #tpu.memory_space<vmem>>, vector<16xf32>,
    tpu.vector_store %arg6[%swap3A_120, %swap3A_121], %scan3A_74#11 {strides = array<i32>} : memref<8x64xf32, #tpu.memory_space<vmem>>, vector<16xf32>,
    %swap3A_123 = arith.constant 4 : i32
    %swap3A_124 = arith.index_cast %swap3A_123 : i32 to index
    %swap3A_125 = arith.constant 16 : index
    %swap3A_126 = tpu.vector_load %arg6[%swap3A_124, %swap3A_125] {strides = array<i32>} : memref<8x64xf32, #tpu.memory_space<vmem>>, vector<16xf32>,
    tpu.vector_store %arg6[%swap3A_124, %swap3A_125], %scan3A_74#12 {strides = array<i32>} : memref<8x64xf32, #tpu.memory_space<vmem>>, vector<16xf32>,
    %swap3A_127 = arith.constant 5 : i32
    %swap3A_128 = arith.index_cast %swap3A_127 : i32 to index
    %swap3A_129 = arith.constant 16 : index
    %swap3A_130 = tpu.vector_load %arg6[%swap3A_128, %swap3A_129] {strides = array<i32>} : memref<8x64xf32, #tpu.memory_space<vmem>>, vector<16xf32>,
    tpu.vector_store %arg6[%swap3A_128, %swap3A_129], %scan3A_74#13 {strides = array<i32>} : memref<8x64xf32, #tpu.memory_space<vmem>>, vector<16xf32>,
    %swap3A_131 = arith.constant 6 : i32
    %swap3A_132 = arith.index_cast %swap3A_131 : i32 to index
    %swap3A_133 = arith.constant 16 : index
    %swap3A_134 = tpu.vector_load %arg6[%swap3A_132, %swap3A_133] {strides = array<i32>} : memref<8x64xf32, #tpu.memory_space<vmem>>, vector<16xf32>,
    tpu.vector_store %arg6[%swap3A_132, %swap3A_133], %scan3A_74#14 {strides = array<i32>} : memref<8x64xf32, #tpu.memory_space<vmem>>, vector<16xf32>,
    %swap3A_135 = arith.constant 7 : i32
    %swap3A_136 = arith.index_cast %swap3A_135 : i32 to index
    %swap3A_137 = arith.constant 16 : index
    %swap3A_138 = tpu.vector_load %arg6[%swap3A_136, %swap3A_137] {strides = array<i32>} : memref<8x64xf32, #tpu.memory_space<vmem>>, vector<16xf32>,
    tpu.vector_store %arg6[%swap3A_136, %swap3A_137], %scan3A_74#15 {strides = array<i32>} : memref<8x64xf32, #tpu.memory_space<vmem>>, vector<16xf32>,
    %swap3A_139 = arith.constant 0 : i32
    %swap3A_140 = arith.index_cast %swap3A_139 : i32 to index
    %swap3A_141 = arith.constant 32 : index
    %swap3A_142 = tpu.vector_load %arg6[%swap3A_140, %swap3A_141] {strides = array<i32>} : memref<8x64xf32, #tpu.memory_space<vmem>>, vector<16xf32>,
    tpu.vector_store %arg6[%swap3A_140, %swap3A_141], %scan3A_74#16 {strides = array<i32>} : memref<8x64xf32, #tpu.memory_space<vmem>>, vector<16xf32>,
    %swap3A_143 = arith.constant 1 : i32
    %swap3A_144 = arith.index_cast %swap3A_143 : i32 to index
    %swap3A_145 = arith.constant 32 : index
    %swap3A_146 = tpu.vector_load %arg6[%swap3A_144, %swap3A_145] {strides = array<i32>} : memref<8x64xf32, #tpu.memory_space<vmem>>, vector<16xf32>,
    tpu.vector_store %arg6[%swap3A_144, %swap3A_145], %scan3A_74#17 {strides = array<i32>} : memref<8x64xf32, #tpu.memory_space<vmem>>, vector<16xf32>,
    %swap3A_147 = arith.constant 2 : i32
    %swap3A_148 = arith.index_cast %swap3A_147 : i32 to index
    %swap3A_149 = arith.constant 32 : index
    %swap3A_150 = tpu.vector_load %arg6[%swap3A_148, %swap3A_149] {strides = array<i32>} : memref<8x64xf32, #tpu.memory_space<vmem>>, vector<16xf32>,
    tpu.vector_store %arg6[%swap3A_148, %swap3A_149], %scan3A_74#18 {strides = array<i32>} : memref<8x64xf32, #tpu.memory_space<vmem>>, vector<16xf32>,
    %swap3A_151 = arith.constant 3 : i32
    %swap3A_152 = arith.index_cast %swap3A_151 : i32 to index
    %swap3A_153 = arith.constant 32 : index
    %swap3A_154 = tpu.vector_load %arg6[%swap3A_152, %swap3A_153] {strides = array<i32>} : memref<8x64xf32, #tpu.memory_space<vmem>>, vector<16xf32>,
    tpu.vector_store %arg6[%swap3A_152, %swap3A_153], %scan3A_74#19 {strides = array<i32>} : memref<8x64xf32, #tpu.memory_space<vmem>>, vector<16xf32>,
    %swap3A_155 = arith.constant 4 : i32
    %swap3A_156 = arith.index_cast %swap3A_155 : i32 to index
    %swap3A_157 = arith.constant 32 : index
    %swap3A_158 = tpu.vector_load %arg6[%swap3A_156, %swap3A_157] {strides = array<i32>} : memref<8x64xf32, #tpu.memory_space<vmem>>, vector<16xf32>,
    tpu.vector_store %arg6[%swap3A_156, %swap3A_157], %scan3A_74#20 {strides = array<i32>} : memref<8x64xf32, #tpu.memory_space<vmem>>, vector<16xf32>,
    %swap3A_159 = arith.constant 5 : i32
    %swap3A_160 = arith.index_cast %swap3A_159 : i32 to index
    %swap3A_161 = arith.constant 32 : index
    %swap3A_162 = tpu.vector_load %arg6[%swap3A_160, %swap3A_161] {strides = array<i32>} : memref<8x64xf32, #tpu.memory_space<vmem>>, vector<16xf32>,
    tpu.vector_store %arg6[%swap3A_160, %swap3A_161], %scan3A_74#21 {strides = array<i32>} : memref<8x64xf32, #tpu.memory_space<vmem>>, vector<16xf32>,
    %swap3A_163 = arith.constant 6 : i32
    %swap3A_164 = arith.index_cast %swap3A_163 : i32 to index
    %swap3A_165 = arith.constant 32 : index
    %swap3A_166 = tpu.vector_load %arg6[%swap3A_164, %swap3A_165] {strides = array<i32>} : memref<8x64xf32, #tpu.memory_space<vmem>>, vector<16xf32>,
    tpu.vector_store %arg6[%swap3A_164, %swap3A_165], %scan3A_74#22 {strides = array<i32>} : memref<8x64xf32, #tpu.memory_space<vmem>>, vector<16xf32>,
    %swap3A_167 = arith.constant 7 : i32
    %swap3A_168 = arith.index_cast %swap3A_167 : i32 to index
    %swap3A_169 = arith.constant 32 : index
    %swap3A_170 = tpu.vector_load %arg6[%swap3A_168, %swap3A_169] {strides = array<i32>} : memref<8x64xf32, #tpu.memory_space<vmem>>, vector<16xf32>,
    tpu.vector_store %arg6[%swap3A_168, %swap3A_169], %scan3A_74#23 {strides = array<i32>} : memref<8x64xf32, #tpu.memory_space<vmem>>, vector<16xf32>,
    %swap3A_171 = arith.constant 0 : i32
    %swap3A_172 = arith.index_cast %swap3A_171 : i32 to index
    %swap3A_173 = arith.constant 48 : index
    %swap3A_174 = tpu.vector_load %arg6[%swap3A_172, %swap3A_173] {strides = array<i32>} : memref<8x64xf32, #tpu.memory_space<vmem>>, vector<16xf32>,
    tpu.vector_store %arg6[%swap3A_172, %swap3A_173], %scan3A_74#24 {strides = array<i32>} : memref<8x64xf32, #tpu.memory_space<vmem>>, vector<16xf32>,
    %swap3A_175 = arith.constant 1 : i32
    %swap3A_176 = arith.index_cast %swap3A_175 : i32 to index
    %swap3A_177 = arith.constant 48 : index
    %swap3A_178 = tpu.vector_load %arg6[%swap3A_176, %swap3A_177] {strides = array<i32>} : memref<8x64xf32, #tpu.memory_space<vmem>>, vector<16xf32>,
    tpu.vector_store %arg6[%swap3A_176, %swap3A_177], %scan3A_74#25 {strides = array<i32>} : memref<8x64xf32, #tpu.memory_space<vmem>>, vector<16xf32>,
    %swap3A_179 = arith.constant 2 : i32
    %swap3A_180 = arith.index_cast %swap3A_179 : i32 to index
    %swap3A_181 = arith.constant 48 : index
    %swap3A_182 = tpu.vector_load %arg6[%swap3A_180, %swap3A_181] {strides = array<i32>} : memref<8x64xf32, #tpu.memory_space<vmem>>, vector<16xf32>,
    tpu.vector_store %arg6[%swap3A_180, %swap3A_181], %scan3A_74#26 {strides = array<i32>} : memref<8x64xf32, #tpu.memory_space<vmem>>, vector<16xf32>,
    %swap3A_183 = arith.constant 3 : i32
    %swap3A_184 = arith.index_cast %swap3A_183 : i32 to index
    %swap3A_185 = arith.constant 48 : index
    %swap3A_186 = tpu.vector_load %arg6[%swap3A_184, %swap3A_185] {strides = array<i32>} : memref<8x64xf32, #tpu.memory_space<vmem>>, vector<16xf32>,
    tpu.vector_store %arg6[%swap3A_184, %swap3A_185], %scan3A_74#27 {strides = array<i32>} : memref<8x64xf32, #tpu.memory_space<vmem>>, vector<16xf32>,
    %swap3A_187 = arith.constant 4 : i32
    %swap3A_188 = arith.index_cast %swap3A_187 : i32 to index
    %swap3A_189 = arith.constant 48 : index
    %swap3A_190 = tpu.vector_load %arg6[%swap3A_188, %swap3A_189] {strides = array<i32>} : memref<8x64xf32, #tpu.memory_space<vmem>>, vector<16xf32>,
    tpu.vector_store %arg6[%swap3A_188, %swap3A_189], %scan3A_74#28 {strides = array<i32>} : memref<8x64xf32, #tpu.memory_space<vmem>>, vector<16xf32>,
    %swap3A_191 = arith.constant 5 : i32
    %swap3A_192 = arith.index_cast %swap3A_191 : i32 to index
    %swap3A_193 = arith.constant 48 : index
    %swap3A_194 = tpu.vector_load %arg6[%swap3A_192, %swap3A_193] {strides = array<i32>} : memref<8x64xf32, #tpu.memory_space<vmem>>, vector<16xf32>,
    tpu.vector_store %arg6[%swap3A_192, %swap3A_193], %scan3A_74#29 {strides = array<i32>} : memref<8x64xf32, #tpu.memory_space<vmem>>, vector<16xf32>,
    %swap3A_195 = arith.constant 6 : i32
    %swap3A_196 = arith.index_cast %swap3A_195 : i32 to index
    %swap3A_197 = arith.constant 48 : index
    %swap3A_198 = tpu.vector_load %arg6[%swap3A_196, %swap3A_197] {strides = array<i32>} : memref<8x64xf32, #tpu.memory_space<vmem>>, vector<16xf32>,
    tpu.vector_store %arg6[%swap3A_196, %swap3A_197], %scan3A_74#30 {strides = array<i32>} : memref<8x64xf32, #tpu.memory_space<vmem>>, vector<16xf32>,
    %swap3A_199 = arith.constant 7 : i32
    %swap3A_200 = arith.index_cast %swap3A_199 : i32 to index
    %swap3A_201 = arith.constant 48 : index
    %swap3A_202 = tpu.vector_load %arg6[%swap3A_200, %swap3A_201] {strides = array<i32>} : memref<8x64xf32, #tpu.memory_space<vmem>>, vector<16xf32>,
    tpu.vector_store %arg6[%swap3A_200, %swap3A_201], %scan3A_74#31 {strides = array<i32>} : memref<8x64xf32, #tpu.memory_space<vmem>>, vector<16xf32>,
    "tpu.region"() ({
      %run_scoped3A = tpu.sem_alloc : memref<!tpu.dma_semaphore, #tpu.memory_space<semaphore_mem>>
      %dma_start3A_203 = arith.constant 0 : i32
      %dma_start3A_204 = arith.constant 0 : i32
      %dma_start3A_205 = tpu.memref_slice %arg3[%add3A, %dma_start3A_203, %dma_start3A_204] : memref<32x8x64xf32, #tpu.memory_space<hbm>> -> memref<1x8x64xf32, #tpu.memory_space<hbm>>
      %dma_start3A_206 = tpu.memref_squeeze %dma_start3A_205 : memref<1x8x64xf32, #tpu.memory_space<hbm>> -> memref<8x64xf32, #tpu.memory_space<hbm>>
      %dma_start3A_207 = arith.constant 0 : i32
      %dma_start3A_208 = arith.constant 0 : i32
      %dma_start3A_209 = tpu.memref_slice %arg3[%add3A, %dma_start3A_207, %dma_start3A_208] : memref<32x8x64xf32, #tpu.memory_space<hbm>> -> memref<1x8x64xf32, #tpu.memory_space<hbm>>
      %dma_start3A_210 = tpu.memref_squeeze %dma_start3A_209 : memref<1x8x64xf32, #tpu.memory_space<hbm>> -> memref<8x64xf32, #tpu.memory_space<hbm>>
      tpu.enqueue_dma source(%arg6 : memref<8x64xf32, #tpu.memory_space<vmem>>) target(%dma_start3A_210 : memref<8x64xf32, #tpu.memory_space<hbm>>) target_semaphore(%run_scoped3A : memref<!tpu.dma_semaphore, #tpu.memory_space<semaphore_mem>>)
      %dma_wait3A = arith.constant 0 : i32
      %dma_wait3A_211 = arith.constant 0 : i32
      %dma_wait3A_212 = tpu.memref_slice %arg3[%add3A, %dma_wait3A, %dma_wait3A_211] : memref<32x8x64xf32, #tpu.memory_space<hbm>> -> memref<1x8x64xf32, #tpu.memory_space<hbm>>
      %dma_wait3A_213 = tpu.memref_squeeze %dma_wait3A_212 : memref<1x8x64xf32, #tpu.memory_space<hbm>> -> memref<8x64xf32, #tpu.memory_space<hbm>>
      %dma_wait3A_214 = arith.constant 0 : i32
      %dma_wait3A_215 = arith.constant 0 : i32
      %dma_wait3A_216 = tpu.memref_slice %arg3[%add3A, %dma_wait3A_214, %dma_wait3A_215] : memref<32x8x64xf32, #tpu.memory_space<hbm>> -> memref<1x8x64xf32, #tpu.memory_space<hbm>>
      %dma_wait3A_217 = tpu.memref_squeeze %dma_wait3A_216 : memref<1x8x64xf32, #tpu.memory_space<hbm>> -> memref<8x64xf32, #tpu.memory_space<hbm>>
      tpu.wait_dma2 semaphore(%run_scoped3A : memref<!tpu.dma_semaphore, #tpu.memory_space<semaphore_mem>>) src(%arg6 : memref<8x64xf32, #tpu.memory_space<vmem>>) dst(%dma_wait3A_217 : memref<8x64xf32, #tpu.memory_space<hbm>>)
      tpu.yield
    }) : () -> ()
    return
  }
}

</mosaic_0001>

<sc_bundles>
// kernel: kernel.3.cloned.1.call-start
scs
__scs_entry_jumppad:
0x0: {  	(pc) =	sbr.rel $0x88, $3  }
0x1: {  	(tag) =	ssettag $0x0;
	lr =	simm.s32 $0x1  }
0x2: {  	[smem:$0x3FA0] =	sst lr;
	_ =	strace $0xD0000000  }
0x3: {  	_ = 	snop  }
0x4: {  	_ = 	snop  }
0x5: {  	_ = 	snop  }
0x6: {  	_ = 	snop  }
0x7: {  	_ = 	snop  }
__scs_overlays_trampoline_lowered:
0x8: {  	[smem:$0x3FAF] =	sst s0  }
0x9: {  	[smem:$0x3FB0] =	sst s1  }
0xa: {  	[smem:$0x3FB1] =	sst s2  }
0xb: {  	[smem:$0x3FB2] =	sst s3  }
0xc: {  	[smem:$0x3FB3] =	sst s4  }
0xd: {  	[smem:$0x3FB4] =	sst s5  }
0xe: {  	[smem:$0x3FB5] =	sst s6  }
0xf: {  	[smem:$0x3FB6] =	sst s7  }
0x10: {  	[smem:$0x3FB7] =	sst s8  }
0x11: {  	[smem:$0x3FB8] =	sst s9;
	s0 =	simm.s32 @!p0 $0x0  }
0x12: {  	s1 =	sld [smem:$0x3F9E];
	s0 =	simm.s32 @p0 $0x1  }
0x13: {  	[smem:$0x3FB9] =	sst s0;
	s0 =	simm.s32 @!p1 $0x0  }
0x14: {  	s2 =	sld [smem:$0x3F9D];
	s0 =	simm.s32 @p1 $0x1  }
0x15: {  	[smem:$0x3FBA] =	sst s0;
	s0 =	simm.s32 @!p2 $0x0  }
0x16: {  	s3 =	sld [smem:$0x3FDB];
	s0 =	simm.s32 @p2 $0x1  }
0x17: {  	s4 =	simm.s32 $0x1BF5;
	[smem:$0x3FBC] =	sst s0  }
0x18: {  	s0 =	sld [smem:$0x3F9F];
	_ =	swait.ge [sflag:s4], $0x0  }
0x19: {  	s7 =	sld [smem:$0x3FA0]  }
0x1a: {  	s8 =	sadd.s32 $0xFFFFE003, lr  }
0x1b: {  	s9 =	sadd.s32 $0xFFFFFEF7, lr;
	s5 =	simm.s32 $0xFFFFFFFF;
	p2 =	slt.u32 s8, $0xFFFFF086  }
0x1c: {  	p1 =	slt.u32 s9, $0xF7A;
	s5 =	simm.s32 @!p2 $0x0  }
0x1d: {  	s5 =	simm.s32 @p1 $0x1;
	p0 =	seq.s32 s7, s2  }
0x1e: {  	s7 =	smul.u32 @!p0 $0xF7A, s2;
	p2 =	seq.s32 @!p0 s5, $0x0  }
0x1f: {  	s9 =	smul.u32 $0xF7A, s1;
	s8 =	simm.s32 @!p0 $0x1BF5;
	p2 =	por !p2, p0  }
0x20: {  	[sflag:s8] =	ssyncset.s32 @!p0 $0xFFFFF086;
	s6 =	sadd.s32 @!p0 s3, s7;
	s7 =	simm.s32 @!p0 $0x108  }
0x21: {  	s3 =	sadd.s32 s3, s9;
	s6 =	sadd.s32 @!p0 $0x88, s6;
	s7 =	simm.s32 @p2 $0x1082  }
0x22: {  	[simem:s7], [sflag:s8] =	dma.local @!p0 [hbm:s6], $0xF7A  }
0x23: {  	s9 =	sor.u32 $0xD0000000, s2;
	s6 =	simm.s32 $0x108;
	_ =	swait.ge @!p0 [sflag:s8], $0x0  }
0x24: {  	s3 =	sadd.s32 $0x88, s3;
	s6 =	simm.s32 @!p1 $0x1082;
	[sflag:s4] =	ssyncset.s32 $0xFFFFF086  }
0x25: {  	[simem:s6], [sflag:s4] =	dma.local [hbm:s3], $0xF7A  }
0x26: {  	[smem:$0x3FA0] =	sst s1;
	(tag) =	ssettag s2;
	_ =	strace s9  }
0x27: {  	s1 =	sld [smem:$0x3FB0]  }
0x28: {  	s2 =	sld [smem:$0x3FB1]  }
0x29: {  	s4 =	sld [smem:$0x3FB3]  }
0x2a: {  	p0 =	seq.s32 s5, $0x0;
	s5 =	sld [smem:$0x3FB4]  }
0x2b: {  	s6 =	sld [smem:$0x3FB5]  }
0x2c: {  	s7 =	sld [smem:$0x3FB6]  }
0x2d: {  	s3 =	simm.s32 $0x108;
	s8 =	sld [smem:$0x3FB7]  }
0x2e: {  	s3 =	simm.s32 @!p0 $0x1082;
	s9 =	sld [smem:$0x3FB8]  }
0x2f: {  	lr =	sadd.s32 s0, s3;
	s0 =	sld [smem:$0x3FAF]  }
0x30: {  	s3 =	sld [smem:$0x3FB2]  }
0x31: {  	[smem:$0x3FBB] =	sst s10  }
0x32: {  	s10 =	sld [smem:$0x3FB9];
	_ =	sdelay $0x3  }
0x33: {  	p0 =	seq.s32 s10, $0x1;
	s10 =	sld [smem:$0x3FBB];
	_ =	sdelay $0x3  }
0x34: {  	[smem:$0x3FBB] =	sst s10  }
0x35: {  	s10 =	sld [smem:$0x3FBA];
	_ =	sdelay $0x3  }
0x36: {  	p1 =	seq.s32 s10, $0x1;
	s10 =	sld [smem:$0x3FBB];
	_ =	sdelay $0x3  }
0x37: {  	[smem:$0x3FBB] =	sst s10  }
0x38: {  	s10 =	sld [smem:$0x3FBC]  }
0x39: {  	_ = 	snop;
	(pc) =	sbr.ind lr, $3  }
0x3a: {  	_ = 	snop  }
0x3b: {  	_ = 	snop  }
0x3c: {  	p2 =	seq.s32 s10, $0x1;
	s10 =	sld [smem:$0x3FBB]  }
0x3d: {  	_ =	shalt  }
0x3e: {  	_ =	shalt  }
0x3f: {  	_ =	shalt  }
0x40: {  	_ =	shalt  }
0x41: {  	_ =	shalt  }
0x42: {  	_ =	shalt  }
0x43: {  	_ =	shalt  }
0x44: {  	_ =	shalt  }
0x45: {  	_ =	shalt  }
0x46: {  	_ =	shalt  }
0x47: {  	_ =	shalt  }
0x48: {  	_ =	shalt  }
0x49: {  	_ =	shalt  }
0x4a: {  	_ =	shalt  }
0x4b: {  	_ =	shalt  }
0x4c: {  	_ =	shalt  }
0x4d: {  	_ =	shalt  }
0x4e: {  	_ =	shalt  }
0x4f: {  	_ =	shalt  }
0x50: {  	_ =	shalt  }
0x51: {  	_ =	shalt  }
0x52: {  	_ =	shalt  }
0x53: {  	_ =	shalt  }
0x54: {  	_ =	shalt  }
0x55: {  	_ =	shalt  }
0x56: {  	_ =	shalt  }
0x57: {  	_ =	shalt  }
0x58: {  	_ =	shalt  }
0x59: {  	_ =	shalt  }
0x5a: {  	_ =	shalt  }
0x5b: {  	_ =	shalt  }
0x5c: {  	_ =	shalt  }
0x5d: {  	_ =	shalt  }
0x5e: {  	_ =	shalt  }
0x5f: {  	_ =	shalt  }
0x60: {  	_ =	shalt  }
0x61: {  	_ =	shalt  }
0x62: {  	_ =	shalt  }
0x63: {  	_ =	shalt  }
0x64: {  	_ =	shalt  }
0x65: {  	_ =	shalt  }
0x66: {  	_ =	shalt  }
0x67: {  	_ =	shalt  }
0x68: {  	_ =	shalt  }
0x69: {  	_ =	shalt  }
0x6a: {  	_ =	shalt  }
0x6b: {  	_ =	shalt  }
0x6c: {  	_ =	shalt  }
0x6d: {  	_ =	shalt  }
0x6e: {  	_ =	shalt  }
0x6f: {  	_ =	shalt  }
0x70: {  	_ =	shalt  }
0x71: {  	_ =	shalt  }
0x72: {  	_ =	shalt  }
0x73: {  	_ =	shalt  }
0x74: {  	_ =	shalt  }
0x75: {  	_ =	shalt  }
0x76: {  	_ =	shalt  }
0x77: {  	_ =	shalt  }
0x78: {  	_ =	shalt  }
0x79: {  	_ =	shalt  }
0x7a: {  	_ =	shalt  }
0x7b: {  	_ =	shalt  }
0x7c: {  	_ =	shalt  }
0x7d: {  	_ =	shalt  }
0x7e: {  	_ =	shalt  }
0x7f: {  	_ =	shalt  }
0x80: {  	_ =	shalt  }
0x81: {  	_ =	shalt  }
0x82: {  	_ =	shalt  }
0x83: {  	_ =	shalt  }
0x84: {  	_ =	shalt  }
0x85: {  	_ =	shalt  }
0x86: {  	_ =	shalt  }
0x87: {  	_ =	shalt  }
.Lfunc_end0:
.L_simem_size_0:
called_computation_lowered:
.L_overlay_start_0:
0x88: {  	s2 =	sld [smem:$0x3FD9]  }
0x89: {  	s3 =	sld [smem:$0x3FFE];
	_ =	sdelay $0x1  }
0x8a: {  	s1 =	srdreg.scid  }
0x8b: {  	s0 =	sand.u32 $0x1, s1  }
0x8c: {  	s17 =	sshll.u32 s0, $0xA;
	s2 =	sadd.s32 s3, s2  }
0x8d: {  	s2 =	sadd.s32 s2, s17  }
0x8e: {  	[smem:$0x3FC7] =	sst s2  }
0x8f: {  	_ = 	snop  }
0x90: {  	s2 =	sld [smem:$0x3FD0];
	(tm) =	ssettm $0x1  }
0x91: {  	s18 =	sld [smem:$0x3FFB];
	_ =	sdelay $0x3  }
0x92: {  	_ =	strace s18  }
0x93: {  	s3 =	sld [smem:$0x3FFC];
	_ =	sdelay $0x3  }
0x94: {  	_ =	strace s3  }
0x95: {  	s3 =	sld [smem:$0x3FFD];
	_ =	sdelay $0x3  }
0x96: {  	_ =	strace s3  }
0x97: {  	_ =	strace $0x8FFFFFFF  }
0x98: {  	s19 =	sld [smem:$0x3FDB];
	_ =	sdelay $0x1  }
0x99: {  	s4 =	simm.s32 $_scs_section_size  }
0x9a: {  	s5 =	simm.s32 $_size__tile_overlayer_lowered;
	s6 =	simm.s32 $_tile_overlayer_lowered  }
0x9b: {  	s22 =	simm.s32 $0x1BFF;
	s21 =	sshll.u32 s6, $0x1;
	s3 =	sadd.s32 s4, s19  }
0x9c: {  	s7 =	simm.s32 $0x0;
	s20 =	sshll.u32 s5, $0x1;
	s5 =	sadd.s32 s21, s3  }
0x9d: {  	[timem:s7], [sflag:s22] =	dma.local [hbm:s5], s20  }
0x9e: {  	_ =	swait.ge [sflag:s22], s20  }
0x9f: {  	s4 =	ssub.s32 $0x0, s20;
	[sflag:s22] =	ssyncset.done $0x0  }
0xa0: {  	[sflag:s22] =	ssyncadd.s32 s4;
	_ =	sdelay $0x1  }
0xa1: {  	s23 =	simm.s32 $0x1B8B  }
0xa2: {  	_ =	swait.ge [sflag:s23], $0x1  }
0xa3: {  	[sflag:s23] =	ssyncset.done $0x0  }
0xa4: {  	s25 =	simm.s32 $0x1B8E;
	s24 =	sld [smem:$0x3FFE];
	[sflag:s23] =	ssyncadd.s32 $0xFFFFFFFF  }
0xa5: {  	s26 =	simm.s32 $execute0_lowered;
	[smem:$0x3FD2] =	sst s25  }
0xa6: {  	s5 =	sshll.u32 s26, $0x1;
	_ =	strace $0x80000046;
	[dreg:$0x1] =	wrdreg $0xFFFFFFFF  }
0xa7: {  	s28 =	simm.s32 $_size_execute0_lowered;
	s3 =	sadd.s32 s3, s5;
	[dreg:$0x0] =	wrdreg $0x0  }
0xa8: {  	s5 =	sshll.u32 s28, $0x1;
	[dreg:$0x2] =	wrdreg s3  }
0xa9: {  	[dreg:$0x3] =	wrdreg s5  }
0xaa: {  	[dreg:$0x4] =	wrdreg $0xC0  }
0xab: {  	_ =	task [dreg:s7], $0x5FFFF  }
0xac: {  	[dreg:$0x1] =	wrdreg $0xFFFFFFFF  }
0xad: {  	[dreg:$0x0] =	wrdreg $0x60  }
0xae: {  	[dreg:$0x2] =	wrdreg s24  }
0xaf: {  	[dreg:$0x3] =	wrdreg s2  }
0xb0: {  	[dreg:$0x4] =	wrdreg $0x9  }
0xb1: {  	_ =	task.clear_ibuf [dreg:s7], $0x5FFFF;
	_ =	strace $0x90000046  }
0xb2: {  	s29 =	simm.s32 $0x9;
	_ =	strace $0x80000048  }
0xb3: {  	_ =	swait.ge [sflag:s29], $0x1  }
0xb4: {  	[sflag:s29] =	ssyncadd.s32 $0xFFFFFFFF  }
0xb5: {  	_ =	strace $0x90000048  }
0xb6: {  	_ =	sfence  }
0xb7: {  	s30 =	sld [smem:$0x0];
	_ =	sdelay $0x2  }
0xb8: {  	s31 =	sshll.u32 s1, $0xD;
	s1 =	sshrl.u32 s1, $0x2  }
0xb9: {  	s3 =	sand.u32 $0x4000, s31;
	s1 =	sadd.s32 s1, s30  }
0xba: {  	s0 =	sor.u32 s3, s0;
	s1 =	sshll.u32 s1, $0x11  }
0xbb: {  	s0 =	sor.u32 s1, s0  }
0xbc: {  	s0 =	sadd.s32 $0x8F2B, s0  }
0xbd: {  	[sflag:s0] =	ssyncadd.remote.s32 $0x1  }
0xbe: {  	_ =	sfence.sel $0xFFFF  }
0xbf: {  	[dreg:$0x0] =	wrdreg $0xFFFFFFFF;
	(pc) =	sbr.abs _section_cstart, $3  }
0xc0: {  	[dreg:$0x1] =	wrdreg $0xFFFFFFFF  }
0xc1: {  	_ =	task.clear_ibuf [dreg:s7], $0x2FFFF;
	_ =	strace $0x9FFFFFFF  }
0xc2: {  	(tm) =	ssettm $0x7FFFFFFF  }
0xc3: {  	_ =	shalt  }
tec
execute0_lowered:
.L_overlay_start_1:
0x0: {  	(tag) =	ssettag $0x1  }
0x1: {  	s3 =	rddreg [dreg:$0x0]  }
0x2: {  	s7 =	rddreg [dreg:$0x1]  }
0x3: {  	s0 =	rddreg [dreg:$0x2];
	s4 =	srdreg.scid  }
0x4: {  	s2 =	simm.s32 $0x0;
	s1 =	stileid.u32;
	s10 =	simm.s32 $0x8000  }
0x5: {  	s11 =	simm.s32 $0x2;
	s12 =	simm.s32 $0x10000;
	s13 =	simm.s32 $0x3  }
0x6: {  	s14 =	simm.s32 $0x0;
	s4 =	sand.u32 $0x1, s4;
	[smem:$0x7FF] =	sst s2  }
0x7: {  	s6 =	sshll.u32 s1, $0x1;
	s3 =	sadd.s32 $0x400, s3;
	s5 =	ssub.s32 $0x2, s4  }
0x8: {  	_ =	strace $0x80000047;
	s6 =	sor.u32 s4, s6;
	s8 =	sshrl.u32 s5, $0x1  }
0x9: {  	s31 =	sshll.u32 s6, $0x13;
	s4 =	sshll.u32 s6, $0x16;
	s9 =	sshll.u32 s6, $0x7  }
0xa: {  	s8 =	ssub.s32 s5, s8;
	s5 =	sadd.s32 s3, s31;
	s6 =	sor.u32 $0x10000, s4  }
0xb: {  	s7 =	sadd.s32 s7, s9;
	s9 =	simm.s32 $0x1;
	s8 =	smax.u32 s8, $0x1  }
.LBB2_1:
0xc: {  	v0 =	vimm.f32 $-Inf;
	v1 =	vimm.f32 $-Inf  }
0xd: {  	v2 =	vimm.f32 $-Inf;
	v8 =	vimm.f32 $-Inf;
	v9 =	vimm.f32 $-Inf;
	[tilespmem:s2], [sflag:$0x1] =	stream.linear.gather [hbm4b:s5+s2], $0x8000, $0x38;
	[tilespmem:$0x10400] =	vst v63  }
0xe: {  	v18 =	vimm.f32 $-Inf;
	v14 =	vimm.f32 $-Inf;
	v3 =	vimm.f32 $-Inf;
	[tilespmem:$0x1FF70] =	vst v0  }
0xf: {  	v29 =	vimm.f32 $-Inf;
	v62 =	vimm.f32 $-Inf;
	v4 =	vimm.f32 $-Inf;
	[tilespmem:$0x1FF80] =	vst v3  }
0x10: {  	v24 =	vimm.f32 $-Inf;
	v25 =	vimm.f32 $-Inf;
	v6 =	vimm.f32 $-Inf;
	[tilespmem:$0x1FF90] =	vst v4  }
0x11: {  	v61 =	vimm.f32 $-Inf;
	v31 =	vimm.f32 $-Inf;
	v4 =	vimm.f32 $-Inf;
	[tilespmem:$0x1FFD0] =	vst v6  }
0x12: {  	v5 =	vimm.f32 $-Inf;
	v19 =	vimm.f32 $-Inf;
	v6 =	vimm.f32 $-Inf;
	[tilespmem:$0x1FFA0] =	vst v4  }
0x13: {  	v22 =	vimm.f32 $-Inf;
	v30 =	vimm.f32 $-Inf;
	v4 =	vimm.f32 $-Inf;
	[tilespmem:$0x1FFE0] =	vst v6  }
0x14: {  	v57 =	vimm.f32 $-Inf;
	v58 =	vimm.f32 $-Inf;
	v6 =	vimm.f32 $-Inf;
	[tilespmem:$0x1FFB0] =	vst v4  }
0x15: {  	v59 =	vimm.f32 $-Inf;
	v60 =	vimm.f32 $-Inf;
	v4 =	vimm.f32 $-Inf;
	[tilespmem:$0x1FFF0] =	vst v6  }
0x16: {  	s15 =	simm.s32 $0x0;
	v0 =	vimm.f32 $-Inf;
	v3 =	vimm.f32 $-Inf;
	[tilespmem:$0x1FFC0] =	vst v4;
	v4 =	vimm.f32 $-Inf  }
.LBB2_2:
0x17: {  	[tilespmem:$0x1FF40] =	vst v5  }
0x18: {  	[tilespmem:$0x1FF50] =	vst v4;
	s16 =	sshll.u32 s15, $0x10  }
0x19: {  	[tilespmem:$0x1FF60] =	vst v3;
	s17 =	sor.u32 s16, s4  }
0x1a: {  	_ =	swait.ge [sflag:s9], $0x8000;
	s17 =	sshrl.u32 s17, $0x3  }
0x1b: {  	[sflag:s9] =	ssyncset.done $0x0;
	s17 =	sadd.s32 s17, s3  }
0x1c: {  	[sflag:s9] =	ssyncadd.s32 $0xFFFF8000;
	s18 =	sadd.s32 $0x1000, s17;
	s17 =	simm.s32 $0x0  }
0x1d: {  	[tilespmem:s10], [sflag:$0x2] =	stream.linear.gather [hbm4b:s18+s17], $0x8000, $0x38;
	[tilespmem:$0x10400] =	vst v63  }
.LBB2_3:
0x1e: {  	s18 =	sshra.s32 s17, $0x2  }
0x1f: {  	v32 =	vld [tilespmem:s18+$0x0]  }
0x20: {  	v33 =	vld [tilespmem:s18+$0x80]  }
0x21: {  	v34 =	vld [tilespmem:s18+$0x100]  }
0x22: {  	v35 =	vld [tilespmem:s18+$0x180]  }
0x23: {  	v36 =	vld [tilespmem:s18+$0x200]  }
0x24: {  	v37 =	vld [tilespmem:s18+$0x280]  }
0x25: {  	v38 =	vld [tilespmem:s18+$0x300]  }
0x26: {  	v39 =	vld [tilespmem:s18+$0x380];
	_ =	sdelay $0x3  }
0x27: {  	v40 =	vmax.f32 v32, v33  }
0x28: {  	v41 =	vmax.f32 v34, v35;
	v42 =	vmax.f32 v36, v37;
	v43 =	vmax.f32 v38, v39  }
0x29: {  	v44 =	vmax.f32 v40, v41;
	v45 =	vmax.f32 v42, v43  }
0x2a: {  	v46 =	vmax.f32 v44, v45  }
0x2b: {  	vm0 =	vgt.f32 v46, v30  }
0x2c: {  	v47 =	vmpcnt.ones.xlane vm0;
	_ =	sdelay $0x1  }
0x2d: {  	(v2sf) =	vpush v47, $0x0;
	_ =	sdelay $0xe  }
0x2e: {  	s19 =	spop (v2sf)  }
0x2f: {  	p1 =	slt.s32 s19, $0x1  }
0x30: {  	v32 =	vmin.f32 @!p1 v32, v33  }
0x31: {  	v16 =	vld [tilespmem:$0x1FFF0];
	v33 =	vmin.f32 @!p1 v34, v35;
	v34 =	vmin.f32 @!p1 v36, v37;
	v35 =	vmin.f32 @!p1 v38, v39  }
0x32: {  	v15 =	vld [tilespmem:$0x1FFE0];
	v36 =	vmin.f32 @!p1 v40, v41;
	v37 =	vmax.f32 @!p1 v32, v33;
	v32 =	vmin.f32 @!p1 v32, v33  }
0x33: {  	[tilespmem:$0x1FEA0] =	vst v14;
	v14 =	vld [tilespmem:$0x1FFD0];
	v33 =	vmin.f32 @!p1 v42, v43;
	v38 =	vmax.f32 @!p1 v34, v35;
	v34 =	vmin.f32 @!p1 v34, v35  }
0x34: {  	v47 =	vld [tilespmem:s18+$0x780];
	v35 =	vmax.f32 @!p1 v37, v36;
	v36 =	vmin.f32 @!p1 v37, v36;
	v37 =	vmax.f32 @!p1 v38, v33  }
0x35: {  	v39 =	vld [tilespmem:s18+$0x400];
	v33 =	vmin.f32 @!p1 v38, v33;
	v38 =	vmin.f32 @!p1 v44, v45;
	v42 =	vmax.f32 @!p1 v32, v34  }
0x36: {  	v41 =	vld [tilespmem:s18+$0x480];
	v40 =	vmax.f32 @!p1 v35, v37;
	v35 =	vmin.f32 @!p1 v35, v37;
	v37 =	vmax.f32 @!p1 v36, v33  }
0x37: {  	v43 =	vld [tilespmem:s18+$0x580];
	v32 =	vmin.f32 @!p1 v32, v34;
	v33 =	vmin.f32 @!p1 v36, v33;
	v34 =	vmax.f32 @!p1 v37, v38  }
0x38: {  	v45 =	vld [tilespmem:s18+$0x680];
	v37 =	vmin.f32 @!p1 v37, v38;
	v38 =	vmax.f32 @!p1 v42, v35;
	v35 =	vmin.f32 @!p1 v42, v35  }
0x39: {  	v36 =	vld [tilespmem:s18+$0x500];
	v44 =	vmax.f32 @!p1 v40, v34;
	v34 =	vmin.f32 @!p1 v40, v34;
	v40 =	vmax.f32 @!p1 v38, v37  }
0x3a: {  	v42 =	vld [tilespmem:s18+$0x600];
	v37 =	vmin.f32 @!p1 v38, v37;
	v38 =	vmax.f32 @!p1 v35, v33;
	v33 =	vmin.f32 @!p1 v35, v33  }
0x3b: {  	v46 =	vmax.f32 @!p1 v30, v46;
	v32 =	vmax.f32 @!p1 v16, v32;
	v35 =	vld [tilespmem:s18+$0x700];
	v33 =	vmax.f32 @!p1 v15, v33  }
0x3c: {  	[tilespmem:$0x1FE60] =	vst v61;
	v38 =	vmax.f32 @!p1 v14, v38;
	v37 =	vmax.f32 @!p1 v60, v37;
	v40 =	vmax.f32 @!p1 v59, v40  }
0x3d: {  	[tilespmem:$0x1FEF0] =	vst v0;
	v34 =	vmax.f32 @!p1 v58, v34;
	v44 =	vmax.f32 @!p1 v57, v44;
	v48 =	vmin.f32 @!p1 v32, v40  }
0x3e: {  	v10 =	vmovc v57;
	v49 =	vmin.f32 @!p1 v33, v34;
	v50 =	vmin.f32 @!p1 v38, v44;
	v51 =	vmin.f32 @!p1 v37, v46  }
0x3f: {  	v11 =	vmovc v58;
	v54 =	vmax.f32 v39, v41;
	v52 =	vmin.f32 @!p1 v48, v50;
	v53 =	vmin.f32 @!p1 v49, v51  }
0x40: {  	v0 =	vld [tilespmem:$0x1FF80];
	v12 =	vmovc v59;
	v55 =	vmax.f32 v36, v43;
	v56 =	vmax.f32 v42, v45;
	v57 =	vmax.f32 v35, v47  }
0x41: {  	v61 =	vld [tilespmem:s18+$0x10];
	v13 =	vmovc v60;
	v58 =	vmin.f32 @!p1 v52, v53;
	v59 =	vmax.f32 v54, v55;
	v60 =	vmax.f32 v56, v57  }
0x42: {  	v63 =	vld [tilespmem:s18+$0x90];
	v30 =	vpsel p1, v30, v58;
	v58 =	vmax.f32 v59, v60  }
0x43: {  	[tilespmem:$0x1FE90] =	vst v62;
	v62 =	vld [tilespmem:s18+$0x190];
	vm9 =	vgt.f32 v58, v30  }
0x44: {  	[tilespmem:$0x1FEE0] =	vst v1;
	v1 =	vld [tilespmem:s18+$0x210];
	v5 =	vmpcnt.ones.xlane vm9  }
0x45: {  	[tilespmem:$0x1FED0] =	vst v2;
	v2 =	vld [tilespmem:s18+$0x290]  }
0x46: {  	v3 =	vld [tilespmem:s18+$0x310];
	(v2sf) =	vpush v5, $0x0  }
0x47: {  	[tilespmem:$0x1FF80] =	vst v0;
	v0 =	vld [tilespmem:s18+$0x110]  }
0x48: {  	v4 =	vld [tilespmem:s18+$0x390];
	_ =	sdelay $0x1  }
0x49: {  	v32 =	vmax.f32 @!p1 v32, v40;
	v38 =	vmax.f32 @!p1 v38, v44  }
0x4a: {  	v33 =	vmax.f32 @!p1 v33, v34;
	v34 =	vmax.f32 @!p1 v37, v46;
	v40 =	vmax.f32 v61, v63  }
0x4b: {  	v44 =	vmax.f32 v0, v62;
	v46 =	vmax.f32 v1, v2;
	v37 =	vmax.f32 @!p1 v32, v38  }
0x4c: {  	v32 =	vmin.f32 @!p1 v32, v38;
	v38 =	vmax.f32 @!p1 v33, v34;
	v5 =	vmax.f32 v3, v4  }
0x4d: {  	v33 =	vmin.f32 @!p1 v33, v34;
	v34 =	vmax.f32 v40, v44;
	v6 =	vmax.f32 v46, v5  }
0x4e: {  	v48 =	vmax.f32 @!p1 v48, v50;
	v49 =	vmax.f32 @!p1 v49, v51;
	v50 =	vmax.f32 v34, v6  }
0x4f: {  	v51 =	vmax.f32 @!p1 v37, v38;
	v37 =	vmin.f32 @!p1 v37, v38;
	vm10 =	vgt.f32 v50, v31  }
0x50: {  	v38 =	vmax.f32 @!p1 v32, v33;
	v32 =	vmin.f32 @!p1 v32, v33;
	v33 =	vmpcnt.ones.xlane vm10;
	_ =	sdelay $0x1  }
0x51: {  	(v2sf) =	vpush v33, $0x0  }
0x52: {  	[tilespmem:$0x1FEC0] =	vst v8;
	v8 =	vmax.f32 @!p1 v48, v49;
	v48 =	vmin.f32 @!p1 v48, v49  }
0x53: {  	[tilespmem:$0x1FE70] =	vst v25;
	v49 =	vmax.f32 @!p1 v52, v53;
	v28 =	vpsel p1, v16, v51;
	v27 =	vpsel p1, v15, v37;
	s24 =	spop (v2sf)  }
0x54: {  	[tilespmem:$0x1FE80] =	vst v24;
	v26 =	vpsel p1, v14, v38;
	v25 =	vpsel p1, v13, v32;
	v24 =	vpsel p1, v12, v8;
	p0 =	slt.s32 s24, $0x1  }
0x55: {  	v23 =	vpsel p1, v11, v48;
	v20 =	vpsel p1, v10, v49;
	v8 =	vmin.f32 @!p0 v39, v41  }
0x56: {  	v32 =	vmin.f32 @!p0 v36, v43;
	v33 =	vmin.f32 @!p0 v42, v45;
	v35 =	vmin.f32 @!p0 v35, v47  }
0x57: {  	v36 =	vmin.f32 @!p0 v54, v55;
	v37 =	vmax.f32 @!p0 v8, v32;
	v8 =	vmin.f32 @!p0 v8, v32  }
0x58: {  	v32 =	vmin.f32 @!p0 v56, v57;
	v38 =	vmax.f32 @!p0 v33, v35;
	v33 =	vmin.f32 @!p0 v33, v35  }
0x59: {  	v35 =	vmax.f32 @!p0 v37, v36;
	v36 =	vmin.f32 @!p0 v37, v36;
	v37 =	vmax.f32 @!p0 v38, v32  }
0x5a: {  	v32 =	vmin.f32 @!p0 v38, v32;
	v38 =	vmin.f32 @!p0 v59, v60;
	v39 =	vmax.f32 @!p0 v35, v37  }
0x5b: {  	v35 =	vmin.f32 @!p0 v35, v37;
	v37 =	vmax.f32 @!p0 v36, v32;
	v32 =	vmin.f32 @!p0 v36, v32  }
0x5c: {  	v36 =	vmax.f32 @!p0 v8, v33;
	v8 =	vmin.f32 @!p0 v8, v33;
	v33 =	vmax.f32 @!p0 v37, v38  }
0x5d: {  	v37 =	vmin.f32 @!p0 v37, v38;
	v38 =	vmax.f32 @!p0 v36, v35;
	v35 =	vmin.f32 @!p0 v36, v35  }
0x5e: {  	v36 =	vmax.f32 @!p0 v39, v33;
	v33 =	vmin.f32 @!p0 v39, v33;
	v39 =	vmax.f32 @!p0 v38, v37  }
0x5f: {  	v37 =	vmin.f32 @!p0 v38, v37;
	v38 =	vmax.f32 @!p0 v35, v32;
	v32 =	vmin.f32 @!p0 v35, v32  }
0x60: {  	v8 =	vmax.f32 @!p0 v28, v8;
	s25 =	spop (v2sf);
	v32 =	vmax.f32 @!p0 v27, v32;
	v35 =	vmax.f32 @!p0 v26, v38  }
0x61: {  	p1 =	slt.s32 s25, $0x1;
	v37 =	vmax.f32 @!p0 v25, v37;
	v38 =	vmax.f32 @!p0 v24, v39;
	v33 =	vmax.f32 @!p0 v23, v33  }
0x62: {  	v36 =	vmax.f32 @!p0 v20, v36;
	v39 =	vmax.f32 @!p0 v30, v58;
	v0 =	vmin.f32 @!p1 v0, v62  }
0x63: {  	v21 =	vld [tilespmem:$0x1FFC0];
	v1 =	vmin.f32 @!p1 v1, v2;
	v2 =	vmin.f32 @!p1 v3, v4;
	v3 =	vmin.f32 @!p1 v40, v44  }
0x64: {  	v17 =	vld [tilespmem:$0x1FFB0];
	v5 =	vmin.f32 @!p1 v46, v5;
	v6 =	vmin.f32 @!p1 v34, v6;
	v41 =	vmax.f32 @!p0 v8, v38  }
0x65: {  	v13 =	vld [tilespmem:$0x1FF50];
	v8 =	vmin.f32 @!p0 v8, v38;
	v38 =	vmax.f32 @!p0 v32, v33;
	v32 =	vmin.f32 @!p0 v32, v33  }
0x66: {  	v14 =	vld [tilespmem:$0x1FFA0];
	v33 =	vmax.f32 @!p0 v35, v36;
	v35 =	vmin.f32 @!p0 v35, v36;
	v36 =	vmin.f32 @!p1 v61, v63  }
0x67: {  	v16 =	vld [tilespmem:$0x1FF40];
	v4 =	vmax.f32 @!p1 v36, v0;
	v0 =	vmin.f32 @!p1 v36, v0;
	v36 =	vmax.f32 @!p1 v1, v2  }
0x68: {  	v43 =	vld [tilespmem:s18+$0x590];
	v1 =	vmin.f32 @!p1 v1, v2;
	v2 =	vmax.f32 @!p1 v4, v3;
	v3 =	vmin.f32 @!p1 v4, v3  }
0x69: {  	v45 =	vld [tilespmem:s18+$0x690];
	v4 =	vmax.f32 @!p1 v36, v5;
	v5 =	vmin.f32 @!p1 v36, v5;
	v42 =	vmax.f32 @!p1 v0, v1  }
0x6a: {  	v40 =	vld [tilespmem:s18+$0x410];
	v34 =	vmax.f32 @!p1 v2, v4;
	v2 =	vmin.f32 @!p1 v2, v4;
	v4 =	vmax.f32 @!p1 v3, v5  }
0x6b: {  	v46 =	vld [tilespmem:s18+$0x790];
	v0 =	vmin.f32 @!p1 v0, v1;
	v3 =	vmin.f32 @!p1 v3, v5;
	v1 =	vmax.f32 @!p1 v4, v6  }
0x6c: {  	v36 =	vld [tilespmem:s18+$0x490];
	v4 =	vmin.f32 @!p1 v4, v6;
	v6 =	vmax.f32 @!p1 v42, v2;
	v2 =	vmin.f32 @!p1 v42, v2  }
0x6d: {  	v5 =	vld [tilespmem:s18+$0x510];
	v44 =	vmax.f32 @!p1 v34, v1;
	v1 =	vmin.f32 @!p1 v34, v1;
	v34 =	vmax.f32 @!p1 v6, v4  }
0x6e: {  	v42 =	vld [tilespmem:s18+$0x610];
	v4 =	vmin.f32 @!p1 v6, v4;
	v6 =	vmax.f32 @!p1 v2, v3;
	v2 =	vmin.f32 @!p1 v2, v3  }
0x6f: {  	v47 =	vmax.f32 @!p1 v31, v50;
	v0 =	vmax.f32 @!p1 v22, v0;
	v3 =	vld [tilespmem:s18+$0x710];
	v2 =	vmax.f32 @!p1 v19, v2  }
0x70: {  	v6 =	vmax.f32 @!p1 v13, v6;
	v4 =	vmax.f32 @!p1 v16, v4;
	v34 =	vmax.f32 @!p1 v21, v34  }
0x71: {  	v1 =	vmax.f32 @!p1 v17, v1;
	v44 =	vmax.f32 @!p1 v14, v44;
	v48 =	vmin.f32 @!p1 v0, v34  }
0x72: {  	v49 =	vmin.f32 @!p1 v2, v1;
	v50 =	vmin.f32 @!p1 v6, v44;
	v51 =	vmin.f32 @!p1 v4, v47  }
0x73: {  	v54 =	vmax.f32 v40, v36;
	v52 =	vmin.f32 @!p1 v48, v50;
	v53 =	vmin.f32 @!p1 v49, v51  }
0x74: {  	v55 =	vmax.f32 v5, v43;
	v56 =	vmax.f32 v42, v45;
	v57 =	vmax.f32 v3, v46  }
0x75: {  	v58 =	vmin.f32 @!p1 v52, v53;
	v59 =	vmax.f32 v54, v55;
	v60 =	vmax.f32 v56, v57  }
0x76: {  	v0 =	vmax.f32 @!p1 v0, v34;
	v31 =	vpsel p1, v31, v58;
	v61 =	vmax.f32 v59, v60  }
0x77: {  	v6 =	vmax.f32 @!p1 v6, v44;
	v1 =	vmax.f32 @!p1 v2, v1;
	vm11 =	vgt.f32 v61, v31  }
0x78: {  	[tilespmem:$0x1FEB0] =	vst v9;
	v9 =	vld [tilespmem:s18+$0xA0];
	v58 =	vmax.f32 @!p0 v37, v39;
	v37 =	vmin.f32 @!p0 v37, v39;
	v63 =	vmpcnt.ones.xlane vm11  }
0x79: {  	v11 =	vld [tilespmem:s18+$0x220];
	v39 =	vmax.f32 @!p0 v41, v33;
	v33 =	vmin.f32 @!p0 v41, v33;
	v41 =	vmax.f32 @!p0 v38, v58  }
0x7a: {  	v62 =	vld [tilespmem:s18+$0x20];
	v38 =	vmin.f32 @!p0 v38, v58;
	v58 =	vmax.f32 @!p0 v8, v35;
	(v2sf) =	vpush v63, $0x0  }
0x7b: {  	v8 =	vmin.f32 @!p0 v8, v35;
	v35 =	vld [tilespmem:s18+$0x120];
	v10 =	vmax.f32 @!p0 v32, v37;
	v32 =	vmin.f32 @!p0 v32, v37  }
0x7c: {  	v2 =	vmax.f32 @!p1 v4, v47;
	v37 =	vld [tilespmem:s18+$0x1A0];
	v12 =	vmax.f32 @!p0 v8, v32;
	v8 =	vmin.f32 @!p0 v8, v32  }
0x7d: {  	v32 =	vld [tilespmem:s18+$0x320];
	v63 =	vmax.f32 @!p0 v39, v41;
	v39 =	vmin.f32 @!p0 v39, v41;
	v41 =	vmax.f32 @!p0 v33, v38  }
0x7e: {  	v33 =	vmin.f32 @!p0 v33, v38;
	v38 =	vmax.f32 @!p0 v58, v10;
	v10 =	vmin.f32 @!p0 v58, v10;
	v58 =	vld [tilespmem:s18+$0x2A0]  }
0x7f: {  	v4 =	vmax.f32 @!p1 v0, v6;
	v0 =	vmin.f32 @!p1 v0, v6;
	v7 =	vpsel p0, v25, v33;
	v33 =	vld [tilespmem:s18+$0x3A0]  }
0x80: {  	v6 =	vmax.f32 @!p1 v1, v2;
	v1 =	vmin.f32 @!p1 v1, v2;
	v15 =	vpsel p0, v28, v63  }
0x81: {  	v47 =	vmax.f32 @!p1 v4, v6;
	v4 =	vmin.f32 @!p1 v4, v6;
	v10 =	vpsel p0, v23, v10;
	[tilespmem:$0x1FFF0] =	vst v15  }
0x82: {  	v6 =	vmax.f32 @!p1 v0, v1;
	v30 =	vpsel p0, v30, v8;
	v15 =	vpsel p0, v27, v39;
	[tilespmem:$0x1FF20] =	vst v10  }
0x83: {  	v8 =	vmax.f32 v62, v9;
	v10 =	vpsel p0, v20, v12;
	[tilespmem:$0x1FFE0] =	vst v15;
	v15 =	vpsel p0, v26, v41  }
0x84: {  	[tilespmem:$0x1FF10] =	vst v10;
	v10 =	vmax.f32 v35, v37;
	v12 =	vmax.f32 v11, v58;
	v34 =	vmax.f32 v32, v33  }
0x85: {  	[tilespmem:$0x1FFD0] =	vst v15;
	v15 =	vpsel p0, v24, v38;
	v2 =	vmax.f32 v8, v10;
	v38 =	vmax.f32 v12, v34  }
0x86: {  	v0 =	vmin.f32 @!p1 v0, v1;
	v22 =	vpsel p1, v22, v47;
	v44 =	vmax.f32 v2, v38  }
0x87: {  	v19 =	vpsel p1, v19, v4;
	v23 =	vmovc v18;
	v18 =	vpsel p1, v16, v0;
	vm12 =	vgt.f32 v44, v29  }
0x88: {  	v39 =	vmax.f32 @!p1 v48, v50;
	v41 =	vmax.f32 @!p1 v49, v51;
	v1 =	vmpcnt.ones.xlane vm12  }
0x89: {  	v48 =	vmax.f32 @!p1 v39, v41;
	v39 =	vmin.f32 @!p1 v39, v41;
	v41 =	vmax.f32 @!p1 v52, v53;
	s26 =	spop (v2sf)  }
0x8a: {  	[tilespmem:$0x1FF30] =	vst v15;
	v15 =	vpsel p1, v13, v6;
	v21 =	vpsel p1, v21, v48;
	(v2sf) =	vpush v1, $0x0;
	p0 =	slt.s32 s26, $0x1  }
0x8b: {  	v17 =	vpsel p1, v17, v39;
	v16 =	vpsel p1, v14, v41;
	v0 =	vmin.f32 @!p0 v40, v36  }
0x8c: {  	v1 =	vmin.f32 @!p0 v5, v43;
	v4 =	vmin.f32 @!p0 v42, v45;
	v3 =	vmin.f32 @!p0 v3, v46  }
0x8d: {  	v5 =	vmin.f32 @!p0 v54, v55;
	v6 =	vmax.f32 @!p0 v0, v1;
	v0 =	vmin.f32 @!p0 v0, v1  }
0x8e: {  	v1 =	vmin.f32 @!p0 v56, v57;
	v36 =	vmax.f32 @!p0 v4, v3;
	v3 =	vmin.f32 @!p0 v4, v3  }
0x8f: {  	v4 =	vmax.f32 @!p0 v6, v5;
	v5 =	vmin.f32 @!p0 v6, v5;
	v6 =	vmax.f32 @!p0 v36, v1  }
0x90: {  	v42 =	vld [tilespmem:s18+$0x720];
	v1 =	vmin.f32 @!p0 v36, v1;
	v36 =	vmin.f32 @!p0 v59, v60;
	v39 =	vmax.f32 @!p0 v4, v6  }
0x91: {  	v43 =	vld [tilespmem:s18+$0x7A0];
	v4 =	vmin.f32 @!p0 v4, v6;
	v6 =	vmax.f32 @!p0 v5, v1;
	v1 =	vmin.f32 @!p0 v5, v1  }
0x92: {  	v5 =	vmax.f32 @!p0 v0, v3;
	v0 =	vmin.f32 @!p0 v0, v3;
	v3 =	vmax.f32 @!p0 v6, v36  }
0x93: {  	v6 =	vmin.f32 @!p0 v6, v36;
	v36 =	vmax.f32 @!p0 v5, v4;
	v4 =	vmin.f32 @!p0 v5, v4  }
0x94: {  	v5 =	vmax.f32 @!p0 v39, v3;
	v3 =	vmin.f32 @!p0 v39, v3;
	v39 =	vmax.f32 @!p0 v36, v6  }
0x95: {  	v6 =	vmin.f32 @!p0 v36, v6;
	v36 =	vmax.f32 @!p0 v4, v1;
	v1 =	vmin.f32 @!p0 v4, v1  }
0x96: {  	v0 =	vmax.f32 @!p0 v22, v0;
	v55 =	vmax.f32 v42, v43;
	v1 =	vmax.f32 @!p0 v19, v1  }
0x97: {  	v4 =	vmax.f32 @!p0 v15, v36;
	v6 =	vmax.f32 @!p0 v18, v6;
	v36 =	vmax.f32 @!p0 v21, v39  }
0x98: {  	v3 =	vmax.f32 @!p0 v17, v3;
	v5 =	vmax.f32 @!p0 v16, v5;
	v39 =	vmax.f32 @!p0 v31, v61  }
0x99: {  	v28 =	vld [tilespmem:$0x1FE80];
	v40 =	vmax.f32 @!p0 v0, v36;
	v0 =	vmin.f32 @!p0 v0, v36;
	v36 =	vmax.f32 @!p0 v1, v3;
	s28 =	spop (v2sf)  }
0x9a: {  	v25 =	vld [tilespmem:$0x1FE90];
	v1 =	vmin.f32 @!p0 v1, v3;
	v3 =	vmax.f32 @!p0 v4, v5;
	v4 =	vmin.f32 @!p0 v4, v5;
	p1 =	slt.s32 s28, $0x1  }
0x9b: {  	v27 =	vld [tilespmem:$0x1FE60];
	v5 =	vmin.f32 @!p1 v62, v9;
	v9 =	vmin.f32 @!p1 v35, v37;
	v11 =	vmin.f32 @!p1 v11, v58  }
0x9c: {  	v24 =	vld [tilespmem:$0x1FF60];
	v32 =	vmin.f32 @!p1 v32, v33;
	v8 =	vmin.f32 @!p1 v8, v10;
	v2 =	vmin.f32 @!p1 v2, v38  }
0x9d: {  	v41 =	vld [tilespmem:s18+$0x6A0];
	v44 =	vmax.f32 @!p1 v29, v44;
	v10 =	vmax.f32 @!p1 v5, v9;
	v5 =	vmin.f32 @!p1 v5, v9  }
0x9e: {  	v14 =	vld [tilespmem:$0x1FF90];
	v9 =	vmin.f32 @!p1 v12, v34;
	v12 =	vmax.f32 @!p1 v11, v32;
	v11 =	vmin.f32 @!p1 v11, v32  }
0x9f: {  	v35 =	vld [tilespmem:s18+$0x520];
	v32 =	vmax.f32 @!p1 v10, v8;
	v8 =	vmin.f32 @!p1 v10, v8;
	v10 =	vmax.f32 @!p1 v12, v9  }
0xa0: {  	v37 =	vld [tilespmem:s18+$0x5A0];
	v9 =	vmin.f32 @!p1 v12, v9;
	v12 =	vmax.f32 @!p1 v32, v10;
	v10 =	vmin.f32 @!p1 v32, v10  }
0xa1: {  	v38 =	vld [tilespmem:s18+$0x620];
	v32 =	vmax.f32 @!p1 v8, v9;
	v8 =	vmin.f32 @!p1 v8, v9;
	v9 =	vmax.f32 @!p1 v5, v11  }
0xa2: {  	[tilespmem:$0x1FF00] =	vst v7;
	v7 =	vld [tilespmem:$0x1FE70];
	v5 =	vmin.f32 @!p1 v5, v11;
	v11 =	vmax.f32 @!p1 v32, v2;
	v2 =	vmin.f32 @!p1 v32, v2  }
0xa3: {  	v26 =	vld [tilespmem:$0x1FF80];
	v32 =	vmax.f32 @!p1 v9, v10;
	v9 =	vmin.f32 @!p1 v9, v10;
	v5 =	vmax.f32 @!p1 v14, v5  }
0xa4: {  	v33 =	vld [tilespmem:s18+$0x420];
	v10 =	vmax.f32 @!p1 v12, v11;
	v11 =	vmin.f32 @!p1 v12, v11;
	v12 =	vmax.f32 @!p1 v32, v2  }
0xa5: {  	v34 =	vld [tilespmem:s18+$0x4A0];
	v2 =	vmin.f32 @!p1 v32, v2;
	v32 =	vmax.f32 @!p1 v9, v8;
	v8 =	vmin.f32 @!p1 v9, v8  }
0xa6: {  	v53 =	vmax.f32 v35, v37;
	v54 =	vmax.f32 v38, v41;
	v8 =	vmax.f32 @!p1 v24, v8  }
0xa7: {  	v9 =	vmax.f32 @!p1 v27, v32;
	v2 =	vmax.f32 @!p1 v7, v2;
	v12 =	vmax.f32 @!p1 v28, v12  }
0xa8: {  	v11 =	vmax.f32 @!p1 v26, v11;
	v10 =	vmax.f32 @!p1 v25, v10;
	v45 =	vmin.f32 @!p1 v5, v12  }
0xa9: {  	v46 =	vmin.f32 @!p1 v8, v11;
	v47 =	vmin.f32 @!p1 v9, v10;
	v48 =	vmin.f32 @!p1 v2, v44  }
0xaa: {  	v20 =	vld [tilespmem:s18+$0x2B0];
	v51 =	vmax.f32 v33, v34;
	v49 =	vmin.f32 @!p1 v45, v47;
	v50 =	vmin.f32 @!p1 v46, v48  }
0xab: {  	v52 =	vld [tilespmem:s18+$0x30];
	v58 =	vmax.f32 v54, v55;
	v57 =	vmax.f32 v51, v53;
	v32 =	vmin.f32 @!p1 v49, v50  }
0xac: {  	v56 =	vld [tilespmem:s18+$0xB0];
	v60 =	vmax.f32 @!p0 v6, v39;
	v29 =	vpsel p1, v29, v32;
	v32 =	vmax.f32 v57, v58  }
0xad: {  	v59 =	vld [tilespmem:s18+$0x130];
	v6 =	vmin.f32 @!p0 v6, v39;
	v39 =	vmax.f32 @!p0 v40, v3;
	vm13 =	vgt.f32 v32, v29  }
0xae: {  	v61 =	vld [tilespmem:s18+$0x1B0];
	v3 =	vmin.f32 @!p0 v40, v3;
	v40 =	vmax.f32 @!p0 v36, v60;
	v63 =	vmpcnt.ones.xlane vm13  }
0xaf: {  	v36 =	vmin.f32 @!p0 v36, v60;
	v60 =	vmax.f32 @!p0 v0, v4;
	v0 =	vmin.f32 @!p0 v0, v4;
	v4 =	vld [tilespmem:s18+$0x330]  }
0xb0: {  	v13 =	vmax.f32 @!p0 v1, v6;
	v1 =	vmin.f32 @!p0 v1, v6;
	v62 =	vld [tilespmem:s18+$0x230];
	(v2sf) =	vpush v63, $0x0  }
0xb1: {  	v6 =	vld [tilespmem:s18+$0x3B0];
	v63 =	vmax.f32 @!p0 v39, v40;
	v39 =	vmin.f32 @!p0 v39, v40;
	v40 =	vmax.f32 @!p0 v3, v36  }
0xb2: {  	v3 =	vmin.f32 @!p0 v3, v36;
	v36 =	vmax.f32 @!p0 v60, v13;
	v13 =	vmin.f32 @!p0 v60, v13  }
0xb3: {  	v60 =	vmax.f32 @!p0 v0, v1;
	v0 =	vmin.f32 @!p0 v0, v1;
	v13 =	vpsel p0, v17, v13  }
0xb4: {  	v22 =	vpsel p0, v22, v63;
	v19 =	vpsel p0, v19, v39;
	[tilespmem:$0x1FFB0] =	vst v13;
	v13 =	vpsel p0, v16, v60;
	v60 =	vld [tilespmem:$0x1FF70]  }
0xb5: {  	v1 =	vpsel p0, v15, v40;
	v39 =	vmax.f32 v59, v61;
	v40 =	vmax.f32 v62, v20  }
0xb6: {  	v63 =	vmax.f32 v4, v6;
	v3 =	vpsel p0, v18, v3;
	[tilespmem:$0x1FF50] =	vst v1;
	v1 =	vmax.f32 v52, v56  }
0xb7: {  	v8 =	vmax.f32 @!p1 v8, v11;
	[tilespmem:$0x1FF40] =	vst v3;
	v15 =	vmax.f32 v40, v63;
	v3 =	vmax.f32 v1, v39  }
0xb8: {  	v2 =	vmax.f32 @!p1 v2, v44;
	v18 =	vpsel p0, v21, v36;
	v36 =	vmax.f32 v3, v15  }
0xb9: {  	v44 =	vmax.f32 @!p1 v49, v50;
	v31 =	vpsel p0, v31, v0;
	vm14 =	vgt.f32 v36, v60  }
0xba: {  	v0 =	vmax.f32 @!p1 v5, v12;
	v5 =	vmax.f32 @!p1 v9, v10;
	v9 =	vmpcnt.ones.xlane vm14  }
0xbb: {  	v10 =	vmax.f32 @!p1 v0, v5;
	v0 =	vmin.f32 @!p1 v0, v5;
	v5 =	vmax.f32 @!p1 v8, v2  }
0xbc: {  	v2 =	vmin.f32 @!p1 v8, v2;
	v8 =	vmax.f32 @!p1 v45, v47;
	(v2sf) =	vpush v9, $0x0  }
0xbd: {  	v11 =	vmax.f32 @!p1 v10, v5;
	v5 =	vmin.f32 @!p1 v10, v5;
	v10 =	vmax.f32 @!p1 v0, v2  }
0xbe: {  	v0 =	vmin.f32 @!p1 v0, v2;
	v14 =	vpsel p1, v14, v11;
	v9 =	vmax.f32 @!p1 v46, v48  }
0xbf: {  	[tilespmem:$0x1FFA0] =	vst v13;
	v13 =	vpsel p1, v24, v5;
	v12 =	vpsel p1, v27, v10;
	v2 =	vmax.f32 @!p1 v8, v9;
	s29 =	spop (v2sf)  }
0xc0: {  	v45 =	vld [tilespmem:s18+$0x730];
	v11 =	vpsel p1, v7, v0;
	v8 =	vmin.f32 @!p1 v8, v9;
	v10 =	vpsel p1, v28, v2;
	p0 =	slt.s32 s29, $0x1  }
0xc1: {  	v46 =	vld [tilespmem:s18+$0x7B0];
	v9 =	vpsel p1, v26, v8;
	v8 =	vpsel p1, v25, v44;
	v0 =	vmin.f32 @!p0 v33, v34  }
0xc2: {  	v2 =	vmin.f32 @!p0 v35, v37;
	v5 =	vmin.f32 @!p0 v38, v41;
	v33 =	vmin.f32 @!p0 v42, v43  }
0xc3: {  	v34 =	vmin.f32 @!p0 v51, v53;
	v35 =	vmax.f32 @!p0 v0, v2;
	v0 =	vmin.f32 @!p0 v0, v2  }
0xc4: {  	v2 =	vmin.f32 @!p0 v54, v55;
	v37 =	vmax.f32 @!p0 v5, v33;
	v5 =	vmin.f32 @!p0 v5, v33  }
0xc5: {  	v33 =	vmax.f32 @!p0 v35, v34;
	v34 =	vmin.f32 @!p0 v35, v34;
	v35 =	vmax.f32 @!p0 v37, v2  }
0xc6: {  	v2 =	vmin.f32 @!p0 v37, v2;
	v37 =	vmin.f32 @!p0 v57, v58;
	v57 =	vmax.f32 v45, v46  }
0xc7: {  	v38 =	vmax.f32 @!p0 v33, v35;
	v33 =	vmin.f32 @!p0 v33, v35;
	v35 =	vmax.f32 @!p0 v34, v2  }
0xc8: {  	v2 =	vmin.f32 @!p0 v34, v2;
	v34 =	vmax.f32 @!p0 v0, v5;
	v0 =	vmin.f32 @!p0 v0, v5  }
0xc9: {  	v5 =	vmax.f32 @!p0 v35, v37;
	v35 =	vmin.f32 @!p0 v35, v37;
	v37 =	vmax.f32 @!p0 v34, v33  }
0xca: {  	v33 =	vmin.f32 @!p0 v34, v33;
	v0 =	vmax.f32 @!p0 v14, v0;
	v34 =	vmax.f32 @!p0 v38, v5  }
0xcb: {  	v5 =	vmin.f32 @!p0 v38, v5;
	v38 =	vmax.f32 @!p0 v37, v35;
	v35 =	vmin.f32 @!p0 v37, v35;
	s30 =	spop (v2sf)  }
0xcc: {  	v37 =	vmax.f32 @!p0 v33, v2;
	v2 =	vmin.f32 @!p0 v33, v2;
	v33 =	vmax.f32 @!p0 v10, v38;
	p1 =	slt.s32 s30, $0x1  }
0xcd: {  	v17 =	vld [tilespmem:$0x1FEA0];
	v51 =	vmax.f32 @!p0 v0, v33;
	v0 =	vmin.f32 @!p0 v0, v33;
	v38 =	vmin.f32 @!p1 v52, v56  }
0xce: {  	v21 =	vld [tilespmem:$0x1FEB0];
	v41 =	vmin.f32 @!p1 v59, v61;
	v20 =	vmin.f32 @!p1 v62, v20;
	v4 =	vmin.f32 @!p1 v4, v6  }
0xcf: {  	[tilespmem:$0x1FFC0] =	vst v18;
	v18 =	vld [tilespmem:$0x1FEE0];
	v1 =	vmin.f32 @!p1 v1, v39;
	v39 =	vmin.f32 @!p1 v40, v63;
	v3 =	vmin.f32 @!p1 v3, v15  }
0xd0: {  	v16 =	vld [tilespmem:$0x1FEF0];
	v6 =	vmax.f32 @!p1 v38, v41;
	v38 =	vmin.f32 @!p1 v38, v41;
	v40 =	vmax.f32 @!p1 v20, v4  }
0xd1: {  	v44 =	vld [tilespmem:s18+$0x630];
	v4 =	vmin.f32 @!p1 v20, v4;
	v20 =	vmax.f32 @!p1 v6, v1;
	v1 =	vmin.f32 @!p1 v6, v1  }
0xd2: {  	v26 =	vld [tilespmem:$0x1FED0];
	v6 =	vmax.f32 @!p1 v40, v39;
	v39 =	vmin.f32 @!p1 v40, v39;
	v41 =	vmax.f32 @!p1 v38, v4  }
0xd3: {  	v42 =	vld [tilespmem:s18+$0x530];
	v15 =	vmax.f32 @!p1 v20, v6;
	v6 =	vmin.f32 @!p1 v20, v6;
	v20 =	vmax.f32 @!p1 v1, v39  }
0xd4: {  	v63 =	vld [tilespmem:$0x1FEC0];
	v4 =	vmin.f32 @!p1 v38, v4;
	v1 =	vmin.f32 @!p1 v1, v39;
	v38 =	vmax.f32 @!p1 v20, v3  }
0xd5: {  	v40 =	vld [tilespmem:s18+$0x430];
	v3 =	vmin.f32 @!p1 v20, v3;
	v20 =	vmax.f32 @!p1 v41, v6;
	v6 =	vmin.f32 @!p1 v41, v6  }
0xd6: {  	v39 =	vld [tilespmem:s18+$0x4B0];
	v43 =	vmax.f32 @!p1 v15, v38;
	v15 =	vmin.f32 @!p1 v15, v38;
	v38 =	vmax.f32 @!p1 v20, v3  }
0xd7: {  	v41 =	vld [tilespmem:s18+$0x5B0];
	v3 =	vmin.f32 @!p1 v20, v3;
	v20 =	vmax.f32 @!p1 v6, v1;
	v1 =	vmin.f32 @!p1 v6, v1  }
0xd8: {  	v36 =	vmax.f32 @!p1 v60, v36;
	v4 =	vmax.f32 @!p1 v17, v4;
	v6 =	vld [tilespmem:s18+$0x6B0];
	v1 =	vmax.f32 @!p1 v23, v1  }
0xd9: {  	v20 =	vmax.f32 @!p1 v21, v20;
	v3 =	vmax.f32 @!p1 v63, v3;
	v38 =	vmax.f32 @!p1 v26, v38  }
0xda: {  	v15 =	vmax.f32 @!p1 v18, v15;
	v43 =	vmax.f32 @!p1 v16, v43;
	v47 =	vmin.f32 @!p1 v4, v38  }
0xdb: {  	v48 =	vmin.f32 @!p1 v1, v15;
	v49 =	vmin.f32 @!p1 v20, v43;
	v50 =	vmin.f32 @!p1 v3, v36  }
0xdc: {  	v52 =	vmin.f32 @!p1 v47, v49;
	v53 =	vmin.f32 @!p1 v48, v50;
	v54 =	vmax.f32 v40, v39  }
0xdd: {  	v33 =	vmin.f32 @!p1 v52, v53;
	v55 =	vmax.f32 v42, v41;
	v56 =	vmax.f32 v44, v6  }
0xde: {  	v7 =	vpsel p1, v60, v33;
	v33 =	vmax.f32 v54, v55;
	v58 =	vmax.f32 v56, v57  }
0xdf: {  	v2 =	vmax.f32 @!p0 v13, v2;
	v5 =	vmax.f32 @!p0 v9, v5;
	v59 =	vmax.f32 v33, v58  }
0xe0: {  	v32 =	vmax.f32 @!p0 v29, v32;
	v60 =	vmax.f32 @!p0 v2, v5;
	vm15 =	vgt.f32 v59, v7  }
0xe1: {  	v2 =	vmin.f32 @!p0 v2, v5;
	v5 =	vmax.f32 @!p0 v12, v37;
	v37 =	vmpcnt.ones.xlane vm15  }
0xe2: {  	v34 =	vmax.f32 @!p0 v8, v34;
	v35 =	vmax.f32 @!p0 v11, v35;
	v1 =	vmax.f32 @!p1 v1, v15  }
0xe3: {  	v3 =	vmax.f32 @!p1 v3, v36;
	v61 =	vmax.f32 @!p0 v5, v34;
	(v2sf) =	vpush v37, $0x0  }
0xe4: {  	v5 =	vmin.f32 @!p0 v5, v34;
	v34 =	vmax.f32 @!p0 v35, v32;
	v32 =	vmin.f32 @!p0 v35, v32  }
0xe5: {  	v35 =	vmax.f32 @!p0 v51, v61;
	v37 =	vmin.f32 @!p0 v51, v61;
	v51 =	vmax.f32 @!p0 v60, v34  }
0xe6: {  	v34 =	vmin.f32 @!p0 v60, v34;
	v60 =	vmax.f32 @!p0 v0, v5;
	v0 =	vmin.f32 @!p0 v0, v5  }
0xe7: {  	v5 =	vmax.f32 @!p0 v2, v32;
	v2 =	vmin.f32 @!p0 v2, v32;
	v32 =	vmax.f32 @!p0 v35, v51  }
0xe8: {  	v35 =	vmin.f32 @!p0 v35, v51;
	v51 =	vmax.f32 @!p0 v37, v34;
	v34 =	vmin.f32 @!p0 v37, v34  }
0xe9: {  	v37 =	vmax.f32 @!p0 v60, v5;
	v5 =	vmin.f32 @!p0 v60, v5;
	v60 =	vmax.f32 @!p0 v0, v2  }
0xea: {  	v0 =	vmin.f32 @!p0 v0, v2;
	v2 =	vpsel p0, v14, v32;
	v61 =	vpsel p0, v12, v51  }
0xeb: {  	v25 =	vpsel p0, v11, v34;
	v24 =	vpsel p0, v10, v37;
	[tilespmem:$0x1FF90] =	vst v2;
	v2 =	vpsel p0, v13, v35  }
0xec: {  	v62 =	vpsel p0, v8, v60;
	v29 =	vpsel p0, v29, v0;
	[tilespmem:$0x1FF60] =	vst v2;
	v2 =	vpsel p0, v9, v5  }
0xed: {  	v0 =	vmax.f32 @!p1 v4, v38;
	v5 =	vmax.f32 @!p1 v48, v50;
	[tilespmem:$0x1FF80] =	vst v2;
	v2 =	vmax.f32 @!p1 v20, v43  }
0xee: {  	v4 =	vmax.f32 @!p1 v0, v2;
	v0 =	vmin.f32 @!p1 v0, v2;
	v2 =	vmax.f32 @!p1 v1, v3  }
0xef: {  	v1 =	vmin.f32 @!p1 v1, v3;
	v3 =	vmax.f32 @!p1 v47, v49;
	v8 =	vmax.f32 @!p1 v4, v2  }
0xf0: {  	v2 =	vmin.f32 @!p1 v4, v2;
	v4 =	vmax.f32 @!p1 v0, v1;
	v0 =	vmin.f32 @!p1 v0, v1  }
0xf1: {  	v1 =	vmax.f32 @!p1 v3, v5;
	v3 =	vmin.f32 @!p1 v3, v5;
	v5 =	vmax.f32 @!p1 v52, v53  }
0xf2: {  	v8 =	vpsel p1, v17, v8;
	v2 =	vpsel p1, v23, v2;
	v4 =	vpsel p1, v21, v4;
	s31 =	spop (v2sf)  }
0xf3: {  	v0 =	vpsel p1, v63, v0;
	v1 =	vpsel p1, v26, v1;
	v3 =	vpsel p1, v18, v3;
	p0 =	slt.s32 s31, $0x1  }
0xf4: {  	v5 =	vpsel p1, v16, v5;
	v9 =	vmin.f32 @!p0 v40, v39;
	v10 =	vmin.f32 @!p0 v42, v41  }
0xf5: {  	v6 =	vmin.f32 @!p0 v44, v6;
	v11 =	vmin.f32 @!p0 v45, v46;
	v12 =	vmin.f32 @!p0 v54, v55  }
0xf6: {  	v13 =	vmax.f32 @!p0 v9, v10;
	v9 =	vmin.f32 @!p0 v9, v10;
	v10 =	vmin.f32 @!p0 v56, v57  }
0xf7: {  	v15 =	vmax.f32 @!p0 v6, v11;
	v6 =	vmin.f32 @!p0 v6, v11;
	v11 =	vmax.f32 @!p0 v13, v12  }
0xf8: {  	v12 =	vmin.f32 @!p0 v13, v12;
	v13 =	vmax.f32 @!p0 v15, v10;
	v10 =	vmin.f32 @!p0 v15, v10  }
0xf9: {  	v15 =	vmin.f32 @!p0 v33, v58;
	v20 =	vmax.f32 @!p0 v11, v13;
	v11 =	vmin.f32 @!p0 v11, v13  }
0xfa: {  	v13 =	vmax.f32 @!p0 v12, v10;
	v10 =	vmin.f32 @!p0 v12, v10;
	v12 =	vmax.f32 @!p0 v9, v6  }
0xfb: {  	v6 =	vmin.f32 @!p0 v9, v6;
	v9 =	vmax.f32 @!p0 v13, v15;
	v13 =	vmin.f32 @!p0 v13, v15  }
0xfc: {  	v15 =	vmax.f32 @!p0 v12, v11;
	v11 =	vmin.f32 @!p0 v12, v11;
	v6 =	vmax.f32 @!p0 v8, v6  }
0xfd: {  	v12 =	vmax.f32 @!p0 v20, v9;
	v9 =	vmin.f32 @!p0 v20, v9;
	v20 =	vmax.f32 @!p0 v15, v13  }
0xfe: {  	v13 =	vmin.f32 @!p0 v15, v13;
	v15 =	vmax.f32 @!p0 v11, v10;
	v10 =	vmin.f32 @!p0 v11, v10  }
0xff: {  	v10 =	vmax.f32 @!p0 v2, v10;
	v11 =	vmax.f32 @!p0 v4, v15;
	v13 =	vmax.f32 @!p0 v0, v13  }
0x100: {  	v15 =	vmax.f32 @!p0 v1, v20;
	v9 =	vmax.f32 @!p0 v3, v9;
	v12 =	vmax.f32 @!p0 v5, v12  }
0x101: {  	v20 =	vmax.f32 @!p0 v7, v59;
	v32 =	vmax.f32 @!p0 v6, v15;
	v6 =	vmin.f32 @!p0 v6, v15  }
0x102: {  	v15 =	vmax.f32 @!p0 v10, v9;
	v9 =	vmin.f32 @!p0 v10, v9;
	v10 =	vmax.f32 @!p0 v11, v12  }
0x103: {  	v11 =	vmin.f32 @!p0 v11, v12;
	v12 =	vmax.f32 @!p0 v13, v20;
	v13 =	vmin.f32 @!p0 v13, v20  }
0x104: {  	v20 =	vmax.f32 @!p0 v32, v10;
	v10 =	vmin.f32 @!p0 v32, v10;
	v32 =	vmax.f32 @!p0 v15, v12  }
0x105: {  	s17 =	sadd.s32 $0x2000, s17;
	v12 =	vmin.f32 @!p0 v15, v12;
	v15 =	vmax.f32 @!p0 v6, v11;
	v6 =	vmin.f32 @!p0 v6, v11  }
0x106: {  	p1 =	sne.s32 s17, $0x20000;
	v11 =	vmax.f32 @!p0 v9, v13;
	v9 =	vmin.f32 @!p0 v9, v13;
	v13 =	vmax.f32 @!p0 v20, v32  }
.Ltmp0:
0x107: {  	v20 =	vmin.f32 @!p0 v20, v32;
	v32 =	vmax.f32 @!p0 v10, v12;
	v10 =	vmin.f32 @!p0 v10, v12;
	(pc) =	sbr.rel @p1 .LBB2_3-.Ltmp0, $4  }
0x108: {  	v60 =	vld [tilespmem:$0x1FF00];
	v12 =	vmax.f32 @!p0 v15, v11;
	v11 =	vmin.f32 @!p0 v15, v11;
	v15 =	vmax.f32 @!p0 v6, v9  }
0x109: {  	v57 =	vld [tilespmem:$0x1FF10];
	v6 =	vmin.f32 @!p0 v6, v9;
	v14 =	vpsel p0, v8, v13;
	v18 =	vpsel p0, v2, v20  }
0x10a: {  	v58 =	vld [tilespmem:$0x1FF20];
	v2 =	vpsel p0, v1, v12;
	v1 =	vpsel p0, v3, v11;
	v3 =	vpsel p0, v7, v6  }
0x10b: {  	v59 =	vld [tilespmem:$0x1FF30];
	v9 =	vpsel p0, v4, v32;
	v8 =	vpsel p0, v0, v10;
	v0 =	vpsel p0, v5, v15;
	[tilespmem:$0x1FF70] =	vst v3  }
0x10c: {  	p0 =	seq.s32 s15, $0x3F  }
0x10d: {  	_ =	swait.ge [sflag:s11], $0x8000;
	s16 =	sadd.s32 @!p0 s16, s6  }
0x10e: {  	[sflag:s11] =	ssyncset.done $0x0;
	s16 =	sshrl.u32 @!p0 s16, $0x3  }
0x10f: {  	s17 =	simm.s32 @!p0 $0x0;
	[sflag:s11] =	ssyncadd.s32 $0xFFFF8000;
	s16 =	sadd.s32 @!p0 s3, s16  }
0x110: {  	[tilespmem:s17], [sflag:$0x1] =	stream.linear.gather @!p0 [hbm4b:s16+s17], $0x8000, $0x38;
	[tilespmem:$0x10400] =	vst v63  }
0x111: {  	s16 =	simm.s32 $0x0  }
.LBB2_5:
0x112: {  	s17 =	sshra.s32 s16, $0x2  }
0x113: {  	[tilespmem:$0x1FEF0] =	vst v0;
	v0 =	vld [tilespmem:s17+$0x8000]  }
0x114: {  	[tilespmem:$0x1FEE0] =	vst v1;
	v1 =	vld [tilespmem:s17+$0x8080]  }
0x115: {  	[tilespmem:$0x1FED0] =	vst v2;
	v2 =	vld [tilespmem:s17+$0x8100]  }
0x116: {  	v3 =	vld [tilespmem:s17+$0x8180]  }
0x117: {  	v4 =	vld [tilespmem:s17+$0x8200]  }
0x118: {  	v5 =	vld [tilespmem:s17+$0x8280]  }
0x119: {  	v6 =	vld [tilespmem:s17+$0x8300]  }
0x11a: {  	[tilespmem:$0x1FEC0] =	vst v8;
	v8 =	vld [tilespmem:s17+$0x8380];
	_ =	sdelay $0x3  }
0x11b: {  	[tilespmem:$0x1FEB0] =	vst v9;
	v9 =	vmax.f32 v0, v1  }
0x11c: {  	v10 =	vmax.f32 v2, v3;
	v11 =	vmax.f32 v4, v5;
	v12 =	vmax.f32 v6, v8  }
0x11d: {  	v13 =	vmax.f32 v9, v10;
	v15 =	vmax.f32 v11, v12  }
0x11e: {  	v20 =	vmax.f32 v13, v15  }
0x11f: {  	vm0 =	vgt.f32 v20, v30  }
0x120: {  	v32 =	vmpcnt.ones.xlane vm0;
	_ =	sdelay $0x1  }
0x121: {  	(v2sf) =	vpush v32, $0x0;
	_ =	sdelay $0xe  }
0x122: {  	s18 =	spop (v2sf)  }
0x123: {  	p1 =	slt.s32 s18, $0x1  }
0x124: {  	v0 =	vmin.f32 @!p1 v0, v1  }
0x125: {  	v17 =	vld [tilespmem:$0x1FFF0];
	v1 =	vmin.f32 @!p1 v2, v3;
	v2 =	vmin.f32 @!p1 v4, v5;
	v3 =	vmin.f32 @!p1 v6, v8  }
0x126: {  	v16 =	vld [tilespmem:$0x1FFE0];
	v4 =	vmin.f32 @!p1 v9, v10;
	v5 =	vmax.f32 @!p1 v0, v1;
	v0 =	vmin.f32 @!p1 v0, v1  }
0x127: {  	[tilespmem:$0x1FEA0] =	vst v14;
	v14 =	vld [tilespmem:$0x1FFD0];
	v1 =	vmin.f32 @!p1 v11, v12;
	v6 =	vmax.f32 @!p1 v2, v3;
	v2 =	vmin.f32 @!p1 v2, v3  }
0x128: {  	v32 =	vld [tilespmem:s17+$0x8780];
	v3 =	vmax.f32 @!p1 v5, v4;
	v4 =	vmin.f32 @!p1 v5, v4;
	v5 =	vmax.f32 @!p1 v6, v1  }
0x129: {  	v8 =	vld [tilespmem:s17+$0x8400];
	v1 =	vmin.f32 @!p1 v6, v1;
	v6 =	vmin.f32 @!p1 v13, v15;
	v11 =	vmax.f32 @!p1 v0, v2  }
0x12a: {  	v10 =	vld [tilespmem:s17+$0x8480];
	v9 =	vmax.f32 @!p1 v3, v5;
	v3 =	vmin.f32 @!p1 v3, v5;
	v5 =	vmax.f32 @!p1 v4, v1  }
0x12b: {  	v12 =	vld [tilespmem:s17+$0x8580];
	v0 =	vmin.f32 @!p1 v0, v2;
	v1 =	vmin.f32 @!p1 v4, v1;
	v2 =	vmax.f32 @!p1 v5, v6  }
0x12c: {  	v15 =	vld [tilespmem:s17+$0x8680];
	v5 =	vmin.f32 @!p1 v5, v6;
	v6 =	vmax.f32 @!p1 v11, v3;
	v3 =	vmin.f32 @!p1 v11, v3  }
0x12d: {  	v4 =	vld [tilespmem:s17+$0x8500];
	v13 =	vmax.f32 @!p1 v9, v2;
	v2 =	vmin.f32 @!p1 v9, v2;
	v9 =	vmax.f32 @!p1 v6, v5  }
0x12e: {  	v11 =	vld [tilespmem:s17+$0x8600];
	v5 =	vmin.f32 @!p1 v6, v5;
	v6 =	vmax.f32 @!p1 v3, v1;
	v1 =	vmin.f32 @!p1 v3, v1  }
0x12f: {  	v20 =	vmax.f32 @!p1 v30, v20;
	v0 =	vmax.f32 @!p1 v17, v0;
	v3 =	vld [tilespmem:s17+$0x8700];
	v1 =	vmax.f32 @!p1 v16, v1  }
0x130: {  	v6 =	vmax.f32 @!p1 v14, v6;
	v5 =	vmax.f32 @!p1 v60, v5;
	v9 =	vmax.f32 @!p1 v59, v9  }
0x131: {  	v2 =	vmax.f32 @!p1 v58, v2;
	v13 =	vmax.f32 @!p1 v57, v13;
	v33 =	vmin.f32 @!p1 v0, v9  }
0x132: {  	v34 =	vmin.f32 @!p1 v1, v2;
	v35 =	vmin.f32 @!p1 v6, v13;
	v36 =	vmin.f32 @!p1 v5, v20  }
0x133: {  	v39 =	vmax.f32 v8, v10;
	v37 =	vmin.f32 @!p1 v33, v35;
	v38 =	vmin.f32 @!p1 v34, v36  }
0x134: {  	v40 =	vmax.f32 v4, v12;
	v41 =	vmax.f32 v11, v15;
	v42 =	vmax.f32 v3, v32  }
0x135: {  	v43 =	vmin.f32 @!p1 v37, v38;
	v44 =	vmax.f32 v39, v40;
	v45 =	vmax.f32 v41, v42  }
0x136: {  	v30 =	vpsel p1, v30, v43;
	v43 =	vmax.f32 v44, v45  }
0x137: {  	v50 =	vld [tilespmem:s17+$0x8210];
	vm9 =	vgt.f32 v43, v30  }
0x138: {  	v51 =	vld [tilespmem:s17+$0x8290];
	v47 =	vmpcnt.ones.xlane vm9  }
0x139: {  	v52 =	vld [tilespmem:s17+$0x8310]  }
0x13a: {  	v53 =	vld [tilespmem:s17+$0x8390];
	(v2sf) =	vpush v47, $0x0  }
0x13b: {  	v46 =	vld [tilespmem:s17+$0x8010]  }
0x13c: {  	v48 =	vld [tilespmem:s17+$0x8090]  }
0x13d: {  	v49 =	vld [tilespmem:s17+$0x8110]  }
0x13e: {  	v47 =	vld [tilespmem:s17+$0x8190]  }
0x13f: {  	v54 =	vmax.f32 v50, v51;
	v55 =	vmax.f32 v52, v53  }
0x140: {  	v56 =	vmax.f32 v54, v55  }
0x141: {  	v0 =	vmax.f32 @!p1 v0, v9;
	v6 =	vmax.f32 @!p1 v6, v13;
	v1 =	vmax.f32 @!p1 v1, v2  }
0x142: {  	v2 =	vmax.f32 @!p1 v5, v20;
	v9 =	vmax.f32 v46, v48;
	v5 =	vmax.f32 @!p1 v0, v6  }
0x143: {  	v0 =	vmin.f32 @!p1 v0, v6;
	v6 =	vmax.f32 @!p1 v1, v2;
	v13 =	vmax.f32 v49, v47  }
0x144: {  	v1 =	vmin.f32 @!p1 v1, v2;
	v20 =	vmax.f32 @!p1 v33, v35;
	v2 =	vmax.f32 v9, v13  }
0x145: {  	v33 =	vmax.f32 @!p1 v34, v36;
	v35 =	vmax.f32 @!p1 v5, v6;
	v34 =	vmax.f32 v2, v56  }
0x146: {  	v5 =	vmin.f32 @!p1 v5, v6;
	v6 =	vmax.f32 @!p1 v0, v1;
	vm10 =	vgt.f32 v34, v31  }
0x147: {  	v0 =	vmin.f32 @!p1 v0, v1;
	v36 =	vmax.f32 @!p1 v20, v33;
	v1 =	vmpcnt.ones.xlane vm10  }
0x148: {  	v20 =	vmin.f32 @!p1 v20, v33;
	v33 =	vmax.f32 @!p1 v37, v38;
	v28 =	vpsel p1, v17, v35  }
0x149: {  	[tilespmem:$0x1FE70] =	vst v25;
	v27 =	vpsel p1, v16, v5;
	v26 =	vpsel p1, v14, v6;
	(v2sf) =	vpush v1, $0x0;
	s24 =	spop (v2sf)  }
0x14a: {  	[tilespmem:$0x1FE80] =	vst v24;
	v25 =	vpsel p1, v60, v0;
	v24 =	vpsel p1, v59, v36;
	v23 =	vpsel p1, v58, v20;
	p0 =	slt.s32 s24, $0x1  }
0x14b: {  	v20 =	vpsel p1, v57, v33;
	v0 =	vmin.f32 @!p0 v8, v10;
	v1 =	vmin.f32 @!p0 v4, v12  }
0x14c: {  	v4 =	vmin.f32 @!p0 v11, v15;
	v3 =	vmin.f32 @!p0 v3, v32;
	v5 =	vmin.f32 @!p0 v39, v40  }
0x14d: {  	v6 =	vmax.f32 @!p0 v0, v1;
	v0 =	vmin.f32 @!p0 v0, v1;
	v1 =	vmin.f32 @!p0 v41, v42  }
0x14e: {  	v8 =	vmax.f32 @!p0 v4, v3;
	v3 =	vmin.f32 @!p0 v4, v3;
	v4 =	vmax.f32 @!p0 v6, v5  }
0x14f: {  	v5 =	vmin.f32 @!p0 v6, v5;
	v6 =	vmax.f32 @!p0 v8, v1;
	v1 =	vmin.f32 @!p0 v8, v1  }
0x150: {  	v8 =	vmin.f32 @!p0 v44, v45;
	v10 =	vmax.f32 @!p0 v4, v6;
	v4 =	vmin.f32 @!p0 v4, v6  }
0x151: {  	v6 =	vmax.f32 @!p0 v5, v1;
	v1 =	vmin.f32 @!p0 v5, v1;
	v5 =	vmax.f32 @!p0 v0, v3  }
0x152: {  	v0 =	vmin.f32 @!p0 v0, v3;
	v3 =	vmax.f32 @!p0 v6, v8;
	v6 =	vmin.f32 @!p0 v6, v8  }
0x153: {  	v8 =	vmax.f32 @!p0 v5, v4;
	v4 =	vmin.f32 @!p0 v5, v4;
	v0 =	vmax.f32 @!p0 v28, v0  }
0x154: {  	v5 =	vmax.f32 @!p0 v10, v3;
	v3 =	vmin.f32 @!p0 v10, v3;
	v10 =	vmax.f32 @!p0 v8, v6  }
0x155: {  	v6 =	vmin.f32 @!p0 v8, v6;
	v8 =	vmax.f32 @!p0 v4, v1;
	v1 =	vmin.f32 @!p0 v4, v1  }
0x156: {  	v1 =	vmax.f32 @!p0 v27, v1;
	v4 =	vmax.f32 @!p0 v26, v8;
	v6 =	vmax.f32 @!p0 v25, v6  }
0x157: {  	v8 =	vmax.f32 @!p0 v24, v10;
	v3 =	vmax.f32 @!p0 v23, v3;
	v5 =	vmax.f32 @!p0 v20, v5  }
0x158: {  	v10 =	vmax.f32 @!p0 v30, v43;
	v11 =	vmax.f32 @!p0 v0, v8;
	v0 =	vmin.f32 @!p0 v0, v8;
	s25 =	spop (v2sf)  }
0x159: {  	v8 =	vmax.f32 @!p0 v1, v3;
	v1 =	vmin.f32 @!p0 v1, v3;
	v3 =	vmax.f32 @!p0 v4, v5;
	p1 =	slt.s32 s25, $0x1  }
0x15a: {  	v63 =	vmovc v29;
	v29 =	vld [tilespmem:$0x1FFA0];
	v4 =	vmin.f32 @!p0 v4, v5;
	v5 =	vmin.f32 @!p1 v46, v48;
	v12 =	vmin.f32 @!p1 v49, v47  }
0x15b: {  	v21 =	vld [tilespmem:$0x1FFC0];
	v15 =	vmin.f32 @!p1 v50, v51;
	v32 =	vmin.f32 @!p1 v52, v53;
	v9 =	vmin.f32 @!p1 v9, v13  }
0x15c: {  	v38 =	vld [tilespmem:s17+$0x8590];
	v2 =	vmin.f32 @!p1 v2, v56;
	v34 =	vmax.f32 @!p1 v31, v34;
	v13 =	vmax.f32 @!p1 v5, v12  }
0x15d: {  	v35 =	vld [tilespmem:s17+$0x8410];
	v5 =	vmin.f32 @!p1 v5, v12;
	v12 =	vmin.f32 @!p1 v54, v55;
	v33 =	vmax.f32 @!p1 v15, v32  }
0x15e: {  	v36 =	vld [tilespmem:s17+$0x8490];
	v15 =	vmin.f32 @!p1 v15, v32;
	v32 =	vmax.f32 @!p1 v13, v9;
	v9 =	vmin.f32 @!p1 v13, v9  }
0x15f: {  	v14 =	vld [tilespmem:$0x1FF50];
	v13 =	vmax.f32 @!p1 v33, v12;
	v12 =	vmin.f32 @!p1 v33, v12;
	v37 =	vmax.f32 @!p1 v5, v15  }
0x160: {  	v16 =	vld [tilespmem:$0x1FF40];
	v33 =	vmax.f32 @!p1 v32, v13;
	v13 =	vmin.f32 @!p1 v32, v13;
	v32 =	vmax.f32 @!p1 v9, v12  }
0x161: {  	v17 =	vld [tilespmem:$0x1FFB0];
	v5 =	vmin.f32 @!p1 v5, v15;
	v9 =	vmin.f32 @!p1 v9, v12;
	v15 =	vmax.f32 @!p1 v32, v2  }
0x162: {  	v40 =	vld [tilespmem:s17+$0x8690];
	v2 =	vmin.f32 @!p1 v32, v2;
	v32 =	vmax.f32 @!p1 v37, v13;
	v13 =	vmin.f32 @!p1 v37, v13  }
0x163: {  	v41 =	vld [tilespmem:s17+$0x8790];
	v39 =	vmax.f32 @!p1 v33, v15;
	v15 =	vmin.f32 @!p1 v33, v15;
	v33 =	vmax.f32 @!p1 v32, v2  }
0x164: {  	v12 =	vld [tilespmem:s17+$0x8510];
	v2 =	vmin.f32 @!p1 v32, v2;
	v32 =	vmax.f32 @!p1 v13, v9;
	v9 =	vmin.f32 @!p1 v13, v9  }
0x165: {  	v48 =	vmax.f32 v35, v36;
	v5 =	vmax.f32 @!p1 v22, v5;
	v37 =	vld [tilespmem:s17+$0x8610];
	v9 =	vmax.f32 @!p1 v19, v9  }
0x166: {  	v13 =	vld [tilespmem:s17+$0x8710];
	v32 =	vmax.f32 @!p1 v14, v32;
	v2 =	vmax.f32 @!p1 v16, v2;
	v33 =	vmax.f32 @!p1 v21, v33  }
0x167: {  	v7 =	vld [tilespmem:$0x1FF90];
	v15 =	vmax.f32 @!p1 v17, v15;
	v39 =	vmax.f32 @!p1 v29, v39;
	v42 =	vmin.f32 @!p1 v5, v33  }
0x168: {  	v43 =	vmin.f32 @!p1 v9, v15;
	v44 =	vmin.f32 @!p1 v32, v39;
	v45 =	vmin.f32 @!p1 v2, v34  }
0x169: {  	v46 =	vmin.f32 @!p1 v42, v44;
	v47 =	vmin.f32 @!p1 v43, v45;
	v49 =	vmax.f32 v12, v38  }
0x16a: {  	v50 =	vmax.f32 v37, v40;
	v52 =	vmin.f32 @!p1 v46, v47;
	v53 =	vmax.f32 v48, v49  }
0x16b: {  	v51 =	vmax.f32 v13, v41;
	v31 =	vpsel p1, v31, v52;
	v52 =	vmax.f32 @!p0 v6, v10  }
0x16c: {  	[tilespmem:$0x1FF90] =	vst v7;
	v7 =	vld [tilespmem:$0x1FF70];
	v6 =	vmin.f32 @!p0 v6, v10;
	v10 =	vmax.f32 @!p0 v11, v3;
	v54 =	vmax.f32 v50, v51  }
0x16d: {  	v3 =	vmin.f32 @!p0 v11, v3;
	v11 =	vmax.f32 @!p0 v8, v52;
	v55 =	vmax.f32 v53, v54  }
0x16e: {  	v8 =	vmin.f32 @!p0 v8, v52;
	v52 =	vmax.f32 @!p0 v0, v4;
	vm11 =	vgt.f32 v55, v31  }
0x16f: {  	v58 =	vld [tilespmem:s17+$0x80A0];
	v0 =	vmin.f32 @!p0 v0, v4;
	v59 =	vmax.f32 @!p0 v1, v6;
	v60 =	vmpcnt.ones.xlane vm11  }
0x170: {  	v56 =	vld [tilespmem:s17+$0x8020];
	v1 =	vmin.f32 @!p0 v1, v6;
	v57 =	vmax.f32 @!p0 v10, v11;
	v10 =	vmin.f32 @!p0 v10, v11  }
0x171: {  	[tilespmem:$0x1FF70] =	vst v7;
	v4 =	vld [tilespmem:s17+$0x8120];
	v11 =	vmax.f32 @!p0 v3, v8;
	v3 =	vmin.f32 @!p0 v3, v8;
	(v2sf) =	vpush v60, $0x0  }
0x172: {  	v7 =	vmovc v61;
	v6 =	vld [tilespmem:s17+$0x81A0];
	v61 =	vmax.f32 @!p0 v0, v1;
	v0 =	vmin.f32 @!p0 v0, v1;
	v1 =	vpsel p0, v28, v57  }
0x173: {  	v8 =	vmax.f32 @!p0 v52, v59;
	v52 =	vmin.f32 @!p0 v52, v59;
	v59 =	vld [tilespmem:s17+$0x82A0];
	v10 =	vpsel p0, v27, v10;
	[tilespmem:$0x1FFF0] =	vst v1  }
0x174: {  	v3 =	vpsel p0, v25, v3;
	v1 =	vld [tilespmem:s17+$0x8320];
	[tilespmem:$0x1FFE0] =	vst v10  }
0x175: {  	v8 =	vpsel p0, v24, v8;
	[tilespmem:$0x1FF00] =	vst v3;
	v3 =	vld [tilespmem:s17+$0x83A0]  }
0x176: {  	v2 =	vmax.f32 @!p1 v2, v34;
	v34 =	vmax.f32 @!p1 v43, v45;
	v10 =	vpsel p0, v26, v11;
	[tilespmem:$0x1FF30] =	vst v8;
	v60 =	vld [tilespmem:s17+$0x8220]  }
0x177: {  	v27 =	vpsel p0, v30, v0;
	v0 =	vmax.f32 @!p1 v5, v33;
	v8 =	vpsel p0, v23, v52;
	[tilespmem:$0x1FFD0] =	vst v10  }
0x178: {  	v5 =	vmax.f32 @!p1 v32, v39;
	[tilespmem:$0x1FF20] =	vst v8;
	v8 =	vpsel p0, v20, v61;
	v10 =	vmax.f32 v56, v58  }
0x179: {  	[tilespmem:$0x1FF10] =	vst v8;
	v8 =	vmax.f32 @!p1 v9, v15;
	v9 =	vmax.f32 @!p1 v0, v5;
	v0 =	vmin.f32 @!p1 v0, v5  }
0x17a: {  	v11 =	vmax.f32 v4, v6;
	v15 =	vmax.f32 @!p1 v42, v44;
	v44 =	vmax.f32 @!p1 v46, v47  }
0x17b: {  	v5 =	vmax.f32 @!p1 v8, v2;
	v32 =	vmax.f32 v1, v3;
	v20 =	vmax.f32 v60, v59  }
0x17c: {  	v2 =	vmin.f32 @!p1 v8, v2;
	v8 =	vmax.f32 v10, v11;
	v33 =	vmax.f32 v20, v32  }
0x17d: {  	v43 =	vmax.f32 @!p1 v15, v34;
	v34 =	vmin.f32 @!p1 v15, v34;
	v39 =	vmax.f32 v8, v33  }
0x17e: {  	v42 =	vmax.f32 @!p1 v9, v5;
	v5 =	vmin.f32 @!p1 v9, v5;
	vm12 =	vgt.f32 v39, v63  }
0x17f: {  	v9 =	vmax.f32 @!p1 v0, v2;
	v0 =	vmin.f32 @!p1 v0, v2;
	v2 =	vmpcnt.ones.xlane vm12  }
0x180: {  	v21 =	vpsel p1, v21, v43;
	v17 =	vpsel p1, v17, v34;
	v22 =	vpsel p1, v22, v42;
	s26 =	spop (v2sf)  }
0x181: {  	v19 =	vpsel p1, v19, v5;
	v15 =	vpsel p1, v14, v9;
	(v2sf) =	vpush v2, $0x0;
	p0 =	slt.s32 s26, $0x1  }
0x182: {  	[tilespmem:$0x1FE40] =	vst v18;
	v18 =	vpsel p1, v16, v0;
	v16 =	vpsel p1, v29, v44;
	v0 =	vmin.f32 @!p0 v35, v36  }
0x183: {  	v2 =	vmin.f32 @!p0 v12, v38;
	v5 =	vmin.f32 @!p0 v37, v40;
	v9 =	vmin.f32 @!p0 v13, v41  }
0x184: {  	v12 =	vmin.f32 @!p0 v48, v49;
	v13 =	vmax.f32 @!p0 v0, v2;
	v0 =	vmin.f32 @!p0 v0, v2  }
0x185: {  	v37 =	vld [tilespmem:s17+$0x8520];
	v2 =	vmin.f32 @!p0 v50, v51;
	v34 =	vmax.f32 @!p0 v5, v9;
	v5 =	vmin.f32 @!p0 v5, v9  }
0x186: {  	v38 =	vld [tilespmem:s17+$0x85A0];
	v9 =	vmax.f32 @!p0 v13, v12;
	v12 =	vmin.f32 @!p0 v13, v12;
	v13 =	vmax.f32 @!p0 v34, v2  }
0x187: {  	v40 =	vld [tilespmem:s17+$0x8620];
	v2 =	vmin.f32 @!p0 v34, v2;
	v34 =	vmin.f32 @!p0 v53, v54;
	v35 =	vmax.f32 @!p0 v9, v13  }
0x188: {  	v41 =	vld [tilespmem:s17+$0x86A0];
	v9 =	vmin.f32 @!p0 v9, v13;
	v13 =	vmax.f32 @!p0 v12, v2;
	v2 =	vmin.f32 @!p0 v12, v2  }
0x189: {  	v12 =	vmax.f32 @!p0 v0, v5;
	v0 =	vmin.f32 @!p0 v0, v5;
	v5 =	vmax.f32 @!p0 v13, v34  }
0x18a: {  	v13 =	vmin.f32 @!p0 v13, v34;
	v34 =	vmax.f32 @!p0 v12, v9;
	v9 =	vmin.f32 @!p0 v12, v9  }
0x18b: {  	v0 =	vmax.f32 @!p0 v22, v0;
	v12 =	vmax.f32 @!p0 v35, v5;
	v5 =	vmin.f32 @!p0 v35, v5  }
0x18c: {  	v35 =	vmax.f32 @!p0 v34, v13;
	v13 =	vmin.f32 @!p0 v34, v13;
	v34 =	vmax.f32 @!p0 v9, v2  }
0x18d: {  	v2 =	vmin.f32 @!p0 v9, v2;
	v51 =	vmax.f32 v37, v38;
	v52 =	vmax.f32 v40, v41  }
0x18e: {  	v2 =	vmax.f32 @!p0 v19, v2;
	v9 =	vmax.f32 @!p0 v15, v34;
	v13 =	vmax.f32 @!p0 v18, v13  }
0x18f: {  	v34 =	vmax.f32 @!p0 v21, v35;
	v5 =	vmax.f32 @!p0 v17, v5;
	v12 =	vmax.f32 @!p0 v16, v12  }
0x190: {  	v35 =	vmax.f32 @!p0 v31, v55;
	v36 =	vmax.f32 @!p0 v0, v34;
	v0 =	vmin.f32 @!p0 v0, v34;
	s28 =	spop (v2sf)  }
0x191: {  	v34 =	vmax.f32 @!p0 v2, v5;
	v2 =	vmin.f32 @!p0 v2, v5;
	v5 =	vmax.f32 @!p0 v9, v12;
	p1 =	slt.s32 s28, $0x1  }
0x192: {  	v9 =	vmin.f32 @!p0 v9, v12;
	v12 =	vmin.f32 @!p1 v56, v58;
	v4 =	vmin.f32 @!p1 v4, v6  }
0x193: {  	v6 =	vmin.f32 @!p1 v60, v59;
	v1 =	vmin.f32 @!p1 v1, v3;
	v3 =	vmin.f32 @!p1 v10, v11  }
0x194: {  	v11 =	vmin.f32 @!p1 v20, v32;
	v8 =	vmin.f32 @!p1 v8, v33;
	v39 =	vmax.f32 @!p1 v63, v39  }
0x195: {  	v30 =	vld [tilespmem:$0x1FF90];
	v58 =	vmax.f32 @!p0 v13, v35;
	v13 =	vmin.f32 @!p0 v13, v35;
	v10 =	vmax.f32 @!p1 v12, v4  }
0x196: {  	v28 =	vld [tilespmem:$0x1FE80];
	v4 =	vmin.f32 @!p1 v12, v4;
	v12 =	vmax.f32 @!p1 v6, v1;
	v1 =	vmin.f32 @!p1 v6, v1  }
0x197: {  	v26 =	vld [tilespmem:$0x1FF60];
	v6 =	vmax.f32 @!p1 v10, v3;
	v3 =	vmin.f32 @!p1 v10, v3;
	v10 =	vmax.f32 @!p1 v12, v11  }
0x198: {  	v20 =	vld [tilespmem:s17+$0x8420];
	v35 =	vmax.f32 @!p0 v36, v5;
	v11 =	vmin.f32 @!p1 v12, v11;
	v12 =	vmax.f32 @!p1 v6, v10  }
0x199: {  	v33 =	vld [tilespmem:s17+$0x84A0];
	v6 =	vmin.f32 @!p1 v6, v10;
	v10 =	vmax.f32 @!p1 v3, v11;
	v3 =	vmin.f32 @!p1 v3, v11  }
0x19a: {  	v23 =	vld [tilespmem:$0x1FE70];
	v11 =	vmax.f32 @!p1 v4, v1;
	v1 =	vmin.f32 @!p1 v4, v1;
	v4 =	vmax.f32 @!p1 v10, v8  }
0x19b: {  	v14 =	vld [tilespmem:$0x1FF80];
	v8 =	vmin.f32 @!p1 v10, v8;
	v10 =	vmax.f32 @!p1 v11, v6;
	v6 =	vmin.f32 @!p1 v11, v6  }
0x19c: {  	v42 =	vld [tilespmem:s17+$0x87A0];
	v11 =	vmax.f32 @!p1 v12, v4;
	v4 =	vmin.f32 @!p1 v12, v4;
	v12 =	vmax.f32 @!p1 v10, v8  }
0x19d: {  	v8 =	vmin.f32 @!p1 v10, v8;
	v10 =	vmax.f32 @!p1 v6, v3;
	v3 =	vmin.f32 @!p1 v6, v3;
	v6 =	vld [tilespmem:s17+$0x8720]  }
0x19e: {  	v1 =	vmax.f32 @!p1 v30, v1;
	v49 =	vmax.f32 v20, v33;
	v3 =	vmax.f32 @!p1 v26, v3  }
0x19f: {  	v10 =	vmax.f32 @!p1 v7, v10;
	v8 =	vmax.f32 @!p1 v23, v8;
	v12 =	vmax.f32 @!p1 v28, v12  }
0x1a0: {  	v4 =	vmax.f32 @!p1 v14, v4;
	v11 =	vmax.f32 @!p1 v62, v11;
	v43 =	vmin.f32 @!p1 v1, v12  }
0x1a1: {  	v44 =	vmin.f32 @!p1 v3, v4;
	v45 =	vmin.f32 @!p1 v10, v11;
	v46 =	vmin.f32 @!p1 v8, v39  }
0x1a2: {  	v57 =	vld [tilespmem:s17+$0x8130];
	v47 =	vmin.f32 @!p1 v43, v45;
	v48 =	vmin.f32 @!p1 v44, v46;
	v53 =	vmax.f32 v6, v42  }
0x1a3: {  	v25 =	vld [tilespmem:s17+$0x8330];
	v55 =	vmax.f32 v49, v51;
	v32 =	vmin.f32 @!p1 v47, v48;
	v56 =	vmax.f32 v52, v53  }
0x1a4: {  	v50 =	vld [tilespmem:s17+$0x8030];
	v5 =	vmin.f32 @!p0 v36, v5;
	v29 =	vpsel p1, v63, v32;
	v32 =	vmax.f32 v55, v56  }
0x1a5: {  	v54 =	vld [tilespmem:s17+$0x80B0];
	v36 =	vmax.f32 @!p0 v34, v58;
	v34 =	vmin.f32 @!p0 v34, v58;
	vm13 =	vgt.f32 v32, v29  }
0x1a6: {  	v59 =	vld [tilespmem:s17+$0x81B0];
	v58 =	vmax.f32 @!p0 v0, v9;
	v0 =	vmin.f32 @!p0 v0, v9;
	v61 =	vmpcnt.ones.xlane vm13  }
0x1a7: {  	v60 =	vld [tilespmem:s17+$0x8230];
	v9 =	vmax.f32 @!p0 v2, v13;
	v2 =	vmin.f32 @!p0 v2, v13;
	v13 =	vmax.f32 @!p0 v35, v36  }
0x1a8: {  	v24 =	vmovc v62;
	v35 =	vmin.f32 @!p0 v35, v36;
	v36 =	vmax.f32 @!p0 v5, v34;
	v62 =	vld [tilespmem:s17+$0x82B0];
	(v2sf) =	vpush v61, $0x0  }
0x1a9: {  	v5 =	vmin.f32 @!p0 v5, v34;
	v34 =	vmax.f32 @!p0 v58, v9;
	v9 =	vmin.f32 @!p0 v58, v9;
	v61 =	vld [tilespmem:s17+$0x83B0]  }
0x1aa: {  	v58 =	vmax.f32 @!p0 v0, v2;
	v0 =	vmin.f32 @!p0 v0, v2;
	v2 =	vpsel p0, v22, v13  }
0x1ab: {  	v9 =	vpsel p0, v17, v9;
	[tilespmem:$0x1FE50] =	vst v2  }
0x1ac: {  	v2 =	vpsel p0, v15, v36;
	[tilespmem:$0x1FFB0] =	vst v9;
	v9 =	vpsel p0, v16, v58;
	v58 =	vld [tilespmem:$0x1FF70]  }
0x1ad: {  	v22 =	vpsel p0, v19, v35;
	v5 =	vpsel p0, v18, v5;
	[tilespmem:$0x1FF50] =	vst v2;
	v2 =	vmax.f32 v50, v54  }
0x1ae: {  	v15 =	vmax.f32 v57, v59;
	v35 =	vmax.f32 v60, v62;
	v36 =	vmax.f32 v25, v61  }
0x1af: {  	v13 =	vpsel p0, v21, v34;
	[tilespmem:$0x1FF40] =	vst v5;
	v5 =	vmax.f32 v2, v15;
	v18 =	vmax.f32 v35, v36  }
0x1b0: {  	v31 =	vpsel p0, v31, v0;
	v0 =	vmax.f32 @!p1 v1, v12;
	v34 =	vmax.f32 v5, v18  }
0x1b1: {  	v1 =	vmax.f32 @!p1 v10, v11;
	v3 =	vmax.f32 @!p1 v3, v4;
	vm14 =	vgt.f32 v34, v58  }
0x1b2: {  	[tilespmem:$0x1FFA0] =	vst v9;
	v4 =	vmax.f32 @!p1 v8, v39;
	v8 =	vmax.f32 @!p1 v0, v1;
	v9 =	vmpcnt.ones.xlane vm14  }
0x1b3: {  	v0 =	vmin.f32 @!p1 v0, v1;
	v1 =	vmax.f32 @!p1 v3, v4;
	v3 =	vmin.f32 @!p1 v3, v4  }
0x1b4: {  	v4 =	vmax.f32 @!p1 v43, v45;
	v10 =	vmax.f32 @!p1 v8, v1;
	(v2sf) =	vpush v9, $0x0  }
0x1b5: {  	[tilespmem:$0x1FFC0] =	vst v13;
	v1 =	vmin.f32 @!p1 v8, v1;
	v8 =	vmax.f32 @!p1 v0, v3;
	v0 =	vmin.f32 @!p1 v0, v3  }
0x1b6: {  	v39 =	vmax.f32 @!p1 v47, v48;
	v63 =	vmovc v14;
	v14 =	vpsel p1, v30, v10;
	v13 =	vpsel p1, v26, v1  }
0x1b7: {  	v12 =	vpsel p1, v7, v8;
	v11 =	vpsel p1, v23, v0;
	v9 =	vmax.f32 @!p1 v44, v46;
	s29 =	spop (v2sf)  }
0x1b8: {  	v45 =	vld [tilespmem:s17+$0x87B0];
	v8 =	vpsel p1, v24, v39;
	v3 =	vmax.f32 @!p1 v4, v9;
	v4 =	vmin.f32 @!p1 v4, v9;
	p0 =	slt.s32 s29, $0x1  }
0x1b9: {  	v44 =	vld [tilespmem:s17+$0x8730];
	v10 =	vpsel p1, v28, v3;
	v9 =	vpsel p1, v63, v4;
	v0 =	vmin.f32 @!p0 v20, v33  }
0x1ba: {  	v1 =	vmin.f32 @!p0 v37, v38;
	v3 =	vmin.f32 @!p0 v40, v41;
	v4 =	vmin.f32 @!p0 v6, v42  }
0x1bb: {  	v6 =	vmin.f32 @!p0 v49, v51;
	v20 =	vmax.f32 @!p0 v0, v1;
	v0 =	vmin.f32 @!p0 v0, v1  }
0x1bc: {  	v1 =	vmin.f32 @!p0 v52, v53;
	v33 =	vmax.f32 @!p0 v3, v4;
	v3 =	vmin.f32 @!p0 v3, v4  }
0x1bd: {  	v4 =	vmax.f32 @!p0 v20, v6;
	v6 =	vmin.f32 @!p0 v20, v6;
	v20 =	vmax.f32 @!p0 v33, v1  }
0x1be: {  	v1 =	vmin.f32 @!p0 v33, v1;
	v33 =	vmin.f32 @!p0 v55, v56;
	v56 =	vmax.f32 v44, v45  }
0x1bf: {  	v37 =	vmax.f32 @!p0 v4, v20;
	v4 =	vmin.f32 @!p0 v4, v20;
	v20 =	vmax.f32 @!p0 v6, v1  }
0x1c0: {  	v1 =	vmin.f32 @!p0 v6, v1;
	v6 =	vmax.f32 @!p0 v0, v3;
	v0 =	vmin.f32 @!p0 v0, v3  }
0x1c1: {  	v3 =	vmax.f32 @!p0 v20, v33;
	v20 =	vmin.f32 @!p0 v20, v33;
	v33 =	vmax.f32 @!p0 v6, v4  }
0x1c2: {  	v4 =	vmin.f32 @!p0 v6, v4;
	v0 =	vmax.f32 @!p0 v14, v0;
	v6 =	vmax.f32 @!p0 v37, v3  }
0x1c3: {  	v3 =	vmin.f32 @!p0 v37, v3;
	v37 =	vmax.f32 @!p0 v33, v20;
	v20 =	vmin.f32 @!p0 v33, v20;
	s30 =	spop (v2sf)  }
0x1c4: {  	v19 =	vld [tilespmem:$0x1FEA0];
	v33 =	vmax.f32 @!p0 v4, v1;
	v1 =	vmin.f32 @!p0 v4, v1;
	v4 =	vmax.f32 @!p0 v10, v37;
	p1 =	slt.s32 s30, $0x1  }
0x1c5: {  	v21 =	vld [tilespmem:$0x1FEC0];
	v37 =	vmin.f32 @!p1 v50, v54;
	v38 =	vmin.f32 @!p1 v57, v59;
	v39 =	vmin.f32 @!p1 v60, v62  }
0x1c6: {  	v17 =	vld [tilespmem:$0x1FED0];
	v40 =	vmin.f32 @!p1 v25, v61;
	v2 =	vmin.f32 @!p1 v2, v15;
	v35 =	vmin.f32 @!p1 v35, v36  }
0x1c7: {  	v16 =	vld [tilespmem:$0x1FEE0];
	v5 =	vmin.f32 @!p1 v5, v18;
	v34 =	vmax.f32 @!p1 v58, v34;
	v50 =	vmax.f32 @!p0 v0, v4  }
0x1c8: {  	v43 =	vld [tilespmem:s17+$0x8630];
	v15 =	vmax.f32 @!p1 v37, v38;
	v37 =	vmin.f32 @!p1 v37, v38;
	v36 =	vmax.f32 @!p1 v39, v40  }
0x1c9: {  	v30 =	vmovc v27;
	v27 =	vld [tilespmem:$0x1FE40];
	v38 =	vmin.f32 @!p1 v39, v40;
	v39 =	vmax.f32 @!p1 v15, v2;
	v2 =	vmin.f32 @!p1 v15, v2  }
0x1ca: {  	v26 =	vld [tilespmem:$0x1FEB0];
	v15 =	vmax.f32 @!p1 v36, v35;
	v35 =	vmin.f32 @!p1 v36, v35;
	v40 =	vmax.f32 @!p1 v37, v38  }
0x1cb: {  	v63 =	vld [tilespmem:$0x1FEF0];
	v18 =	vmax.f32 @!p1 v39, v15;
	v15 =	vmin.f32 @!p1 v39, v15;
	v39 =	vmax.f32 @!p1 v2, v35  }
0x1cc: {  	v41 =	vld [tilespmem:s17+$0x8530];
	v37 =	vmin.f32 @!p1 v37, v38;
	v2 =	vmin.f32 @!p1 v2, v35;
	v38 =	vmax.f32 @!p1 v39, v5  }
0x1cd: {  	v36 =	vld [tilespmem:s17+$0x8430];
	v5 =	vmin.f32 @!p1 v39, v5;
	v39 =	vmax.f32 @!p1 v40, v15;
	v15 =	vmin.f32 @!p1 v40, v15  }
0x1ce: {  	v35 =	vld [tilespmem:s17+$0x84B0];
	v42 =	vmax.f32 @!p1 v18, v38;
	v18 =	vmin.f32 @!p1 v18, v38;
	v38 =	vmax.f32 @!p1 v39, v5  }
0x1cf: {  	v40 =	vld [tilespmem:s17+$0x85B0];
	v5 =	vmin.f32 @!p1 v39, v5;
	v39 =	vmax.f32 @!p1 v15, v2;
	v2 =	vmin.f32 @!p1 v15, v2  }
0x1d0: {  	v0 =	vmin.f32 @!p0 v0, v4;
	v37 =	vmax.f32 @!p1 v19, v37;
	v15 =	vld [tilespmem:s17+$0x86B0];
	v2 =	vmax.f32 @!p1 v27, v2  }
0x1d1: {  	v39 =	vmax.f32 @!p1 v26, v39;
	v5 =	vmax.f32 @!p1 v21, v5;
	v38 =	vmax.f32 @!p1 v17, v38  }
0x1d2: {  	v18 =	vmax.f32 @!p1 v16, v18;
	v42 =	vmax.f32 @!p1 v63, v42;
	v46 =	vmin.f32 @!p1 v37, v38  }
0x1d3: {  	v47 =	vmin.f32 @!p1 v2, v18;
	v48 =	vmin.f32 @!p1 v39, v42;
	v49 =	vmin.f32 @!p1 v5, v34  }
0x1d4: {  	v51 =	vmin.f32 @!p1 v46, v48;
	v52 =	vmin.f32 @!p1 v47, v49;
	v53 =	vmax.f32 v36, v35  }
0x1d5: {  	v4 =	vmin.f32 @!p1 v51, v52;
	v54 =	vmax.f32 v41, v40;
	v55 =	vmax.f32 v43, v15  }
0x1d6: {  	v7 =	vpsel p1, v58, v4;
	v4 =	vmax.f32 v53, v54;
	v57 =	vmax.f32 v55, v56  }
0x1d7: {  	v1 =	vmax.f32 @!p0 v13, v1;
	v3 =	vmax.f32 @!p0 v9, v3;
	v58 =	vmax.f32 v4, v57  }
0x1d8: {  	v6 =	vmax.f32 @!p0 v8, v6;
	v59 =	vmax.f32 @!p0 v1, v3;
	vm15 =	vgt.f32 v58, v7  }
0x1d9: {  	v1 =	vmin.f32 @!p0 v1, v3;
	v3 =	vmax.f32 @!p0 v12, v33;
	v33 =	vmpcnt.ones.xlane vm15  }
0x1da: {  	v32 =	vmax.f32 @!p0 v29, v32;
	v20 =	vmax.f32 @!p0 v11, v20;
	v60 =	vmax.f32 @!p0 v3, v6  }
0x1db: {  	v3 =	vmin.f32 @!p0 v3, v6;
	v6 =	vmax.f32 @!p0 v20, v32;
	(v2sf) =	vpush v33, $0x0  }
0x1dc: {  	v20 =	vmin.f32 @!p0 v20, v32;
	v32 =	vmax.f32 @!p0 v50, v60;
	v2 =	vmax.f32 @!p1 v2, v18  }
0x1dd: {  	v33 =	vmin.f32 @!p0 v50, v60;
	v50 =	vmax.f32 @!p0 v59, v6;
	v6 =	vmin.f32 @!p0 v59, v6  }
0x1de: {  	v59 =	vmax.f32 @!p0 v0, v3;
	v0 =	vmin.f32 @!p0 v0, v3;
	v3 =	vmax.f32 @!p0 v1, v20  }
0x1df: {  	v1 =	vmin.f32 @!p0 v1, v20;
	v20 =	vmax.f32 @!p0 v32, v50;
	v32 =	vmin.f32 @!p0 v32, v50  }
0x1e0: {  	v50 =	vmax.f32 @!p0 v33, v6;
	v6 =	vmin.f32 @!p0 v33, v6;
	v33 =	vmax.f32 @!p0 v59, v3  }
0x1e1: {  	v3 =	vmin.f32 @!p0 v59, v3;
	v59 =	vmax.f32 @!p0 v0, v1;
	v0 =	vmin.f32 @!p0 v0, v1  }
0x1e2: {  	v1 =	vpsel p0, v14, v20;
	v61 =	vpsel p0, v12, v50;
	v25 =	vpsel p0, v11, v6  }
0x1e3: {  	v24 =	vpsel p0, v10, v33;
	v62 =	vpsel p0, v8, v59;
	[tilespmem:$0x1FF90] =	vst v1;
	v1 =	vpsel p0, v13, v32  }
0x1e4: {  	v29 =	vpsel p0, v29, v0;
	v0 =	vmax.f32 @!p1 v37, v38;
	[tilespmem:$0x1FF60] =	vst v1;
	v1 =	vpsel p0, v9, v3  }
0x1e5: {  	v6 =	vmax.f32 @!p1 v47, v49;
	v3 =	vmax.f32 @!p1 v5, v34;
	[tilespmem:$0x1FF80] =	vst v1;
	v1 =	vmax.f32 @!p1 v39, v42  }
0x1e6: {  	v5 =	vmax.f32 @!p1 v0, v1;
	v0 =	vmin.f32 @!p1 v0, v1;
	v1 =	vmax.f32 @!p1 v2, v3  }
0x1e7: {  	v2 =	vmin.f32 @!p1 v2, v3;
	v3 =	vmax.f32 @!p1 v46, v48;
	v8 =	vmax.f32 @!p1 v5, v1  }
0x1e8: {  	v1 =	vmin.f32 @!p1 v5, v1;
	v5 =	vmax.f32 @!p1 v0, v2;
	v0 =	vmin.f32 @!p1 v0, v2  }
0x1e9: {  	v2 =	vmax.f32 @!p1 v3, v6;
	v3 =	vmin.f32 @!p1 v3, v6;
	v6 =	vmax.f32 @!p1 v51, v52  }
0x1ea: {  	v8 =	vpsel p1, v19, v8;
	v1 =	vpsel p1, v27, v1;
	v5 =	vpsel p1, v26, v5;
	s31 =	spop (v2sf)  }
0x1eb: {  	v0 =	vpsel p1, v21, v0;
	v2 =	vpsel p1, v17, v2;
	v3 =	vpsel p1, v16, v3;
	p0 =	slt.s32 s31, $0x1  }
0x1ec: {  	v6 =	vpsel p1, v63, v6;
	v9 =	vmin.f32 @!p0 v36, v35;
	v10 =	vmin.f32 @!p0 v41, v40  }
0x1ed: {  	v11 =	vmin.f32 @!p0 v43, v15;
	v12 =	vmin.f32 @!p0 v44, v45;
	v13 =	vmin.f32 @!p0 v53, v54  }
0x1ee: {  	v4 =	vmin.f32 @!p0 v4, v57;
	v15 =	vmax.f32 @!p0 v9, v10;
	v9 =	vmin.f32 @!p0 v9, v10  }
0x1ef: {  	v10 =	vmin.f32 @!p0 v55, v56;
	v18 =	vmax.f32 @!p0 v11, v12;
	v11 =	vmin.f32 @!p0 v11, v12  }
0x1f0: {  	v12 =	vmax.f32 @!p0 v15, v13;
	v13 =	vmin.f32 @!p0 v15, v13;
	v15 =	vmax.f32 @!p0 v18, v10  }
0x1f1: {  	v10 =	vmin.f32 @!p0 v18, v10;
	v18 =	vmax.f32 @!p0 v12, v15;
	v12 =	vmin.f32 @!p0 v12, v15  }
0x1f2: {  	v15 =	vmax.f32 @!p0 v13, v10;
	v10 =	vmin.f32 @!p0 v13, v10;
	v13 =	vmax.f32 @!p0 v9, v11  }
0x1f3: {  	v9 =	vmin.f32 @!p0 v9, v11;
	v11 =	vmax.f32 @!p0 v15, v4;
	v4 =	vmin.f32 @!p0 v15, v4  }
0x1f4: {  	v15 =	vmax.f32 @!p0 v13, v12;
	v12 =	vmin.f32 @!p0 v13, v12;
	v9 =	vmax.f32 @!p0 v8, v9  }
0x1f5: {  	v13 =	vmax.f32 @!p0 v18, v11;
	v11 =	vmin.f32 @!p0 v18, v11;
	v18 =	vmax.f32 @!p0 v15, v4  }
0x1f6: {  	v4 =	vmin.f32 @!p0 v15, v4;
	v15 =	vmax.f32 @!p0 v12, v10;
	v10 =	vmin.f32 @!p0 v12, v10  }
0x1f7: {  	v10 =	vmax.f32 @!p0 v1, v10;
	v12 =	vmax.f32 @!p0 v5, v15;
	v4 =	vmax.f32 @!p0 v0, v4  }
0x1f8: {  	v15 =	vmax.f32 @!p0 v2, v18;
	v11 =	vmax.f32 @!p0 v3, v11;
	v13 =	vmax.f32 @!p0 v6, v13  }
0x1f9: {  	v18 =	vmax.f32 @!p0 v7, v58;
	v20 =	vmax.f32 @!p0 v9, v15;
	v9 =	vmin.f32 @!p0 v9, v15  }
0x1fa: {  	v15 =	vmax.f32 @!p0 v10, v11;
	v10 =	vmin.f32 @!p0 v10, v11;
	v11 =	vmax.f32 @!p0 v12, v13  }
0x1fb: {  	v12 =	vmin.f32 @!p0 v12, v13;
	v13 =	vmax.f32 @!p0 v4, v18;
	v4 =	vmin.f32 @!p0 v4, v18  }
0x1fc: {  	v18 =	vmax.f32 @!p0 v20, v11;
	v11 =	vmin.f32 @!p0 v20, v11;
	v20 =	vmax.f32 @!p0 v15, v13  }
0x1fd: {  	s16 =	sadd.s32 $0x2000, s16;
	v13 =	vmin.f32 @!p0 v15, v13;
	v15 =	vmax.f32 @!p0 v9, v12;
	v9 =	vmin.f32 @!p0 v9, v12  }
0x1fe: {  	p1 =	sne.s32 s16, $0x20000;
	v12 =	vmax.f32 @!p0 v10, v4;
	v4 =	vmin.f32 @!p0 v10, v4;
	v10 =	vmax.f32 @!p0 v18, v20  }
.Ltmp1:
0x1ff: {  	v60 =	vld [tilespmem:$0x1FF00];
	v18 =	vmin.f32 @!p0 v18, v20;
	v20 =	vmax.f32 @!p0 v11, v13;
	v11 =	vmin.f32 @!p0 v11, v13;
	(pc) =	sbr.rel @p1 .LBB2_5-.Ltmp1, $4  }
0x200: {  	v59 =	vld [tilespmem:$0x1FF30];
	v13 =	vmax.f32 @!p0 v15, v12;
	v12 =	vmin.f32 @!p0 v15, v12;
	v15 =	vmax.f32 @!p0 v9, v4  }
0x201: {  	v19 =	vmovc v22;
	v22 =	vld [tilespmem:$0x1FE50];
	v4 =	vmin.f32 @!p0 v9, v4;
	v14 =	vpsel p0, v8, v10;
	v18 =	vpsel p0, v1, v18  }
0x202: {  	v57 =	vld [tilespmem:$0x1FF10];
	v9 =	vpsel p0, v5, v20;
	v1 =	vpsel p0, v3, v12;
	v3 =	vpsel p0, v7, v4  }
0x203: {  	v58 =	vld [tilespmem:$0x1FF20];
	v8 =	vpsel p0, v0, v11;
	v2 =	vpsel p0, v2, v13;
	v0 =	vpsel p0, v6, v15;
	[tilespmem:$0x1FF70] =	vst v3  }
0x204: {  	s15 =	sadd.s32 $0x1, s15  }
0x205: {  	p0 =	sne.s32 s15, $0x40  }
.Ltmp2:
0x206: {  	v5 =	vld [tilespmem:$0x1FF40];
	(pc) =	sbr.rel @p0 .LBB2_2-.Ltmp2, $2  }
0x207: {  	v4 =	vld [tilespmem:$0x1FF50]  }
0x208: {  	v3 =	vld [tilespmem:$0x1FF60];
	_ =	sdelay $0x2  }
0x209: {  	[tilespmem:$0x10180] =	vst v60  }
0x20a: {  	[tilespmem:$0x10200] =	vst v59  }
0x20b: {  	[tilespmem:$0x10280] =	vst v58  }
0x20c: {  	[tilespmem:$0x10300] =	vst v57  }
0x20d: {  	[tilespmem:$0x10380] =	vst v30  }
0x20e: {  	[tilespmem:$0x10010] =	vst v22  }
0x20f: {  	[tilespmem:$0x10090] =	vst v19  }
0x210: {  	[tilespmem:$0x10190] =	vst v5  }
0x211: {  	[tilespmem:$0x10390] =	vst v31  }
0x212: {  	[tilespmem:$0x10120] =	vst v61  }
0x213: {  	[tilespmem:$0x101A0] =	vst v25  }
0x214: {  	[tilespmem:$0x10220] =	vst v24  }
0x215: {  	[tilespmem:$0x10320] =	vst v62  }
0x216: {  	[tilespmem:$0x103A0] =	vst v29  }
0x217: {  	[tilespmem:$0x10030] =	vst v14  }
0x218: {  	[tilespmem:$0x100B0] =	vst v18  }
0x219: {  	[tilespmem:$0x10130] =	vst v9  }
0x21a: {  	[tilespmem:$0x101B0] =	vst v8  }
0x21b: {  	v6 =	vld [tilespmem:$0x1FFF0];
	[tilespmem:$0x10230] =	vst v2  }
0x21c: {  	v55 =	vld [tilespmem:$0x1FFE0];
	[tilespmem:$0x102B0] =	vst v1  }
0x21d: {  	v56 =	vld [tilespmem:$0x1FFD0];
	[tilespmem:$0x10330] =	vst v0  }
0x21e: {  	v57 =	vld [tilespmem:$0x1FFC0];
	[tilespmem:$0x10110] =	vst v4  }
0x21f: {  	v58 =	vld [tilespmem:$0x1FFB0];
	[tilespmem:$0x100A0] =	vst v3  }
0x220: {  	v59 =	vld [tilespmem:$0x1FFA0];
	[tilespmem:$0x10000] =	vst v6  }
0x221: {  	v60 =	vld [tilespmem:$0x1FF90];
	[tilespmem:$0x10080] =	vst v55  }
0x222: {  	v61 =	vld [tilespmem:$0x1FF80];
	[tilespmem:$0x10100] =	vst v56  }
0x223: {  	v63 =	vld [tilespmem:$0x1FF70];
	[tilespmem:$0x10210] =	vst v57  }
0x224: {  	[tilespmem:$0x10290] =	vst v58  }
0x225: {  	[tilespmem:$0x10310] =	vst v59  }
0x226: {  	s14 =	sadd.s32 $0x1, s14;
	[tilespmem:$0x10020] =	vst v60  }
0x227: {  	p0 =	sne.s32 s14, s8;
	[tilespmem:$0x102A0] =	vst v61  }
.Ltmp3:
0x228: {  	[tilespmem:$0x103B0] =	vst v63;
	(pc) =	sbr.rel @p0 .LBB2_1-.Ltmp3, $4  }
0x229: {  	[hbm4b:s7+s2] =	stream.linear.scatter [tilespmem:s12], [sflag:$0x3], $0x400, $0x38;
	[tilespmem:$0x10400] =	vst v63  }
0x22a: {  	_ =	swait.ge [sflag:s13], $0x400  }
0x22b: {  	[sflag:s13] =	ssyncset.done $0x0  }
0x22c: {  	[sflag:s13] =	ssyncadd.s32 $0xFFFFFC00  }
0x22d: {  	_ =	sfence.sel $0x180000  }
0x22e: {  	[bflag:$0x0] =	sbarrier.arrive $0xFFFF  }
0x22f: {  	p0 =	sne.s32 s1, $0x0;
	_ =	strace $0x90000047  }
0x230: {  	s0 =	sadd.s32 @!p0 $0x100000, s0;
	[bflag:$0x2] =	sbarrier.arrive $0xFFFF  }
0x231: {  	[sflag:s0] =	ssyncadd.tile.s32 @!p0 $0x1;
	_ =	shalt  }
.Lfunc_end2:
_tile_overlayer_lowered:
.L_overlay_start_2:
0x232: {  	(tag) =	ssettag $0x2  }
0x233: {  	s0 =	rddreg [dreg:$0x0];
	s2 =	stileid.u32  }
0x234: {  	s1 =	rddreg [dreg:$0x1];
	p0 =	sne.s32 s2, $0x0  }
0x235: {  	s3 =	rddreg [dreg:$0x2];
	[bflag:$0x3] =	sbarrier.arrive $0xFFFF;
	s2 =	simm.s32 @!p0 $0x1C03  }
0x236: {  	[timem:s3], [sflag:s2] =	dma.local @!p0 [hbm:s0], s1  }
0x237: {  	s0 =	simm.s32 @!p0 $0x3  }
0x238: {  	_ =	swait.ge @!p0 [sflag:s0], s1  }
0x239: {  	s1 =	ssub.s32 @!p0 $0x0, s1;
	[sflag:s0] =	ssyncset.done @!p0 $0x0  }
0x23a: {  	[sflag:s0] =	ssyncadd.s32 @!p0 s1  }
0x23b: {  	[bflag:$0x3] =	sbarrier.arrive $0xFFFF  }
0x23c: {  	_ =	shalt  }

</sc_bundles>
